<compile_context>
chip_gen: v7x
topology: tpu7x:2x2x1
jax: 0.10.2.dev20260603
libtpu: 0.0.44.dev20260713+nightly
codegen_flags: <defaults>
</compile_context>

<pallas_src>
import functools

import jax
import jax.numpy as jnp
from jax import lax
from jax.experimental import pallas as pl
from jax.experimental.pallas import tpu as pltpu
from jax.experimental.pallas import tpu_sc as plsc

_NC = 2
_NS = 16
_L = 16


def _edge_embed_body(ef_ref, wet_ref, be_ref, out_ref):
    out_ref[...] = (
        jnp.dot(ef_ref[...], wet_ref[...], preferred_element_type=jnp.float32)
        + be_ref[...]
    )


def _edge_embed(ef, WeT, be, block_e):
    E, ED = ef.shape
    D = WeT.shape[1]
    grid = (E // block_e,)
    return pl.pallas_call(
        _edge_embed_body,
        grid=grid,
        in_specs=[
            pl.BlockSpec((block_e, ED), lambda i: (i, 0)),
            pl.BlockSpec((ED, D), lambda i: (0, 0)),
            pl.BlockSpec((1, D), lambda i: (0, 0)),
        ],
        out_specs=pl.BlockSpec((block_e, D), lambda i: (i, 0)),
        out_shape=jax.ShapeDtypeStruct((E, D), jnp.float32),
    )(ef, WeT, be.reshape(1, D))


def _sc_aggregate(em, src, dst, edge_emb, chunk):
    N, D = em.shape
    E = src.shape[0]
    nw = _NC * _NS
    epw = E // nw
    nchunk = epw // chunk
    zrows = chunk
    npad = -(-N // (_NS * zrows)) * _NS * zrows
    rows_per_sub = npad // _NS
    nz = rows_per_sub // zrows
    mesh = plsc.VectorSubcoreMesh(core_axis_name="c", subcore_axis_name="s")

    @functools.partial(
        pl.kernel,
        out_type=jax.ShapeDtypeStruct((_NC, npad, D), jnp.float32),
        mesh=mesh,
        scratch_types=[
            pltpu.VMEM((epw,), jnp.int32),
            pltpu.VMEM((chunk,), jnp.int32),
            pltpu.VMEM((chunk,), jnp.int32),
            pltpu.VMEM((chunk, D), jnp.float32),
            pltpu.VMEM((chunk, D), jnp.float32),
            pltpu.VMEM((chunk, D), jnp.float32),
            pltpu.VMEM((chunk, D), jnp.float32),
            pltpu.VMEM_SHARED((npad, D), jnp.float32),
            pltpu.SemaphoreType.DMA,
            pltpu.SemaphoreType.DMA,
            pltpu.SemaphoreType.DMA,
            pltpu.SemaphoreType.DMA,
            pltpu.SemaphoreType.DMA,
            pltpu.SemaphoreType.DMA,
        ],
    )
    def k(em_hbm, src_hbm1, dst_hbm1, emb_hbm, out_hbm,
          srcs_v, didx0, didx1, rows0, rows1, emb0, emb1, aggr_sh,
          sg0, sg1, se0, se1, sd0, sd1):
        cid = lax.axis_index("c")
        sid = lax.axis_index("s")
        wid = cid * _NS + sid
        base_w = wid * epw

        pltpu.sync_copy(src_hbm1.at[pl.ds(base_w, epw)], srcs_v)

        zero = jnp.zeros((_L,), jnp.float32)

        def zrow_body(j, _):
            for kk in range(D // _L):
                rows0[j, pl.ds(kk * _L, _L)] = zero
            return 0

        lax.fori_loop(0, zrows, zrow_body, 0)

        def zcopy_body(j, _):
            pltpu.sync_copy(
                rows0,
                aggr_sh.at[pl.ds(sid * rows_per_sub + j * zrows, zrows)],
            )
            return 0

        lax.fori_loop(0, nz, zcopy_body, 0)
        plsc.subcore_barrier()

        rows = [rows0, rows1]
        embs = [emb0, emb1]
        didx = [didx0, didx1]
        sg = [sg0, sg1]
        se = [se0, se1]
        sd = [sd0, sd1]

        def start(j, b):
            pltpu.async_copy(
                em_hbm.at[srcs_v.at[pl.ds(j * chunk, chunk)]], rows[b], sg[b])
            pltpu.async_copy(
                emb_hbm.at[pl.ds(base_w + j * chunk, chunk)], embs[b], se[b])

        def finish(j, b):
            pltpu.make_async_copy(
                em_hbm.at[srcs_v.at[pl.ds(j * chunk, chunk)]], rows[b], sg[b]).wait()
            pltpu.make_async_copy(
                emb_hbm.at[pl.ds(base_w + j * chunk, chunk)], embs[b], se[b]).wait()
            pltpu.sync_copy(
                dst_hbm1.at[pl.ds(base_w + j * chunk, chunk)], didx[b])

            def erow(r, _):
                for kk in range(D // _L):
                    sl = pl.ds(kk * _L, _L)
                    rows[b][r, sl] = jnp.maximum(rows[b][r, sl] + embs[b][r, sl], 0.0)
                return 0

            lax.fori_loop(0, chunk, erow, 0)
            pltpu.sync_copy(rows[b], aggr_sh.at[didx[b]], add=True)

        start(0, 0)

        def pair_body(i, _):
            j = 2 * i
            start(j + 1, 1)
            finish(j, 0)
            start(j + 2, 0)
            finish(j + 1, 1)
            return 0

        lax.fori_loop(0, (nchunk - 1) // 2, pair_body, 0)
        if nchunk % 2 == 0:
            start(nchunk - 1, 1)
            finish(nchunk - 2, 0)
            finish(nchunk - 1, 1)
        else:
            finish(nchunk - 1, 0)
        plsc.subcore_barrier()

        def out_body(j, _):
            r0 = sid * rows_per_sub + j * zrows
            pltpu.sync_copy(aggr_sh.at[pl.ds(r0, zrows)], rows0)
            pltpu.sync_copy(rows0, out_hbm.at[cid].at[pl.ds(r0, zrows)])
            return 0

        lax.fori_loop(0, nz, out_body, 0)

    return k(em, src, dst, edge_emb)


def _node_mlp_body(em_ref, ag_ref, w1t_ref, b1_ref, w2t_ref, b2_ref,
                   gx_ref, bx_ref, wat_ref, wbt_ref, bl1_ref,
                   x_ref, a_ref, b_ref):
    n = em_ref.shape[0]
    h = em_ref[...] + ag_ref[0, :n, :] + ag_ref[1, :n, :]
    h = jnp.maximum(
        jnp.dot(h, w1t_ref[...], preferred_element_type=jnp.float32) + b1_ref[...],
        0.0,
    )
    h = jnp.dot(h, w2t_ref[...], preferred_element_type=jnp.float32) + b2_ref[...]
    mu = jnp.mean(h, axis=0, keepdims=True)
    var = jnp.mean((h - mu) ** 2, axis=0, keepdims=True)
    scale = gx_ref[...] * lax.rsqrt(var + 1e-5)
    xe = jnp.maximum((h - mu) * scale + bx_ref[...], 0.0)
    x_ref[...] = xe
    a_ref[...] = (
        jnp.dot(xe, wat_ref[...], preferred_element_type=jnp.float32) + bl1_ref[...]
    )
    b_ref[...] = jnp.dot(xe, wbt_ref[...], preferred_element_type=jnp.float32)


def _node_mlp(em, aggr, W1T, b1, W2T, b2, gx, bx, WaT, WbT, bl1):
    N, D = em.shape
    out_shape = [jax.ShapeDtypeStruct((N, D), jnp.float32)] * 3
    return pl.pallas_call(
        _node_mlp_body,
        out_shape=out_shape,
    )(em, aggr, W1T, b1.reshape(1, D), W2T, b2.reshape(1, D),
      gx.reshape(1, D), bx.reshape(1, D), WaT, WbT, bl1.reshape(1, D))


def _sc_two_gather(A, B, src, dst, chunk):
    N, D = A.shape
    E = src.shape[0]
    nw = _NC * _NS
    epw = E // nw
    nchunk = epw // chunk
    mesh = plsc.VectorSubcoreMesh(core_axis_name="c", subcore_axis_name="s")

    @functools.partial(
        pl.kernel,
        out_type=jax.ShapeDtypeStruct((E, D), jnp.float32),
        mesh=mesh,
        scratch_types=[
            pltpu.VMEM((epw,), jnp.int32),
            pltpu.VMEM((epw,), jnp.int32),
            pltpu.VMEM((chunk, D), jnp.float32),
            pltpu.VMEM((chunk, D), jnp.float32),
            pltpu.VMEM((chunk, D), jnp.float32),
            pltpu.VMEM((chunk, D), jnp.float32),
            pltpu.SemaphoreType.DMA,
            pltpu.SemaphoreType.DMA,
            pltpu.SemaphoreType.DMA,
            pltpu.SemaphoreType.DMA,
        ],
    )
    def k(a_hbm, b_hbm, src_hbm1, dst_hbm1, out_hbm,
          srcs_v, dsts_v, arows0, arows1, brows0, brows1,
          sa0, sa1, sb0, sb1):
        cid = lax.axis_index("c")
        sid = lax.axis_index("s")
        wid = cid * _NS + sid
        base_w = wid * epw

        pltpu.sync_copy(src_hbm1.at[pl.ds(base_w, epw)], srcs_v)
        pltpu.sync_copy(dst_hbm1.at[pl.ds(base_w, epw)], dsts_v)

        ar = [arows0, arows1]
        br = [brows0, brows1]
        sa = [sa0, sa1]
        sb = [sb0, sb1]

        def start(j, b):
            pltpu.async_copy(
                a_hbm.at[srcs_v.at[pl.ds(j * chunk, chunk)]], ar[b], sa[b])
            pltpu.async_copy(
                b_hbm.at[dsts_v.at[pl.ds(j * chunk, chunk)]], br[b], sb[b])

        def finish(j, b):
            pltpu.make_async_copy(
                a_hbm.at[srcs_v.at[pl.ds(j * chunk, chunk)]], ar[b], sa[b]).wait()
            pltpu.make_async_copy(
                b_hbm.at[dsts_v.at[pl.ds(j * chunk, chunk)]], br[b], sb[b]).wait()

            def erow(r, _):
                for kk in range(D // _L):
                    sl = pl.ds(kk * _L, _L)
                    ar[b][r, sl] = ar[b][r, sl] + br[b][r, sl]
                return 0

            lax.fori_loop(0, chunk, erow, 0)
            pltpu.sync_copy(ar[b], out_hbm.at[pl.ds(base_w + j * chunk, chunk)])

        start(0, 0)

        def pair_body(i, _):
            j = 2 * i
            start(j + 1, 1)
            finish(j, 0)
            start(j + 2, 0)
            finish(j + 1, 1)
            return 0

        lax.fori_loop(0, (nchunk - 1) // 2, pair_body, 0)
        if nchunk % 2 == 0:
            start(nchunk - 1, 1)
            finish(nchunk - 2, 0)
            finish(nchunk - 1, 1)
        else:
            finish(nchunk - 1, 0)

    return k(A, B, src, dst)


def _edge_mlp_body(g_ref, ef_ref, wct_ref, w2t_ref, bl2_ref, w3t_ref, bl3_ref,
                   e3_ref, stats_ref, acc_ref):
    i = pl.program_id(0)
    e1 = jnp.maximum(
        g_ref[...]
        + jnp.dot(ef_ref[...], wct_ref[...], preferred_element_type=jnp.float32),
        0.0,
    )
    e2 = jnp.maximum(
        jnp.dot(e1, w2t_ref[...], preferred_element_type=jnp.float32) + bl2_ref[...],
        0.0,
    )
    e3 = jnp.dot(e2, w3t_ref[...], preferred_element_type=jnp.float32) + bl3_ref[...]
    e3_ref[...] = e3.astype(jnp.bfloat16)

    @pl.when(i == 0)
    def _():
        acc_ref[...] = jnp.zeros_like(acc_ref)

    acc_ref[0:1, :] += jnp.sum(e3, axis=0, keepdims=True)
    acc_ref[1:2, :] += jnp.sum(e3 * e3, axis=0, keepdims=True)

    @pl.when(i == pl.num_programs(0) - 1)
    def _():
        stats_ref[...] = acc_ref[...]


def _edge_mlp(g, ef, WcT, W2T, bl2, W3T, bl3, block_e):
    E, D = g.shape
    ED = ef.shape[1]
    grid = (E // block_e,)
    return pl.pallas_call(
        _edge_mlp_body,
        grid=grid,
        in_specs=[
            pl.BlockSpec((block_e, D), lambda i: (i, 0)),
            pl.BlockSpec((block_e, ED), lambda i: (i, 0)),
            pl.BlockSpec((ED, D), lambda i: (0, 0)),
            pl.BlockSpec((D, D), lambda i: (0, 0)),
            pl.BlockSpec((1, D), lambda i: (0, 0)),
            pl.BlockSpec((D, D), lambda i: (0, 0)),
            pl.BlockSpec((1, D), lambda i: (0, 0)),
        ],
        out_specs=[
            pl.BlockSpec((block_e, D), lambda i: (i, 0)),
            pl.BlockSpec((2, D), lambda i: (0, 0)),
        ],
        out_shape=[
            jax.ShapeDtypeStruct((E, D), jnp.bfloat16),
            jax.ShapeDtypeStruct((2, D), jnp.float32),
        ],
        scratch_shapes=[pltpu.VMEM((2, D), jnp.float32)],
    )(g, ef, WcT, W2T, bl2.reshape(1, D), W3T, bl3.reshape(1, D))


def _edge_bn_body(e3_ref, s_ref, t_ref, out_ref):
    e3 = e3_ref[...].astype(jnp.float32)
    out_ref[...] = jnp.maximum(e3 * s_ref[...] + t_ref[...], 0.0)


def _edge_bn(e3, s, t, block_e):
    E, D = e3.shape
    grid = (E // block_e,)
    return pl.pallas_call(
        _edge_bn_body,
        grid=grid,
        in_specs=[
            pl.BlockSpec((block_e, D), lambda i: (i, 0)),
            pl.BlockSpec((1, D), lambda i: (0, 0)),
            pl.BlockSpec((1, D), lambda i: (0, 0)),
        ],
        out_specs=pl.BlockSpec((block_e, D), lambda i: (i, 0)),
        out_shape=jax.ShapeDtypeStruct((E, D), jnp.float32),
    )(e3, s.reshape(1, D), t.reshape(1, D))


def kernel(em, edge_index, edge_features, W1, b1, W2, b2, We, be,
           Wl1, bl1, Wl2, bl2, Wl3, bl3, gx, bx, ge, be2):
    N, D = em.shape
    E, ED = edge_features.shape
    src = edge_index[0]
    dst = edge_index[1]

    WeT = We.T
    W1T = W1.T
    W2T = W2.T
    WaT = Wl1[:, :D].T
    WbT = Wl1[:, D:2 * D].T
    WcT = Wl1[:, 2 * D:].T
    W2lT = Wl2.T
    W3lT = Wl3.T

    block_e = 2000

    edge_emb = _edge_embed(edge_features, WeT, be, block_e)
    aggr = _sc_aggregate(em, src, dst, edge_emb, chunk=40)
    x_em, A, B = _node_mlp(em, aggr, W1T, b1, W2T, b2, gx, bx, WaT, WbT, bl1)
    g = _sc_two_gather(A, B, src, dst, chunk=80)
    e3, stats = _edge_mlp(g, edge_features, WcT, W2lT, bl2, W3lT, bl3, block_e)

    mu = stats[0] / E
    var = stats[1] / E - mu * mu
    s = ge * lax.rsqrt(var + 1e-5)
    t = be2 - mu * s
    edge_out = _edge_bn(e3, s, t, block_e)

    return (x_em, edge_out)

# --- scband reference (transcript-rebuilt; emitter-appended) ---
"""Pipeline reference for scband-gin-layer-17583596109847 (READ-ONLY COPY).

The authoritative reference and input builder live on the scoring server;
editing this copy changes nothing except your own understanding.
"""

import jax, jax.numpy as jnp
import numpy as np


def _bn(x, gamma, beta, eps=1e-5):
    mu = jnp.mean(x, axis=0)
    var = jnp.mean((x - mu) ** 2, axis=0)
    return (x - mu) / jnp.sqrt(var + eps) * gamma + beta


def setup_inputs(seed: int = 0):
    key = jax.random.key(seed)
    ks = jax.random.split(key, 16)
    N, E, D, ED = 10000, 320000, 128, 16

    def lin(k, out_f, in_f):
        k1, k2 = jax.random.split(k)
        bound = 1.0 / np.sqrt(in_f)
        W = jax.random.uniform(k1, (out_f, in_f), minval=-bound, maxval=bound, dtype=jnp.float32)
        b = jax.random.uniform(k2, (out_f,), minval=-bound, maxval=bound, dtype=jnp.float32)
        return W, b

    W1, b1 = lin(ks[2], D, D)
    W2, b2 = lin(ks[3], D, D)
    We, be = lin(ks[4], D, ED)
    Wl1, bl1 = lin(ks[5], D, ED + 2 * D)
    Wl2, bl2 = lin(ks[6], D, D)
    Wl3, bl3 = lin(ks[7], D, D)
    return {
        "em": jax.random.normal(ks[0], (N, D), dtype=jnp.float32),
        "edge_index": jax.random.randint(ks[1], (2, E), 0, N),
        "edge_features": jax.random.normal(ks[8], (E, ED), dtype=jnp.float32),
        "W1": W1, "b1": b1, "W2": W2, "b2": b2,
        "We": We, "be": be,
        "Wl1": Wl1, "bl1": bl1, "Wl2": Wl2, "bl2": bl2, "Wl3": Wl3, "bl3": bl3,
        "gx": jnp.ones((D,), dtype=jnp.float32), "bx": jnp.zeros((D,), dtype=jnp.float32),
        "ge": jnp.ones((D,), dtype=jnp.float32), "be2": jnp.zeros((D,), dtype=jnp.float32),
    }


def reference(em, edge_index, edge_features, W1, b1, W2, b2, We, be,
              Wl1, bl1, Wl2, bl2, Wl3, bl3, gx, bx, ge, be2):
    N, D = em.shape
    src = edge_index[0]
    dst = edge_index[1]
    # GINEConv: msg = relu(x_j + lin(edge_attr)); aggr = sum over incoming edges at dst
    edge_emb = edge_features @ We.T + be
    msg = jax.nn.relu(em[src] + edge_emb)
    aggr = jax.ops.segment_sum(msg, dst, num_segments=N)
    h = em + aggr  # eps = 0 (default, non-trainable)
    h = jax.nn.relu(h @ W1.T + b1)
    h = h @ W2.T + b2
    x_em = jax.nn.relu(_bn(h, gx, bx))
    # vij = x_em[edge_index].transpose(0,1).reshape(-1, 2*D) == concat(x_em[src], x_em[dst])
    vij = jnp.concatenate([x_em[src], x_em[dst]], axis=1)
    edge_mess = jnp.concatenate([vij, edge_features], axis=1)
    e = jax.nn.relu(edge_mess @ Wl1.T + bl1)
    e = jax.nn.relu(e @ Wl2.T + bl2)
    e = e @ Wl3.T + bl3
    edge_out = jax.nn.relu(_bn(e, ge, be2))
    return (x_em, edge_out)

if __name__ == "__main__":
    import jax
    _d = setup_inputs()
    print(jax.jit(kernel)(*tuple(_d.values())))

</pallas_src>

<mosaic_0001>
#map = affine_map<(d0, d1) -> (0, 0)>
#map1 = affine_map<(d0, d1) -> (0)>
module attributes {stable_mosaic.version = 14 : i64} {
  func.func @k(%arg0: i32, %arg1: i32, %arg2: memref<10000x128xf32, #tpu.memory_space<hbm>>, %arg3: memref<10000x128xf32, #tpu.memory_space<hbm>>, %arg4: memref<320000xi32, #tpu.memory_space<hbm>>, %arg5: memref<320000xi32, #tpu.memory_space<hbm>>, %arg6: memref<320000x128xf32, #tpu.memory_space<hbm>>, %arg7: memref<10000xi32, #tpu.memory_space<vmem>>, %arg8: memref<10000xi32, #tpu.memory_space<vmem>>, %arg9: memref<80x128xf32, #tpu.memory_space<vmem>>, %arg10: memref<80x128xf32, #tpu.memory_space<vmem>>, %arg11: memref<80x128xf32, #tpu.memory_space<vmem>>, %arg12: memref<80x128xf32, #tpu.memory_space<vmem>>, %arg13: memref<!tpu.dma_semaphore, #tpu.memory_space<semaphore_mem>>, %arg14: memref<!tpu.dma_semaphore, #tpu.memory_space<semaphore_mem>>, %arg15: memref<!tpu.dma_semaphore, #tpu.memory_space<semaphore_mem>>, %arg16: memref<!tpu.dma_semaphore, #tpu.memory_space<semaphore_mem>>) attributes {dimension_semantics = [#tpu.dimension_semantics<core_parallel>, #tpu.dimension_semantics<subcore_parallel>], iteration_bounds = array<i64: 2, 16>, scalar_prefetch = 0 : i64, scratch_operands = 10 : i64, tpu.core_type = #tpu.core_type<sc_vector_subcore>, window_params = [{transform_indices = #map}, {transform_indices = #map}, {transform_indices = #map1}, {transform_indices = #map1}, {transform_indices = #map}]} {
    %mul3A = arith.constant 16 : i32
    %mul3A_0 = arith.muli %arg0, %mul3A : i32
    %add3A = arith.addi %mul3A_0, %arg1 : i32
    %mul3A_1 = arith.constant 10000 : i32
    %mul3A_2 = arith.muli %add3A, %mul3A_1 : i32
    "tpu.region"() ({
      %run_scoped3A = tpu.sem_alloc : memref<!tpu.dma_semaphore, #tpu.memory_space<semaphore_mem>>
      %dma_start3A_36 = tpu.memref_slice %arg4[%mul3A_2] : memref<320000xi32, #tpu.memory_space<hbm>> -> memref<10000xi32, #tpu.memory_space<hbm>>
      %dma_start3A_37 = tpu.memref_slice %arg4[%mul3A_2] : memref<320000xi32, #tpu.memory_space<hbm>> -> memref<10000xi32, #tpu.memory_space<hbm>>
      tpu.enqueue_dma source(%dma_start3A_37 : memref<10000xi32, #tpu.memory_space<hbm>>) target(%arg7 : memref<10000xi32, #tpu.memory_space<vmem>>) target_semaphore(%run_scoped3A : memref<!tpu.dma_semaphore, #tpu.memory_space<semaphore_mem>>)
      %dma_wait3A_38 = tpu.memref_slice %arg4[%mul3A_2] : memref<320000xi32, #tpu.memory_space<hbm>> -> memref<10000xi32, #tpu.memory_space<hbm>>
      %dma_wait3A_39 = tpu.memref_slice %arg4[%mul3A_2] : memref<320000xi32, #tpu.memory_space<hbm>> -> memref<10000xi32, #tpu.memory_space<hbm>>
      tpu.wait_dma2 semaphore(%run_scoped3A : memref<!tpu.dma_semaphore, #tpu.memory_space<semaphore_mem>>) src(%dma_wait3A_39 : memref<10000xi32, #tpu.memory_space<hbm>>) dst(%arg7 : memref<10000xi32, #tpu.memory_space<vmem>>)
      tpu.yield
    }) : () -> ()
    "tpu.region"() ({
      %run_scoped3A = tpu.sem_alloc : memref<!tpu.dma_semaphore, #tpu.memory_space<semaphore_mem>>
      %dma_start3A_36 = tpu.memref_slice %arg5[%mul3A_2] : memref<320000xi32, #tpu.memory_space<hbm>> -> memref<10000xi32, #tpu.memory_space<hbm>>
      %dma_start3A_37 = tpu.memref_slice %arg5[%mul3A_2] : memref<320000xi32, #tpu.memory_space<hbm>> -> memref<10000xi32, #tpu.memory_space<hbm>>
      tpu.enqueue_dma source(%dma_start3A_37 : memref<10000xi32, #tpu.memory_space<hbm>>) target(%arg8 : memref<10000xi32, #tpu.memory_space<vmem>>) target_semaphore(%run_scoped3A : memref<!tpu.dma_semaphore, #tpu.memory_space<semaphore_mem>>)
      %dma_wait3A_38 = tpu.memref_slice %arg5[%mul3A_2] : memref<320000xi32, #tpu.memory_space<hbm>> -> memref<10000xi32, #tpu.memory_space<hbm>>
      %dma_wait3A_39 = tpu.memref_slice %arg5[%mul3A_2] : memref<320000xi32, #tpu.memory_space<hbm>> -> memref<10000xi32, #tpu.memory_space<hbm>>
      tpu.wait_dma2 semaphore(%run_scoped3A : memref<!tpu.dma_semaphore, #tpu.memory_space<semaphore_mem>>) src(%dma_wait3A_39 : memref<10000xi32, #tpu.memory_space<hbm>>) dst(%arg8 : memref<10000xi32, #tpu.memory_space<vmem>>)
      tpu.yield
    }) : () -> ()
    %dma_start3A = arith.constant 0 : i32
    %dma_start3A_3 = tpu.memref_slice %arg7[%dma_start3A] : memref<10000xi32, #tpu.memory_space<vmem>> -> memref<80xi32, #tpu.memory_space<vmem>>
    %dma_start3A_4 = arith.constant 0 : i32
    %dma_start3A_5 = arith.constant 0 : i32
    %dma_start3A_6 = tpu.memref_slice %arg2[%dma_start3A_4, %dma_start3A_5] : memref<10000x128xf32, #tpu.memory_space<hbm>> -> memref<10000x128xf32, #tpu.memory_space<hbm>>
    tpu.enqueue_indirect_dma source(%dma_start3A_6 : memref<10000x128xf32, #tpu.memory_space<hbm>>) target(%arg9 : memref<80x128xf32, #tpu.memory_space<vmem>>) offsets(%dma_start3A_3 : memref<80xi32, #tpu.memory_space<vmem>>) semaphore(%arg13 : memref<!tpu.dma_semaphore, #tpu.memory_space<semaphore_mem>>)
    %dma_start3A_7 = arith.constant 0 : i32
    %dma_start3A_8 = tpu.memref_slice %arg8[%dma_start3A_7] : memref<10000xi32, #tpu.memory_space<vmem>> -> memref<80xi32, #tpu.memory_space<vmem>>
    %dma_start3A_9 = arith.constant 0 : i32
    %dma_start3A_10 = arith.constant 0 : i32
    %dma_start3A_11 = tpu.memref_slice %arg3[%dma_start3A_9, %dma_start3A_10] : memref<10000x128xf32, #tpu.memory_space<hbm>> -> memref<10000x128xf32, #tpu.memory_space<hbm>>
    tpu.enqueue_indirect_dma source(%dma_start3A_11 : memref<10000x128xf32, #tpu.memory_space<hbm>>) target(%arg11 : memref<80x128xf32, #tpu.memory_space<vmem>>) offsets(%dma_start3A_8 : memref<80xi32, #tpu.memory_space<vmem>>) semaphore(%arg15 : memref<!tpu.dma_semaphore, #tpu.memory_space<semaphore_mem>>)
    %scan3A = arith.constant 0 : i32
    %scan3A_12 = arith.constant 0 : i32
    %scan3A_13 = arith.constant 62 : i32
    %scan3A_14 = arith.addi %scan3A_12, %scan3A_13 : i32
    %scan3A_15 = arith.constant 1 : i32
    %scan3A_16 = scf.for %scan3A_36 = %scan3A_12 to %scan3A_14 step %scan3A_15 iter_args(%scan3A_37 = %scan3A) -> (i32)  : i32 {
      %mul3A_38 = arith.constant 2 : i32
      %mul3A_39 = arith.muli %mul3A_38, %scan3A_36 : i32
      %add3A_40 = arith.constant 1 : i32
      %add3A_41 = arith.addi %mul3A_39, %add3A_40 : i32
      %mul3A_42 = arith.constant 80 : i32
      %mul3A_43 = arith.muli %add3A_41, %mul3A_42 : i32
      %dma_start3A_44 = tpu.memref_slice %arg7[%mul3A_43] : memref<10000xi32, #tpu.memory_space<vmem>> -> memref<80xi32, #tpu.memory_space<vmem>>
      %dma_start3A_45 = arith.constant 0 : i32
      %dma_start3A_46 = arith.constant 0 : i32
      %dma_start3A_47 = tpu.memref_slice %arg2[%dma_start3A_45, %dma_start3A_46] : memref<10000x128xf32, #tpu.memory_space<hbm>> -> memref<10000x128xf32, #tpu.memory_space<hbm>>
      tpu.enqueue_indirect_dma source(%dma_start3A_47 : memref<10000x128xf32, #tpu.memory_space<hbm>>) target(%arg10 : memref<80x128xf32, #tpu.memory_space<vmem>>) offsets(%dma_start3A_44 : memref<80xi32, #tpu.memory_space<vmem>>) semaphore(%arg14 : memref<!tpu.dma_semaphore, #tpu.memory_space<semaphore_mem>>)
      %mul3A_48 = arith.constant 80 : i32
      %mul3A_49 = arith.muli %add3A_41, %mul3A_48 : i32
      %dma_start3A_50 = tpu.memref_slice %arg8[%mul3A_49] : memref<10000xi32, #tpu.memory_space<vmem>> -> memref<80xi32, #tpu.memory_space<vmem>>
      %dma_start3A_51 = arith.constant 0 : i32
      %dma_start3A_52 = arith.constant 0 : i32
      %dma_start3A_53 = tpu.memref_slice %arg3[%dma_start3A_51, %dma_start3A_52] : memref<10000x128xf32, #tpu.memory_space<hbm>> -> memref<10000x128xf32, #tpu.memory_space<hbm>>
      tpu.enqueue_indirect_dma source(%dma_start3A_53 : memref<10000x128xf32, #tpu.memory_space<hbm>>) target(%arg12 : memref<80x128xf32, #tpu.memory_space<vmem>>) offsets(%dma_start3A_50 : memref<80xi32, #tpu.memory_space<vmem>>) semaphore(%arg16 : memref<!tpu.dma_semaphore, #tpu.memory_space<semaphore_mem>>)
      %mul3A_54 = arith.constant 80 : i32
      %mul3A_55 = arith.muli %mul3A_39, %mul3A_54 : i32
      %dma_wait3A_56 = tpu.memref_slice %arg7[%mul3A_55] : memref<10000xi32, #tpu.memory_space<vmem>> -> memref<80xi32, #tpu.memory_space<vmem>>
      %dma_wait3A_57 = arith.constant 0 : i32
      %dma_wait3A_58 = arith.constant 0 : i32
      %dma_wait3A_59 = tpu.memref_slice %arg2[%dma_wait3A_57, %dma_wait3A_58] : memref<10000x128xf32, #tpu.memory_space<hbm>> -> memref<10000x128xf32, #tpu.memory_space<hbm>>
      tpu.wait_indirect_dma semaphore(%arg13 : memref<!tpu.dma_semaphore, #tpu.memory_space<semaphore_mem>>) src(%dma_wait3A_59 : memref<10000x128xf32, #tpu.memory_space<hbm>>) dst(%arg9 : memref<80x128xf32, #tpu.memory_space<vmem>>)
      %mul3A_60 = arith.constant 80 : i32
      %mul3A_61 = arith.muli %mul3A_39, %mul3A_60 : i32
      %dma_wait3A_62 = tpu.memref_slice %arg8[%mul3A_61] : memref<10000xi32, #tpu.memory_space<vmem>> -> memref<80xi32, #tpu.memory_space<vmem>>
      %dma_wait3A_63 = arith.constant 0 : i32
      %dma_wait3A_64 = arith.constant 0 : i32
      %dma_wait3A_65 = tpu.memref_slice %arg3[%dma_wait3A_63, %dma_wait3A_64] : memref<10000x128xf32, #tpu.memory_space<hbm>> -> memref<10000x128xf32, #tpu.memory_space<hbm>>
      tpu.wait_indirect_dma semaphore(%arg15 : memref<!tpu.dma_semaphore, #tpu.memory_space<semaphore_mem>>) src(%dma_wait3A_65 : memref<10000x128xf32, #tpu.memory_space<hbm>>) dst(%arg11 : memref<80x128xf32, #tpu.memory_space<vmem>>)
      %scan3A_66 = arith.constant 0 : i32
      %scan3A_67 = arith.constant 0 : i32
      %scan3A_68 = arith.constant 80 : i32
      %scan3A_69 = arith.addi %scan3A_67, %scan3A_68 : i32
      %scan3A_70 = arith.constant 1 : i32
      %scan3A_71 = scf.for %scan3A_115 = %scan3A_67 to %scan3A_69 step %scan3A_70 iter_args(%scan3A_116 = %scan3A_66) -> (i32)  : i32 {
        %get3A = arith.index_cast %scan3A_115 : i32 to index
        %get3A_117 = arith.constant 0 : index
        %get3A_118 = tpu.vector_load %arg9[%get3A, %get3A_117] {strides = array<i32>} : memref<80x128xf32, #tpu.memory_space<vmem>>, vector<1x16xf32>,
        %get3A_119 = vector.shape_cast %get3A_118 : vector<1x16xf32> to vector<16xf32>
        %get3A_120 = arith.index_cast %scan3A_115 : i32 to index
        %get3A_121 = arith.constant 0 : index
        %get3A_122 = tpu.vector_load %arg11[%get3A_120, %get3A_121] {strides = array<i32>} : memref<80x128xf32, #tpu.memory_space<vmem>>, vector<1x16xf32>,
        %get3A_123 = vector.shape_cast %get3A_122 : vector<1x16xf32> to vector<16xf32>
        %add3A_124 = arith.addf %get3A_119, %get3A_123 : vector<16xf32>
        %swap3A = arith.index_cast %scan3A_115 : i32 to index
        %swap3A_125 = arith.constant 0 : index
        %swap3A_126 = tpu.vector_load %arg9[%swap3A, %swap3A_125] {strides = array<i32>} : memref<80x128xf32, #tpu.memory_space<vmem>>, vector<1x16xf32>,
        %swap3A_127 = vector.shape_cast %swap3A_126 : vector<1x16xf32> to vector<16xf32>
        %swap3A_128 = vector.shape_cast %add3A_124 : vector<16xf32> to vector<1x16xf32>
        tpu.vector_store %arg9[%swap3A, %swap3A_125], %swap3A_128 {strides = array<i32>} : memref<80x128xf32, #tpu.memory_space<vmem>>, vector<1x16xf32>,
        %get3A_129 = arith.index_cast %scan3A_115 : i32 to index
        %get3A_130 = arith.constant 16 : index
        %get3A_131 = tpu.vector_load %arg9[%get3A_129, %get3A_130] {strides = array<i32>} : memref<80x128xf32, #tpu.memory_space<vmem>>, vector<1x16xf32>,
        %get3A_132 = vector.shape_cast %get3A_131 : vector<1x16xf32> to vector<16xf32>
        %get3A_133 = arith.index_cast %scan3A_115 : i32 to index
        %get3A_134 = arith.constant 16 : index
        %get3A_135 = tpu.vector_load %arg11[%get3A_133, %get3A_134] {strides = array<i32>} : memref<80x128xf32, #tpu.memory_space<vmem>>, vector<1x16xf32>,
        %get3A_136 = vector.shape_cast %get3A_135 : vector<1x16xf32> to vector<16xf32>
        %add3A_137 = arith.addf %get3A_132, %get3A_136 : vector<16xf32>
        %swap3A_138 = arith.index_cast %scan3A_115 : i32 to index
        %swap3A_139 = arith.constant 16 : index
        %swap3A_140 = tpu.vector_load %arg9[%swap3A_138, %swap3A_139] {strides = array<i32>} : memref<80x128xf32, #tpu.memory_space<vmem>>, vector<1x16xf32>,
        %swap3A_141 = vector.shape_cast %swap3A_140 : vector<1x16xf32> to vector<16xf32>
        %swap3A_142 = vector.shape_cast %add3A_137 : vector<16xf32> to vector<1x16xf32>
        tpu.vector_store %arg9[%swap3A_138, %swap3A_139], %swap3A_142 {strides = array<i32>} : memref<80x128xf32, #tpu.memory_space<vmem>>, vector<1x16xf32>,
        %get3A_143 = arith.index_cast %scan3A_115 : i32 to index
        %get3A_144 = arith.constant 32 : index
        %get3A_145 = tpu.vector_load %arg9[%get3A_143, %get3A_144] {strides = array<i32>} : memref<80x128xf32, #tpu.memory_space<vmem>>, vector<1x16xf32>,
        %get3A_146 = vector.shape_cast %get3A_145 : vector<1x16xf32> to vector<16xf32>
        %get3A_147 = arith.index_cast %scan3A_115 : i32 to index
        %get3A_148 = arith.constant 32 : index
        %get3A_149 = tpu.vector_load %arg11[%get3A_147, %get3A_148] {strides = array<i32>} : memref<80x128xf32, #tpu.memory_space<vmem>>, vector<1x16xf32>,
        %get3A_150 = vector.shape_cast %get3A_149 : vector<1x16xf32> to vector<16xf32>
        %add3A_151 = arith.addf %get3A_146, %get3A_150 : vector<16xf32>
        %swap3A_152 = arith.index_cast %scan3A_115 : i32 to index
        %swap3A_153 = arith.constant 32 : index
        %swap3A_154 = tpu.vector_load %arg9[%swap3A_152, %swap3A_153] {strides = array<i32>} : memref<80x128xf32, #tpu.memory_space<vmem>>, vector<1x16xf32>,
        %swap3A_155 = vector.shape_cast %swap3A_154 : vector<1x16xf32> to vector<16xf32>
        %swap3A_156 = vector.shape_cast %add3A_151 : vector<16xf32> to vector<1x16xf32>
        tpu.vector_store %arg9[%swap3A_152, %swap3A_153], %swap3A_156 {strides = array<i32>} : memref<80x128xf32, #tpu.memory_space<vmem>>, vector<1x16xf32>,
        %get3A_157 = arith.index_cast %scan3A_115 : i32 to index
        %get3A_158 = arith.constant 48 : index
        %get3A_159 = tpu.vector_load %arg9[%get3A_157, %get3A_158] {strides = array<i32>} : memref<80x128xf32, #tpu.memory_space<vmem>>, vector<1x16xf32>,
        %get3A_160 = vector.shape_cast %get3A_159 : vector<1x16xf32> to vector<16xf32>
        %get3A_161 = arith.index_cast %scan3A_115 : i32 to index
        %get3A_162 = arith.constant 48 : index
        %get3A_163 = tpu.vector_load %arg11[%get3A_161, %get3A_162] {strides = array<i32>} : memref<80x128xf32, #tpu.memory_space<vmem>>, vector<1x16xf32>,
        %get3A_164 = vector.shape_cast %get3A_163 : vector<1x16xf32> to vector<16xf32>
        %add3A_165 = arith.addf %get3A_160, %get3A_164 : vector<16xf32>
        %swap3A_166 = arith.index_cast %scan3A_115 : i32 to index
        %swap3A_167 = arith.constant 48 : index
        %swap3A_168 = tpu.vector_load %arg9[%swap3A_166, %swap3A_167] {strides = array<i32>} : memref<80x128xf32, #tpu.memory_space<vmem>>, vector<1x16xf32>,
        %swap3A_169 = vector.shape_cast %swap3A_168 : vector<1x16xf32> to vector<16xf32>
        %swap3A_170 = vector.shape_cast %add3A_165 : vector<16xf32> to vector<1x16xf32>
        tpu.vector_store %arg9[%swap3A_166, %swap3A_167], %swap3A_170 {strides = array<i32>} : memref<80x128xf32, #tpu.memory_space<vmem>>, vector<1x16xf32>,
        %get3A_171 = arith.index_cast %scan3A_115 : i32 to index
        %get3A_172 = arith.constant 64 : index
        %get3A_173 = tpu.vector_load %arg9[%get3A_171, %get3A_172] {strides = array<i32>} : memref<80x128xf32, #tpu.memory_space<vmem>>, vector<1x16xf32>,
        %get3A_174 = vector.shape_cast %get3A_173 : vector<1x16xf32> to vector<16xf32>
        %get3A_175 = arith.index_cast %scan3A_115 : i32 to index
        %get3A_176 = arith.constant 64 : index
        %get3A_177 = tpu.vector_load %arg11[%get3A_175, %get3A_176] {strides = array<i32>} : memref<80x128xf32, #tpu.memory_space<vmem>>, vector<1x16xf32>,
        %get3A_178 = vector.shape_cast %get3A_177 : vector<1x16xf32> to vector<16xf32>
        %add3A_179 = arith.addf %get3A_174, %get3A_178 : vector<16xf32>
        %swap3A_180 = arith.index_cast %scan3A_115 : i32 to index
        %swap3A_181 = arith.constant 64 : index
        %swap3A_182 = tpu.vector_load %arg9[%swap3A_180, %swap3A_181] {strides = array<i32>} : memref<80x128xf32, #tpu.memory_space<vmem>>, vector<1x16xf32>,
        %swap3A_183 = vector.shape_cast %swap3A_182 : vector<1x16xf32> to vector<16xf32>
        %swap3A_184 = vector.shape_cast %add3A_179 : vector<16xf32> to vector<1x16xf32>
        tpu.vector_store %arg9[%swap3A_180, %swap3A_181], %swap3A_184 {strides = array<i32>} : memref<80x128xf32, #tpu.memory_space<vmem>>, vector<1x16xf32>,
        %get3A_185 = arith.index_cast %scan3A_115 : i32 to index
        %get3A_186 = arith.constant 80 : index
        %get3A_187 = tpu.vector_load %arg9[%get3A_185, %get3A_186] {strides = array<i32>} : memref<80x128xf32, #tpu.memory_space<vmem>>, vector<1x16xf32>,
        %get3A_188 = vector.shape_cast %get3A_187 : vector<1x16xf32> to vector<16xf32>
        %get3A_189 = arith.index_cast %scan3A_115 : i32 to index
        %get3A_190 = arith.constant 80 : index
        %get3A_191 = tpu.vector_load %arg11[%get3A_189, %get3A_190] {strides = array<i32>} : memref<80x128xf32, #tpu.memory_space<vmem>>, vector<1x16xf32>,
        %get3A_192 = vector.shape_cast %get3A_191 : vector<1x16xf32> to vector<16xf32>
        %add3A_193 = arith.addf %get3A_188, %get3A_192 : vector<16xf32>
        %swap3A_194 = arith.index_cast %scan3A_115 : i32 to index
        %swap3A_195 = arith.constant 80 : index
        %swap3A_196 = tpu.vector_load %arg9[%swap3A_194, %swap3A_195] {strides = array<i32>} : memref<80x128xf32, #tpu.memory_space<vmem>>, vector<1x16xf32>,
        %swap3A_197 = vector.shape_cast %swap3A_196 : vector<1x16xf32> to vector<16xf32>
        %swap3A_198 = vector.shape_cast %add3A_193 : vector<16xf32> to vector<1x16xf32>
        tpu.vector_store %arg9[%swap3A_194, %swap3A_195], %swap3A_198 {strides = array<i32>} : memref<80x128xf32, #tpu.memory_space<vmem>>, vector<1x16xf32>,
        %get3A_199 = arith.index_cast %scan3A_115 : i32 to index
        %get3A_200 = arith.constant 96 : index
        %get3A_201 = tpu.vector_load %arg9[%get3A_199, %get3A_200] {strides = array<i32>} : memref<80x128xf32, #tpu.memory_space<vmem>>, vector<1x16xf32>,
        %get3A_202 = vector.shape_cast %get3A_201 : vector<1x16xf32> to vector<16xf32>
        %get3A_203 = arith.index_cast %scan3A_115 : i32 to index
        %get3A_204 = arith.constant 96 : index
        %get3A_205 = tpu.vector_load %arg11[%get3A_203, %get3A_204] {strides = array<i32>} : memref<80x128xf32, #tpu.memory_space<vmem>>, vector<1x16xf32>,
        %get3A_206 = vector.shape_cast %get3A_205 : vector<1x16xf32> to vector<16xf32>
        %add3A_207 = arith.addf %get3A_202, %get3A_206 : vector<16xf32>
        %swap3A_208 = arith.index_cast %scan3A_115 : i32 to index
        %swap3A_209 = arith.constant 96 : index
        %swap3A_210 = tpu.vector_load %arg9[%swap3A_208, %swap3A_209] {strides = array<i32>} : memref<80x128xf32, #tpu.memory_space<vmem>>, vector<1x16xf32>,
        %swap3A_211 = vector.shape_cast %swap3A_210 : vector<1x16xf32> to vector<16xf32>
        %swap3A_212 = vector.shape_cast %add3A_207 : vector<16xf32> to vector<1x16xf32>
        tpu.vector_store %arg9[%swap3A_208, %swap3A_209], %swap3A_212 {strides = array<i32>} : memref<80x128xf32, #tpu.memory_space<vmem>>, vector<1x16xf32>,
        %get3A_213 = arith.index_cast %scan3A_115 : i32 to index
        %get3A_214 = arith.constant 112 : index
        %get3A_215 = tpu.vector_load %arg9[%get3A_213, %get3A_214] {strides = array<i32>} : memref<80x128xf32, #tpu.memory_space<vmem>>, vector<1x16xf32>,
        %get3A_216 = vector.shape_cast %get3A_215 : vector<1x16xf32> to vector<16xf32>
        %get3A_217 = arith.index_cast %scan3A_115 : i32 to index
        %get3A_218 = arith.constant 112 : index
        %get3A_219 = tpu.vector_load %arg11[%get3A_217, %get3A_218] {strides = array<i32>} : memref<80x128xf32, #tpu.memory_space<vmem>>, vector<1x16xf32>,
        %get3A_220 = vector.shape_cast %get3A_219 : vector<1x16xf32> to vector<16xf32>
        %add3A_221 = arith.addf %get3A_216, %get3A_220 : vector<16xf32>
        %swap3A_222 = arith.index_cast %scan3A_115 : i32 to index
        %swap3A_223 = arith.constant 112 : index
        %swap3A_224 = tpu.vector_load %arg9[%swap3A_222, %swap3A_223] {strides = array<i32>} : memref<80x128xf32, #tpu.memory_space<vmem>>, vector<1x16xf32>,
        %swap3A_225 = vector.shape_cast %swap3A_224 : vector<1x16xf32> to vector<16xf32>
        %swap3A_226 = vector.shape_cast %add3A_221 : vector<16xf32> to vector<1x16xf32>
        tpu.vector_store %arg9[%swap3A_222, %swap3A_223], %swap3A_226 {strides = array<i32>} : memref<80x128xf32, #tpu.memory_space<vmem>>, vector<1x16xf32>,
        %scan3A_227 = arith.constant 0 : i32
        scf.yield %scan3A_227 : i32
      }
      %scan3A_72 = arith.constant 80 : i32
      %mul3A_73 = arith.constant 80 : i32
      %mul3A_74 = arith.muli %mul3A_39, %mul3A_73 : i32
      %add3A_75 = arith.addi %mul3A_2, %mul3A_74 : i32
      "tpu.region"() ({
        %run_scoped3A = tpu.sem_alloc : memref<!tpu.dma_semaphore, #tpu.memory_space<semaphore_mem>>
        %dma_start3A_115 = arith.constant 0 : i32
        %dma_start3A_116 = tpu.memref_slice %arg6[%add3A_75, %dma_start3A_115] : memref<320000x128xf32, #tpu.memory_space<hbm>> -> memref<80x128xf32, #tpu.memory_space<hbm>>
        %dma_start3A_117 = arith.constant 0 : i32
        %dma_start3A_118 = tpu.memref_slice %arg6[%add3A_75, %dma_start3A_117] : memref<320000x128xf32, #tpu.memory_space<hbm>> -> memref<80x128xf32, #tpu.memory_space<hbm>>
        tpu.enqueue_dma source(%arg9 : memref<80x128xf32, #tpu.memory_space<vmem>>) target(%dma_start3A_118 : memref<80x128xf32, #tpu.memory_space<hbm>>) target_semaphore(%run_scoped3A : memref<!tpu.dma_semaphore, #tpu.memory_space<semaphore_mem>>)
        %dma_wait3A_119 = arith.constant 0 : i32
        %dma_wait3A_120 = tpu.memref_slice %arg6[%add3A_75, %dma_wait3A_119] : memref<320000x128xf32, #tpu.memory_space<hbm>> -> memref<80x128xf32, #tpu.memory_space<hbm>>
        %dma_wait3A_121 = arith.constant 0 : i32
        %dma_wait3A_122 = tpu.memref_slice %arg6[%add3A_75, %dma_wait3A_121] : memref<320000x128xf32, #tpu.memory_space<hbm>> -> memref<80x128xf32, #tpu.memory_space<hbm>>
        tpu.wait_dma2 semaphore(%run_scoped3A : memref<!tpu.dma_semaphore, #tpu.memory_space<semaphore_mem>>) src(%arg9 : memref<80x128xf32, #tpu.memory_space<vmem>>) dst(%dma_wait3A_122 : memref<80x128xf32, #tpu.memory_space<hbm>>)
        tpu.yield
      }) : () -> ()
      %add3A_76 = arith.constant 2 : i32
      %add3A_77 = arith.addi %mul3A_39, %add3A_76 : i32
      %mul3A_78 = arith.constant 80 : i32
      %mul3A_79 = arith.muli %add3A_77, %mul3A_78 : i32
      %dma_start3A_80 = tpu.memref_slice %arg7[%mul3A_79] : memref<10000xi32, #tpu.memory_space<vmem>> -> memref<80xi32, #tpu.memory_space<vmem>>
      %dma_start3A_81 = arith.constant 0 : i32
      %dma_start3A_82 = arith.constant 0 : i32
      %dma_start3A_83 = tpu.memref_slice %arg2[%dma_start3A_81, %dma_start3A_82] : memref<10000x128xf32, #tpu.memory_space<hbm>> -> memref<10000x128xf32, #tpu.memory_space<hbm>>
      tpu.enqueue_indirect_dma source(%dma_start3A_83 : memref<10000x128xf32, #tpu.memory_space<hbm>>) target(%arg9 : memref<80x128xf32, #tpu.memory_space<vmem>>) offsets(%dma_start3A_80 : memref<80xi32, #tpu.memory_space<vmem>>) semaphore(%arg13 : memref<!tpu.dma_semaphore, #tpu.memory_space<semaphore_mem>>)
      %mul3A_84 = arith.constant 80 : i32
      %mul3A_85 = arith.muli %add3A_77, %mul3A_84 : i32
      %dma_start3A_86 = tpu.memref_slice %arg8[%mul3A_85] : memref<10000xi32, #tpu.memory_space<vmem>> -> memref<80xi32, #tpu.memory_space<vmem>>
      %dma_start3A_87 = arith.constant 0 : i32
      %dma_start3A_88 = arith.constant 0 : i32
      %dma_start3A_89 = tpu.memref_slice %arg3[%dma_start3A_87, %dma_start3A_88] : memref<10000x128xf32, #tpu.memory_space<hbm>> -> memref<10000x128xf32, #tpu.memory_space<hbm>>
      tpu.enqueue_indirect_dma source(%dma_start3A_89 : memref<10000x128xf32, #tpu.memory_space<hbm>>) target(%arg11 : memref<80x128xf32, #tpu.memory_space<vmem>>) offsets(%dma_start3A_86 : memref<80xi32, #tpu.memory_space<vmem>>) semaphore(%arg15 : memref<!tpu.dma_semaphore, #tpu.memory_space<semaphore_mem>>)
      %add3A_90 = arith.constant 1 : i32
      %add3A_91 = arith.addi %mul3A_39, %add3A_90 : i32
      %mul3A_92 = arith.constant 80 : i32
      %mul3A_93 = arith.muli %add3A_91, %mul3A_92 : i32
      %dma_wait3A_94 = tpu.memref_slice %arg7[%mul3A_93] : memref<10000xi32, #tpu.memory_space<vmem>> -> memref<80xi32, #tpu.memory_space<vmem>>
      %dma_wait3A_95 = arith.constant 0 : i32
      %dma_wait3A_96 = arith.constant 0 : i32
      %dma_wait3A_97 = tpu.memref_slice %arg2[%dma_wait3A_95, %dma_wait3A_96] : memref<10000x128xf32, #tpu.memory_space<hbm>> -> memref<10000x128xf32, #tpu.memory_space<hbm>>
      tpu.wait_indirect_dma semaphore(%arg14 : memref<!tpu.dma_semaphore, #tpu.memory_space<semaphore_mem>>) src(%dma_wait3A_97 : memref<10000x128xf32, #tpu.memory_space<hbm>>) dst(%arg10 : memref<80x128xf32, #tpu.memory_space<vmem>>)
      %mul3A_98 = arith.constant 80 : i32
      %mul3A_99 = arith.muli %add3A_91, %mul3A_98 : i32
      %dma_wait3A_100 = tpu.memref_slice %arg8[%mul3A_99] : memref<10000xi32, #tpu.memory_space<vmem>> -> memref<80xi32, #tpu.memory_space<vmem>>
      %dma_wait3A_101 = arith.constant 0 : i32
      %dma_wait3A_102 = arith.constant 0 : i32
      %dma_wait3A_103 = tpu.memref_slice %arg3[%dma_wait3A_101, %dma_wait3A_102] : memref<10000x128xf32, #tpu.memory_space<hbm>> -> memref<10000x128xf32, #tpu.memory_space<hbm>>
      tpu.wait_indirect_dma semaphore(%arg16 : memref<!tpu.dma_semaphore, #tpu.memory_space<semaphore_mem>>) src(%dma_wait3A_103 : memref<10000x128xf32, #tpu.memory_space<hbm>>) dst(%arg12 : memref<80x128xf32, #tpu.memory_space<vmem>>)
      %scan3A_104 = arith.constant 0 : i32
      %scan3A_105 = arith.constant 0 : i32
      %scan3A_106 = arith.constant 80 : i32
      %scan3A_107 = arith.addi %scan3A_105, %scan3A_106 : i32
      %scan3A_108 = arith.constant 1 : i32
      %scan3A_109 = scf.for %scan3A_115 = %scan3A_105 to %scan3A_107 step %scan3A_108 iter_args(%scan3A_116 = %scan3A_104) -> (i32)  : i32 {
        %get3A = arith.index_cast %scan3A_115 : i32 to index
        %get3A_117 = arith.constant 0 : index
        %get3A_118 = tpu.vector_load %arg10[%get3A, %get3A_117] {strides = array<i32>} : memref<80x128xf32, #tpu.memory_space<vmem>>, vector<1x16xf32>,
        %get3A_119 = vector.shape_cast %get3A_118 : vector<1x16xf32> to vector<16xf32>
        %get3A_120 = arith.index_cast %scan3A_115 : i32 to index
        %get3A_121 = arith.constant 0 : index
        %get3A_122 = tpu.vector_load %arg12[%get3A_120, %get3A_121] {strides = array<i32>} : memref<80x128xf32, #tpu.memory_space<vmem>>, vector<1x16xf32>,
        %get3A_123 = vector.shape_cast %get3A_122 : vector<1x16xf32> to vector<16xf32>
        %add3A_124 = arith.addf %get3A_119, %get3A_123 : vector<16xf32>
        %swap3A = arith.index_cast %scan3A_115 : i32 to index
        %swap3A_125 = arith.constant 0 : index
        %swap3A_126 = tpu.vector_load %arg10[%swap3A, %swap3A_125] {strides = array<i32>} : memref<80x128xf32, #tpu.memory_space<vmem>>, vector<1x16xf32>,
        %swap3A_127 = vector.shape_cast %swap3A_126 : vector<1x16xf32> to vector<16xf32>
        %swap3A_128 = vector.shape_cast %add3A_124 : vector<16xf32> to vector<1x16xf32>
        tpu.vector_store %arg10[%swap3A, %swap3A_125], %swap3A_128 {strides = array<i32>} : memref<80x128xf32, #tpu.memory_space<vmem>>, vector<1x16xf32>,
        %get3A_129 = arith.index_cast %scan3A_115 : i32 to index
        %get3A_130 = arith.constant 16 : index
        %get3A_131 = tpu.vector_load %arg10[%get3A_129, %get3A_130] {strides = array<i32>} : memref<80x128xf32, #tpu.memory_space<vmem>>, vector<1x16xf32>,
        %get3A_132 = vector.shape_cast %get3A_131 : vector<1x16xf32> to vector<16xf32>
        %get3A_133 = arith.index_cast %scan3A_115 : i32 to index
        %get3A_134 = arith.constant 16 : index
        %get3A_135 = tpu.vector_load %arg12[%get3A_133, %get3A_134] {strides = array<i32>} : memref<80x128xf32, #tpu.memory_space<vmem>>, vector<1x16xf32>,
        %get3A_136 = vector.shape_cast %get3A_135 : vector<1x16xf32> to vector<16xf32>
        %add3A_137 = arith.addf %get3A_132, %get3A_136 : vector<16xf32>
        %swap3A_138 = arith.index_cast %scan3A_115 : i32 to index
        %swap3A_139 = arith.constant 16 : index
        %swap3A_140 = tpu.vector_load %arg10[%swap3A_138, %swap3A_139] {strides = array<i32>} : memref<80x128xf32, #tpu.memory_space<vmem>>, vector<1x16xf32>,
        %swap3A_141 = vector.shape_cast %swap3A_140 : vector<1x16xf32> to vector<16xf32>
        %swap3A_142 = vector.shape_cast %add3A_137 : vector<16xf32> to vector<1x16xf32>
        tpu.vector_store %arg10[%swap3A_138, %swap3A_139], %swap3A_142 {strides = array<i32>} : memref<80x128xf32, #tpu.memory_space<vmem>>, vector<1x16xf32>,
        %get3A_143 = arith.index_cast %scan3A_115 : i32 to index
        %get3A_144 = arith.constant 32 : index
        %get3A_145 = tpu.vector_load %arg10[%get3A_143, %get3A_144] {strides = array<i32>} : memref<80x128xf32, #tpu.memory_space<vmem>>, vector<1x16xf32>,
        %get3A_146 = vector.shape_cast %get3A_145 : vector<1x16xf32> to vector<16xf32>
        %get3A_147 = arith.index_cast %scan3A_115 : i32 to index
        %get3A_148 = arith.constant 32 : index
        %get3A_149 = tpu.vector_load %arg12[%get3A_147, %get3A_148] {strides = array<i32>} : memref<80x128xf32, #tpu.memory_space<vmem>>, vector<1x16xf32>,
        %get3A_150 = vector.shape_cast %get3A_149 : vector<1x16xf32> to vector<16xf32>
        %add3A_151 = arith.addf %get3A_146, %get3A_150 : vector<16xf32>
        %swap3A_152 = arith.index_cast %scan3A_115 : i32 to index
        %swap3A_153 = arith.constant 32 : index
        %swap3A_154 = tpu.vector_load %arg10[%swap3A_152, %swap3A_153] {strides = array<i32>} : memref<80x128xf32, #tpu.memory_space<vmem>>, vector<1x16xf32>,
        %swap3A_155 = vector.shape_cast %swap3A_154 : vector<1x16xf32> to vector<16xf32>
        %swap3A_156 = vector.shape_cast %add3A_151 : vector<16xf32> to vector<1x16xf32>
        tpu.vector_store %arg10[%swap3A_152, %swap3A_153], %swap3A_156 {strides = array<i32>} : memref<80x128xf32, #tpu.memory_space<vmem>>, vector<1x16xf32>,
        %get3A_157 = arith.index_cast %scan3A_115 : i32 to index
        %get3A_158 = arith.constant 48 : index
        %get3A_159 = tpu.vector_load %arg10[%get3A_157, %get3A_158] {strides = array<i32>} : memref<80x128xf32, #tpu.memory_space<vmem>>, vector<1x16xf32>,
        %get3A_160 = vector.shape_cast %get3A_159 : vector<1x16xf32> to vector<16xf32>
        %get3A_161 = arith.index_cast %scan3A_115 : i32 to index
        %get3A_162 = arith.constant 48 : index
        %get3A_163 = tpu.vector_load %arg12[%get3A_161, %get3A_162] {strides = array<i32>} : memref<80x128xf32, #tpu.memory_space<vmem>>, vector<1x16xf32>,
        %get3A_164 = vector.shape_cast %get3A_163 : vector<1x16xf32> to vector<16xf32>
        %add3A_165 = arith.addf %get3A_160, %get3A_164 : vector<16xf32>
        %swap3A_166 = arith.index_cast %scan3A_115 : i32 to index
        %swap3A_167 = arith.constant 48 : index
        %swap3A_168 = tpu.vector_load %arg10[%swap3A_166, %swap3A_167] {strides = array<i32>} : memref<80x128xf32, #tpu.memory_space<vmem>>, vector<1x16xf32>,
        %swap3A_169 = vector.shape_cast %swap3A_168 : vector<1x16xf32> to vector<16xf32>
        %swap3A_170 = vector.shape_cast %add3A_165 : vector<16xf32> to vector<1x16xf32>
        tpu.vector_store %arg10[%swap3A_166, %swap3A_167], %swap3A_170 {strides = array<i32>} : memref<80x128xf32, #tpu.memory_space<vmem>>, vector<1x16xf32>,
        %get3A_171 = arith.index_cast %scan3A_115 : i32 to index
        %get3A_172 = arith.constant 64 : index
        %get3A_173 = tpu.vector_load %arg10[%get3A_171, %get3A_172] {strides = array<i32>} : memref<80x128xf32, #tpu.memory_space<vmem>>, vector<1x16xf32>,
        %get3A_174 = vector.shape_cast %get3A_173 : vector<1x16xf32> to vector<16xf32>
        %get3A_175 = arith.index_cast %scan3A_115 : i32 to index
        %get3A_176 = arith.constant 64 : index
        %get3A_177 = tpu.vector_load %arg12[%get3A_175, %get3A_176] {strides = array<i32>} : memref<80x128xf32, #tpu.memory_space<vmem>>, vector<1x16xf32>,
        %get3A_178 = vector.shape_cast %get3A_177 : vector<1x16xf32> to vector<16xf32>
        %add3A_179 = arith.addf %get3A_174, %get3A_178 : vector<16xf32>
        %swap3A_180 = arith.index_cast %scan3A_115 : i32 to index
        %swap3A_181 = arith.constant 64 : index
        %swap3A_182 = tpu.vector_load %arg10[%swap3A_180, %swap3A_181] {strides = array<i32>} : memref<80x128xf32, #tpu.memory_space<vmem>>, vector<1x16xf32>,
        %swap3A_183 = vector.shape_cast %swap3A_182 : vector<1x16xf32> to vector<16xf32>
        %swap3A_184 = vector.shape_cast %add3A_179 : vector<16xf32> to vector<1x16xf32>
        tpu.vector_store %arg10[%swap3A_180, %swap3A_181], %swap3A_184 {strides = array<i32>} : memref<80x128xf32, #tpu.memory_space<vmem>>, vector<1x16xf32>,
        %get3A_185 = arith.index_cast %scan3A_115 : i32 to index
        %get3A_186 = arith.constant 80 : index
        %get3A_187 = tpu.vector_load %arg10[%get3A_185, %get3A_186] {strides = array<i32>} : memref<80x128xf32, #tpu.memory_space<vmem>>, vector<1x16xf32>,
        %get3A_188 = vector.shape_cast %get3A_187 : vector<1x16xf32> to vector<16xf32>
        %get3A_189 = arith.index_cast %scan3A_115 : i32 to index
        %get3A_190 = arith.constant 80 : index
        %get3A_191 = tpu.vector_load %arg12[%get3A_189, %get3A_190] {strides = array<i32>} : memref<80x128xf32, #tpu.memory_space<vmem>>, vector<1x16xf32>,
        %get3A_192 = vector.shape_cast %get3A_191 : vector<1x16xf32> to vector<16xf32>
        %add3A_193 = arith.addf %get3A_188, %get3A_192 : vector<16xf32>
        %swap3A_194 = arith.index_cast %scan3A_115 : i32 to index
        %swap3A_195 = arith.constant 80 : index
        %swap3A_196 = tpu.vector_load %arg10[%swap3A_194, %swap3A_195] {strides = array<i32>} : memref<80x128xf32, #tpu.memory_space<vmem>>, vector<1x16xf32>,
        %swap3A_197 = vector.shape_cast %swap3A_196 : vector<1x16xf32> to vector<16xf32>
        %swap3A_198 = vector.shape_cast %add3A_193 : vector<16xf32> to vector<1x16xf32>
        tpu.vector_store %arg10[%swap3A_194, %swap3A_195], %swap3A_198 {strides = array<i32>} : memref<80x128xf32, #tpu.memory_space<vmem>>, vector<1x16xf32>,
        %get3A_199 = arith.index_cast %scan3A_115 : i32 to index
        %get3A_200 = arith.constant 96 : index
        %get3A_201 = tpu.vector_load %arg10[%get3A_199, %get3A_200] {strides = array<i32>} : memref<80x128xf32, #tpu.memory_space<vmem>>, vector<1x16xf32>,
        %get3A_202 = vector.shape_cast %get3A_201 : vector<1x16xf32> to vector<16xf32>
        %get3A_203 = arith.index_cast %scan3A_115 : i32 to index
        %get3A_204 = arith.constant 96 : index
        %get3A_205 = tpu.vector_load %arg12[%get3A_203, %get3A_204] {strides = array<i32>} : memref<80x128xf32, #tpu.memory_space<vmem>>, vector<1x16xf32>,
        %get3A_206 = vector.shape_cast %get3A_205 : vector<1x16xf32> to vector<16xf32>
        %add3A_207 = arith.addf %get3A_202, %get3A_206 : vector<16xf32>
        %swap3A_208 = arith.index_cast %scan3A_115 : i32 to index
        %swap3A_209 = arith.constant 96 : index
        %swap3A_210 = tpu.vector_load %arg10[%swap3A_208, %swap3A_209] {strides = array<i32>} : memref<80x128xf32, #tpu.memory_space<vmem>>, vector<1x16xf32>,
        %swap3A_211 = vector.shape_cast %swap3A_210 : vector<1x16xf32> to vector<16xf32>
        %swap3A_212 = vector.shape_cast %add3A_207 : vector<16xf32> to vector<1x16xf32>
        tpu.vector_store %arg10[%swap3A_208, %swap3A_209], %swap3A_212 {strides = array<i32>} : memref<80x128xf32, #tpu.memory_space<vmem>>, vector<1x16xf32>,
        %get3A_213 = arith.index_cast %scan3A_115 : i32 to index
        %get3A_214 = arith.constant 112 : index
        %get3A_215 = tpu.vector_load %arg10[%get3A_213, %get3A_214] {strides = array<i32>} : memref<80x128xf32, #tpu.memory_space<vmem>>, vector<1x16xf32>,
        %get3A_216 = vector.shape_cast %get3A_215 : vector<1x16xf32> to vector<16xf32>
        %get3A_217 = arith.index_cast %scan3A_115 : i32 to index
        %get3A_218 = arith.constant 112 : index
        %get3A_219 = tpu.vector_load %arg12[%get3A_217, %get3A_218] {strides = array<i32>} : memref<80x128xf32, #tpu.memory_space<vmem>>, vector<1x16xf32>,
        %get3A_220 = vector.shape_cast %get3A_219 : vector<1x16xf32> to vector<16xf32>
        %add3A_221 = arith.addf %get3A_216, %get3A_220 : vector<16xf32>
        %swap3A_222 = arith.index_cast %scan3A_115 : i32 to index
        %swap3A_223 = arith.constant 112 : index
        %swap3A_224 = tpu.vector_load %arg10[%swap3A_222, %swap3A_223] {strides = array<i32>} : memref<80x128xf32, #tpu.memory_space<vmem>>, vector<1x16xf32>,
        %swap3A_225 = vector.shape_cast %swap3A_224 : vector<1x16xf32> to vector<16xf32>
        %swap3A_226 = vector.shape_cast %add3A_221 : vector<16xf32> to vector<1x16xf32>
        tpu.vector_store %arg10[%swap3A_222, %swap3A_223], %swap3A_226 {strides = array<i32>} : memref<80x128xf32, #tpu.memory_space<vmem>>, vector<1x16xf32>,
        %scan3A_227 = arith.constant 0 : i32
        scf.yield %scan3A_227 : i32
      }
      %scan3A_110 = arith.constant 80 : i32
      %mul3A_111 = arith.constant 80 : i32
      %mul3A_112 = arith.muli %add3A_91, %mul3A_111 : i32
      %add3A_113 = arith.addi %mul3A_2, %mul3A_112 : i32
      "tpu.region"() ({
        %run_scoped3A = tpu.sem_alloc : memref<!tpu.dma_semaphore, #tpu.memory_space<semaphore_mem>>
        %dma_start3A_115 = arith.constant 0 : i32
        %dma_start3A_116 = tpu.memref_slice %arg6[%add3A_113, %dma_start3A_115] : memref<320000x128xf32, #tpu.memory_space<hbm>> -> memref<80x128xf32, #tpu.memory_space<hbm>>
        %dma_start3A_117 = arith.constant 0 : i32
        %dma_start3A_118 = tpu.memref_slice %arg6[%add3A_113, %dma_start3A_117] : memref<320000x128xf32, #tpu.memory_space<hbm>> -> memref<80x128xf32, #tpu.memory_space<hbm>>
        tpu.enqueue_dma source(%arg10 : memref<80x128xf32, #tpu.memory_space<vmem>>) target(%dma_start3A_118 : memref<80x128xf32, #tpu.memory_space<hbm>>) target_semaphore(%run_scoped3A : memref<!tpu.dma_semaphore, #tpu.memory_space<semaphore_mem>>)
        %dma_wait3A_119 = arith.constant 0 : i32
        %dma_wait3A_120 = tpu.memref_slice %arg6[%add3A_113, %dma_wait3A_119] : memref<320000x128xf32, #tpu.memory_space<hbm>> -> memref<80x128xf32, #tpu.memory_space<hbm>>
        %dma_wait3A_121 = arith.constant 0 : i32
        %dma_wait3A_122 = tpu.memref_slice %arg6[%add3A_113, %dma_wait3A_121] : memref<320000x128xf32, #tpu.memory_space<hbm>> -> memref<80x128xf32, #tpu.memory_space<hbm>>
        tpu.wait_dma2 semaphore(%run_scoped3A : memref<!tpu.dma_semaphore, #tpu.memory_space<semaphore_mem>>) src(%arg10 : memref<80x128xf32, #tpu.memory_space<vmem>>) dst(%dma_wait3A_122 : memref<80x128xf32, #tpu.memory_space<hbm>>)
        tpu.yield
      }) : () -> ()
      %scan3A_114 = arith.constant 0 : i32
      scf.yield %scan3A_114 : i32
    }
    %scan3A_17 = arith.constant 62 : i32
    %dma_wait3A = arith.constant 9920 : i32
    %dma_wait3A_18 = tpu.memref_slice %arg7[%dma_wait3A] : memref<10000xi32, #tpu.memory_space<vmem>> -> memref<80xi32, #tpu.memory_space<vmem>>
    %dma_wait3A_19 = arith.constant 0 : i32
    %dma_wait3A_20 = arith.constant 0 : i32
    %dma_wait3A_21 = tpu.memref_slice %arg2[%dma_wait3A_19, %dma_wait3A_20] : memref<10000x128xf32, #tpu.memory_space<hbm>> -> memref<10000x128xf32, #tpu.memory_space<hbm>>
    tpu.wait_indirect_dma semaphore(%arg13 : memref<!tpu.dma_semaphore, #tpu.memory_space<semaphore_mem>>) src(%dma_wait3A_21 : memref<10000x128xf32, #tpu.memory_space<hbm>>) dst(%arg9 : memref<80x128xf32, #tpu.memory_space<vmem>>)
    %dma_wait3A_22 = arith.constant 9920 : i32
    %dma_wait3A_23 = tpu.memref_slice %arg8[%dma_wait3A_22] : memref<10000xi32, #tpu.memory_space<vmem>> -> memref<80xi32, #tpu.memory_space<vmem>>
    %dma_wait3A_24 = arith.constant 0 : i32
    %dma_wait3A_25 = arith.constant 0 : i32
    %dma_wait3A_26 = tpu.memref_slice %arg3[%dma_wait3A_24, %dma_wait3A_25] : memref<10000x128xf32, #tpu.memory_space<hbm>> -> memref<10000x128xf32, #tpu.memory_space<hbm>>
    tpu.wait_indirect_dma semaphore(%arg15 : memref<!tpu.dma_semaphore, #tpu.memory_space<semaphore_mem>>) src(%dma_wait3A_26 : memref<10000x128xf32, #tpu.memory_space<hbm>>) dst(%arg11 : memref<80x128xf32, #tpu.memory_space<vmem>>)
    %scan3A_27 = arith.constant 0 : i32
    %scan3A_28 = arith.constant 0 : i32
    %scan3A_29 = arith.constant 80 : i32
    %scan3A_30 = arith.addi %scan3A_28, %scan3A_29 : i32
    %scan3A_31 = arith.constant 1 : i32
    %scan3A_32 = scf.for %scan3A_36 = %scan3A_28 to %scan3A_30 step %scan3A_31 iter_args(%scan3A_37 = %scan3A_27) -> (i32)  : i32 {
      %get3A = arith.index_cast %scan3A_36 : i32 to index
      %get3A_38 = arith.constant 0 : index
      %get3A_39 = tpu.vector_load %arg9[%get3A, %get3A_38] {strides = array<i32>} : memref<80x128xf32, #tpu.memory_space<vmem>>, vector<1x16xf32>,
      %get3A_40 = vector.shape_cast %get3A_39 : vector<1x16xf32> to vector<16xf32>
      %get3A_41 = arith.index_cast %scan3A_36 : i32 to index
      %get3A_42 = arith.constant 0 : index
      %get3A_43 = tpu.vector_load %arg11[%get3A_41, %get3A_42] {strides = array<i32>} : memref<80x128xf32, #tpu.memory_space<vmem>>, vector<1x16xf32>,
      %get3A_44 = vector.shape_cast %get3A_43 : vector<1x16xf32> to vector<16xf32>
      %add3A_45 = arith.addf %get3A_40, %get3A_44 : vector<16xf32>
      %swap3A = arith.index_cast %scan3A_36 : i32 to index
      %swap3A_46 = arith.constant 0 : index
      %swap3A_47 = tpu.vector_load %arg9[%swap3A, %swap3A_46] {strides = array<i32>} : memref<80x128xf32, #tpu.memory_space<vmem>>, vector<1x16xf32>,
      %swap3A_48 = vector.shape_cast %swap3A_47 : vector<1x16xf32> to vector<16xf32>
      %swap3A_49 = vector.shape_cast %add3A_45 : vector<16xf32> to vector<1x16xf32>
      tpu.vector_store %arg9[%swap3A, %swap3A_46], %swap3A_49 {strides = array<i32>} : memref<80x128xf32, #tpu.memory_space<vmem>>, vector<1x16xf32>,
      %get3A_50 = arith.index_cast %scan3A_36 : i32 to index
      %get3A_51 = arith.constant 16 : index
      %get3A_52 = tpu.vector_load %arg9[%get3A_50, %get3A_51] {strides = array<i32>} : memref<80x128xf32, #tpu.memory_space<vmem>>, vector<1x16xf32>,
      %get3A_53 = vector.shape_cast %get3A_52 : vector<1x16xf32> to vector<16xf32>
      %get3A_54 = arith.index_cast %scan3A_36 : i32 to index
      %get3A_55 = arith.constant 16 : index
      %get3A_56 = tpu.vector_load %arg11[%get3A_54, %get3A_55] {strides = array<i32>} : memref<80x128xf32, #tpu.memory_space<vmem>>, vector<1x16xf32>,
      %get3A_57 = vector.shape_cast %get3A_56 : vector<1x16xf32> to vector<16xf32>
      %add3A_58 = arith.addf %get3A_53, %get3A_57 : vector<16xf32>
      %swap3A_59 = arith.index_cast %scan3A_36 : i32 to index
      %swap3A_60 = arith.constant 16 : index
      %swap3A_61 = tpu.vector_load %arg9[%swap3A_59, %swap3A_60] {strides = array<i32>} : memref<80x128xf32, #tpu.memory_space<vmem>>, vector<1x16xf32>,
      %swap3A_62 = vector.shape_cast %swap3A_61 : vector<1x16xf32> to vector<16xf32>
      %swap3A_63 = vector.shape_cast %add3A_58 : vector<16xf32> to vector<1x16xf32>
      tpu.vector_store %arg9[%swap3A_59, %swap3A_60], %swap3A_63 {strides = array<i32>} : memref<80x128xf32, #tpu.memory_space<vmem>>, vector<1x16xf32>,
      %get3A_64 = arith.index_cast %scan3A_36 : i32 to index
      %get3A_65 = arith.constant 32 : index
      %get3A_66 = tpu.vector_load %arg9[%get3A_64, %get3A_65] {strides = array<i32>} : memref<80x128xf32, #tpu.memory_space<vmem>>, vector<1x16xf32>,
      %get3A_67 = vector.shape_cast %get3A_66 : vector<1x16xf32> to vector<16xf32>
      %get3A_68 = arith.index_cast %scan3A_36 : i32 to index
      %get3A_69 = arith.constant 32 : index
      %get3A_70 = tpu.vector_load %arg11[%get3A_68, %get3A_69] {strides = array<i32>} : memref<80x128xf32, #tpu.memory_space<vmem>>, vector<1x16xf32>,
      %get3A_71 = vector.shape_cast %get3A_70 : vector<1x16xf32> to vector<16xf32>
      %add3A_72 = arith.addf %get3A_67, %get3A_71 : vector<16xf32>
      %swap3A_73 = arith.index_cast %scan3A_36 : i32 to index
      %swap3A_74 = arith.constant 32 : index
      %swap3A_75 = tpu.vector_load %arg9[%swap3A_73, %swap3A_74] {strides = array<i32>} : memref<80x128xf32, #tpu.memory_space<vmem>>, vector<1x16xf32>,
      %swap3A_76 = vector.shape_cast %swap3A_75 : vector<1x16xf32> to vector<16xf32>
      %swap3A_77 = vector.shape_cast %add3A_72 : vector<16xf32> to vector<1x16xf32>
      tpu.vector_store %arg9[%swap3A_73, %swap3A_74], %swap3A_77 {strides = array<i32>} : memref<80x128xf32, #tpu.memory_space<vmem>>, vector<1x16xf32>,
      %get3A_78 = arith.index_cast %scan3A_36 : i32 to index
      %get3A_79 = arith.constant 48 : index
      %get3A_80 = tpu.vector_load %arg9[%get3A_78, %get3A_79] {strides = array<i32>} : memref<80x128xf32, #tpu.memory_space<vmem>>, vector<1x16xf32>,
      %get3A_81 = vector.shape_cast %get3A_80 : vector<1x16xf32> to vector<16xf32>
      %get3A_82 = arith.index_cast %scan3A_36 : i32 to index
      %get3A_83 = arith.constant 48 : index
      %get3A_84 = tpu.vector_load %arg11[%get3A_82, %get3A_83] {strides = array<i32>} : memref<80x128xf32, #tpu.memory_space<vmem>>, vector<1x16xf32>,
      %get3A_85 = vector.shape_cast %get3A_84 : vector<1x16xf32> to vector<16xf32>
      %add3A_86 = arith.addf %get3A_81, %get3A_85 : vector<16xf32>
      %swap3A_87 = arith.index_cast %scan3A_36 : i32 to index
      %swap3A_88 = arith.constant 48 : index
      %swap3A_89 = tpu.vector_load %arg9[%swap3A_87, %swap3A_88] {strides = array<i32>} : memref<80x128xf32, #tpu.memory_space<vmem>>, vector<1x16xf32>,
      %swap3A_90 = vector.shape_cast %swap3A_89 : vector<1x16xf32> to vector<16xf32>
      %swap3A_91 = vector.shape_cast %add3A_86 : vector<16xf32> to vector<1x16xf32>
      tpu.vector_store %arg9[%swap3A_87, %swap3A_88], %swap3A_91 {strides = array<i32>} : memref<80x128xf32, #tpu.memory_space<vmem>>, vector<1x16xf32>,
      %get3A_92 = arith.index_cast %scan3A_36 : i32 to index
      %get3A_93 = arith.constant 64 : index
      %get3A_94 = tpu.vector_load %arg9[%get3A_92, %get3A_93] {strides = array<i32>} : memref<80x128xf32, #tpu.memory_space<vmem>>, vector<1x16xf32>,
      %get3A_95 = vector.shape_cast %get3A_94 : vector<1x16xf32> to vector<16xf32>
      %get3A_96 = arith.index_cast %scan3A_36 : i32 to index
      %get3A_97 = arith.constant 64 : index
      %get3A_98 = tpu.vector_load %arg11[%get3A_96, %get3A_97] {strides = array<i32>} : memref<80x128xf32, #tpu.memory_space<vmem>>, vector<1x16xf32>,
      %get3A_99 = vector.shape_cast %get3A_98 : vector<1x16xf32> to vector<16xf32>
      %add3A_100 = arith.addf %get3A_95, %get3A_99 : vector<16xf32>
      %swap3A_101 = arith.index_cast %scan3A_36 : i32 to index
      %swap3A_102 = arith.constant 64 : index
      %swap3A_103 = tpu.vector_load %arg9[%swap3A_101, %swap3A_102] {strides = array<i32>} : memref<80x128xf32, #tpu.memory_space<vmem>>, vector<1x16xf32>,
      %swap3A_104 = vector.shape_cast %swap3A_103 : vector<1x16xf32> to vector<16xf32>
      %swap3A_105 = vector.shape_cast %add3A_100 : vector<16xf32> to vector<1x16xf32>
      tpu.vector_store %arg9[%swap3A_101, %swap3A_102], %swap3A_105 {strides = array<i32>} : memref<80x128xf32, #tpu.memory_space<vmem>>, vector<1x16xf32>,
      %get3A_106 = arith.index_cast %scan3A_36 : i32 to index
      %get3A_107 = arith.constant 80 : index
      %get3A_108 = tpu.vector_load %arg9[%get3A_106, %get3A_107] {strides = array<i32>} : memref<80x128xf32, #tpu.memory_space<vmem>>, vector<1x16xf32>,
      %get3A_109 = vector.shape_cast %get3A_108 : vector<1x16xf32> to vector<16xf32>
      %get3A_110 = arith.index_cast %scan3A_36 : i32 to index
      %get3A_111 = arith.constant 80 : index
      %get3A_112 = tpu.vector_load %arg11[%get3A_110, %get3A_111] {strides = array<i32>} : memref<80x128xf32, #tpu.memory_space<vmem>>, vector<1x16xf32>,
      %get3A_113 = vector.shape_cast %get3A_112 : vector<1x16xf32> to vector<16xf32>
      %add3A_114 = arith.addf %get3A_109, %get3A_113 : vector<16xf32>
      %swap3A_115 = arith.index_cast %scan3A_36 : i32 to index
      %swap3A_116 = arith.constant 80 : index
      %swap3A_117 = tpu.vector_load %arg9[%swap3A_115, %swap3A_116] {strides = array<i32>} : memref<80x128xf32, #tpu.memory_space<vmem>>, vector<1x16xf32>,
      %swap3A_118 = vector.shape_cast %swap3A_117 : vector<1x16xf32> to vector<16xf32>
      %swap3A_119 = vector.shape_cast %add3A_114 : vector<16xf32> to vector<1x16xf32>
      tpu.vector_store %arg9[%swap3A_115, %swap3A_116], %swap3A_119 {strides = array<i32>} : memref<80x128xf32, #tpu.memory_space<vmem>>, vector<1x16xf32>,
      %get3A_120 = arith.index_cast %scan3A_36 : i32 to index
      %get3A_121 = arith.constant 96 : index
      %get3A_122 = tpu.vector_load %arg9[%get3A_120, %get3A_121] {strides = array<i32>} : memref<80x128xf32, #tpu.memory_space<vmem>>, vector<1x16xf32>,
      %get3A_123 = vector.shape_cast %get3A_122 : vector<1x16xf32> to vector<16xf32>
      %get3A_124 = arith.index_cast %scan3A_36 : i32 to index
      %get3A_125 = arith.constant 96 : index
      %get3A_126 = tpu.vector_load %arg11[%get3A_124, %get3A_125] {strides = array<i32>} : memref<80x128xf32, #tpu.memory_space<vmem>>, vector<1x16xf32>,
      %get3A_127 = vector.shape_cast %get3A_126 : vector<1x16xf32> to vector<16xf32>
      %add3A_128 = arith.addf %get3A_123, %get3A_127 : vector<16xf32>
      %swap3A_129 = arith.index_cast %scan3A_36 : i32 to index
      %swap3A_130 = arith.constant 96 : index
      %swap3A_131 = tpu.vector_load %arg9[%swap3A_129, %swap3A_130] {strides = array<i32>} : memref<80x128xf32, #tpu.memory_space<vmem>>, vector<1x16xf32>,
      %swap3A_132 = vector.shape_cast %swap3A_131 : vector<1x16xf32> to vector<16xf32>
      %swap3A_133 = vector.shape_cast %add3A_128 : vector<16xf32> to vector<1x16xf32>
      tpu.vector_store %arg9[%swap3A_129, %swap3A_130], %swap3A_133 {strides = array<i32>} : memref<80x128xf32, #tpu.memory_space<vmem>>, vector<1x16xf32>,
      %get3A_134 = arith.index_cast %scan3A_36 : i32 to index
      %get3A_135 = arith.constant 112 : index
      %get3A_136 = tpu.vector_load %arg9[%get3A_134, %get3A_135] {strides = array<i32>} : memref<80x128xf32, #tpu.memory_space<vmem>>, vector<1x16xf32>,
      %get3A_137 = vector.shape_cast %get3A_136 : vector<1x16xf32> to vector<16xf32>
      %get3A_138 = arith.index_cast %scan3A_36 : i32 to index
      %get3A_139 = arith.constant 112 : index
      %get3A_140 = tpu.vector_load %arg11[%get3A_138, %get3A_139] {strides = array<i32>} : memref<80x128xf32, #tpu.memory_space<vmem>>, vector<1x16xf32>,
      %get3A_141 = vector.shape_cast %get3A_140 : vector<1x16xf32> to vector<16xf32>
      %add3A_142 = arith.addf %get3A_137, %get3A_141 : vector<16xf32>
      %swap3A_143 = arith.index_cast %scan3A_36 : i32 to index
      %swap3A_144 = arith.constant 112 : index
      %swap3A_145 = tpu.vector_load %arg9[%swap3A_143, %swap3A_144] {strides = array<i32>} : memref<80x128xf32, #tpu.memory_space<vmem>>, vector<1x16xf32>,
      %swap3A_146 = vector.shape_cast %swap3A_145 : vector<1x16xf32> to vector<16xf32>
      %swap3A_147 = vector.shape_cast %add3A_142 : vector<16xf32> to vector<1x16xf32>
      tpu.vector_store %arg9[%swap3A_143, %swap3A_144], %swap3A_147 {strides = array<i32>} : memref<80x128xf32, #tpu.memory_space<vmem>>, vector<1x16xf32>,
      %scan3A_148 = arith.constant 0 : i32
      scf.yield %scan3A_148 : i32
    }
    %scan3A_33 = arith.constant 80 : i32
    %add3A_34 = arith.constant 9920 : i32
    %add3A_35 = arith.addi %mul3A_2, %add3A_34 : i32
    "tpu.region"() ({
      %run_scoped3A = tpu.sem_alloc : memref<!tpu.dma_semaphore, #tpu.memory_space<semaphore_mem>>
      %dma_start3A_36 = arith.constant 0 : i32
      %dma_start3A_37 = tpu.memref_slice %arg6[%add3A_35, %dma_start3A_36] : memref<320000x128xf32, #tpu.memory_space<hbm>> -> memref<80x128xf32, #tpu.memory_space<hbm>>
      %dma_start3A_38 = arith.constant 0 : i32
      %dma_start3A_39 = tpu.memref_slice %arg6[%add3A_35, %dma_start3A_38] : memref<320000x128xf32, #tpu.memory_space<hbm>> -> memref<80x128xf32, #tpu.memory_space<hbm>>
      tpu.enqueue_dma source(%arg9 : memref<80x128xf32, #tpu.memory_space<vmem>>) target(%dma_start3A_39 : memref<80x128xf32, #tpu.memory_space<hbm>>) target_semaphore(%run_scoped3A : memref<!tpu.dma_semaphore, #tpu.memory_space<semaphore_mem>>)
      %dma_wait3A_40 = arith.constant 0 : i32
      %dma_wait3A_41 = tpu.memref_slice %arg6[%add3A_35, %dma_wait3A_40] : memref<320000x128xf32, #tpu.memory_space<hbm>> -> memref<80x128xf32, #tpu.memory_space<hbm>>
      %dma_wait3A_42 = arith.constant 0 : i32
      %dma_wait3A_43 = tpu.memref_slice %arg6[%add3A_35, %dma_wait3A_42] : memref<320000x128xf32, #tpu.memory_space<hbm>> -> memref<80x128xf32, #tpu.memory_space<hbm>>
      tpu.wait_dma2 semaphore(%run_scoped3A : memref<!tpu.dma_semaphore, #tpu.memory_space<semaphore_mem>>) src(%arg9 : memref<80x128xf32, #tpu.memory_space<vmem>>) dst(%dma_wait3A_43 : memref<80x128xf32, #tpu.memory_space<hbm>>)
      tpu.yield
    }) : () -> ()
    return
  }
}

#map = affine_map<(d0, d1) -> (0, 0)>
#map1 = affine_map<(d0, d1) -> (0)>
#map2 = affine_map<(d0, d1) -> (0, 0, 0)>
module attributes {stable_mosaic.version = 14 : i64} {
  func.func @k(%arg0: i32, %arg1: i32, %arg2: memref<10000x128xf32, #tpu.memory_space<hbm>>, %arg3: memref<320000xi32, #tpu.memory_space<hbm>>, %arg4: memref<320000xi32, #tpu.memory_space<hbm>>, %arg5: memref<320000x128xf32, #tpu.memory_space<hbm>>, %arg6: memref<2x10240x128xf32, #tpu.memory_space<hbm>>, %arg7: memref<10000xi32, #tpu.memory_space<vmem>>, %arg8: memref<40xi32, #tpu.memory_space<vmem>>, %arg9: memref<40xi32, #tpu.memory_space<vmem>>, %arg10: memref<40x128xf32, #tpu.memory_space<vmem>>, %arg11: memref<40x128xf32, #tpu.memory_space<vmem>>, %arg12: memref<40x128xf32, #tpu.memory_space<vmem>>, %arg13: memref<40x128xf32, #tpu.memory_space<vmem>>, %arg14: memref<10240x128xf32, #tpu.memory_space<vmem_shared>>, %arg15: memref<!tpu.dma_semaphore, #tpu.memory_space<semaphore_mem>>, %arg16: memref<!tpu.dma_semaphore, #tpu.memory_space<semaphore_mem>>, %arg17: memref<!tpu.dma_semaphore, #tpu.memory_space<semaphore_mem>>, %arg18: memref<!tpu.dma_semaphore, #tpu.memory_space<semaphore_mem>>, %arg19: memref<!tpu.dma_semaphore, #tpu.memory_space<semaphore_mem>>, %arg20: memref<!tpu.dma_semaphore, #tpu.memory_space<semaphore_mem>>) attributes {dimension_semantics = [#tpu.dimension_semantics<core_parallel>, #tpu.dimension_semantics<subcore_parallel>], iteration_bounds = array<i64: 2, 16>, scalar_prefetch = 0 : i64, scratch_operands = 14 : i64, tpu.core_type = #tpu.core_type<sc_vector_subcore>, window_params = [{transform_indices = #map}, {transform_indices = #map1}, {transform_indices = #map1}, {transform_indices = #map}, {transform_indices = #map2}]} {
    %mul3A = arith.constant 16 : i32
    %mul3A_0 = arith.muli %arg0, %mul3A : i32
    %add3A = arith.addi %mul3A_0, %arg1 : i32
    %mul3A_1 = arith.constant 10000 : i32
    %mul3A_2 = arith.muli %add3A, %mul3A_1 : i32
    "tpu.region"() ({
      %run_scoped3A = tpu.sem_alloc : memref<!tpu.dma_semaphore, #tpu.memory_space<semaphore_mem>>
      %dma_start3A_92 = tpu.memref_slice %arg3[%mul3A_2] : memref<320000xi32, #tpu.memory_space<hbm>> -> memref<10000xi32, #tpu.memory_space<hbm>>
      %dma_start3A_93 = tpu.memref_slice %arg3[%mul3A_2] : memref<320000xi32, #tpu.memory_space<hbm>> -> memref<10000xi32, #tpu.memory_space<hbm>>
      tpu.enqueue_dma source(%dma_start3A_93 : memref<10000xi32, #tpu.memory_space<hbm>>) target(%arg7 : memref<10000xi32, #tpu.memory_space<vmem>>) target_semaphore(%run_scoped3A : memref<!tpu.dma_semaphore, #tpu.memory_space<semaphore_mem>>)
      %dma_wait3A_94 = tpu.memref_slice %arg3[%mul3A_2] : memref<320000xi32, #tpu.memory_space<hbm>> -> memref<10000xi32, #tpu.memory_space<hbm>>
      %dma_wait3A_95 = tpu.memref_slice %arg3[%mul3A_2] : memref<320000xi32, #tpu.memory_space<hbm>> -> memref<10000xi32, #tpu.memory_space<hbm>>
      tpu.wait_dma2 semaphore(%run_scoped3A : memref<!tpu.dma_semaphore, #tpu.memory_space<semaphore_mem>>) src(%dma_wait3A_95 : memref<10000xi32, #tpu.memory_space<hbm>>) dst(%arg7 : memref<10000xi32, #tpu.memory_space<vmem>>)
      tpu.yield
    }) : () -> ()
    %broadcast_in_dim3A = arith.constant 0.000000e+00 : f32
    %broadcast_in_dim3A_3 = vector.broadcast %broadcast_in_dim3A : f32 to vector<16xf32>
    %scan3A = arith.constant 0 : i32
    %scan3A_4 = arith.constant 0 : i32
    %scan3A_5 = arith.constant 40 : i32
    %scan3A_6 = arith.addi %scan3A_4, %scan3A_5 : i32
    %scan3A_7 = arith.constant 1 : i32
    %scan3A_8 = scf.for %scan3A_92 = %scan3A_4 to %scan3A_6 step %scan3A_7 iter_args(%scan3A_93 = %scan3A) -> (i32)  : i32 {
      %swap3A = arith.index_cast %scan3A_92 : i32 to index
      %swap3A_94 = arith.constant 0 : index
      %swap3A_95 = tpu.vector_load %arg10[%swap3A, %swap3A_94] {strides = array<i32>} : memref<40x128xf32, #tpu.memory_space<vmem>>, vector<1x16xf32>,
      %swap3A_96 = vector.shape_cast %swap3A_95 : vector<1x16xf32> to vector<16xf32>
      %swap3A_97 = vector.shape_cast %broadcast_in_dim3A_3 : vector<16xf32> to vector<1x16xf32>
      tpu.vector_store %arg10[%swap3A, %swap3A_94], %swap3A_97 {strides = array<i32>} : memref<40x128xf32, #tpu.memory_space<vmem>>, vector<1x16xf32>,
      %swap3A_98 = arith.index_cast %scan3A_92 : i32 to index
      %swap3A_99 = arith.constant 16 : index
      %swap3A_100 = tpu.vector_load %arg10[%swap3A_98, %swap3A_99] {strides = array<i32>} : memref<40x128xf32, #tpu.memory_space<vmem>>, vector<1x16xf32>,
      %swap3A_101 = vector.shape_cast %swap3A_100 : vector<1x16xf32> to vector<16xf32>
      %swap3A_102 = vector.shape_cast %broadcast_in_dim3A_3 : vector<16xf32> to vector<1x16xf32>
      tpu.vector_store %arg10[%swap3A_98, %swap3A_99], %swap3A_102 {strides = array<i32>} : memref<40x128xf32, #tpu.memory_space<vmem>>, vector<1x16xf32>,
      %swap3A_103 = arith.index_cast %scan3A_92 : i32 to index
      %swap3A_104 = arith.constant 32 : index
      %swap3A_105 = tpu.vector_load %arg10[%swap3A_103, %swap3A_104] {strides = array<i32>} : memref<40x128xf32, #tpu.memory_space<vmem>>, vector<1x16xf32>,
      %swap3A_106 = vector.shape_cast %swap3A_105 : vector<1x16xf32> to vector<16xf32>
      %swap3A_107 = vector.shape_cast %broadcast_in_dim3A_3 : vector<16xf32> to vector<1x16xf32>
      tpu.vector_store %arg10[%swap3A_103, %swap3A_104], %swap3A_107 {strides = array<i32>} : memref<40x128xf32, #tpu.memory_space<vmem>>, vector<1x16xf32>,
      %swap3A_108 = arith.index_cast %scan3A_92 : i32 to index
      %swap3A_109 = arith.constant 48 : index
      %swap3A_110 = tpu.vector_load %arg10[%swap3A_108, %swap3A_109] {strides = array<i32>} : memref<40x128xf32, #tpu.memory_space<vmem>>, vector<1x16xf32>,
      %swap3A_111 = vector.shape_cast %swap3A_110 : vector<1x16xf32> to vector<16xf32>
      %swap3A_112 = vector.shape_cast %broadcast_in_dim3A_3 : vector<16xf32> to vector<1x16xf32>
      tpu.vector_store %arg10[%swap3A_108, %swap3A_109], %swap3A_112 {strides = array<i32>} : memref<40x128xf32, #tpu.memory_space<vmem>>, vector<1x16xf32>,
      %swap3A_113 = arith.index_cast %scan3A_92 : i32 to index
      %swap3A_114 = arith.constant 64 : index
      %swap3A_115 = tpu.vector_load %arg10[%swap3A_113, %swap3A_114] {strides = array<i32>} : memref<40x128xf32, #tpu.memory_space<vmem>>, vector<1x16xf32>,
      %swap3A_116 = vector.shape_cast %swap3A_115 : vector<1x16xf32> to vector<16xf32>
      %swap3A_117 = vector.shape_cast %broadcast_in_dim3A_3 : vector<16xf32> to vector<1x16xf32>
      tpu.vector_store %arg10[%swap3A_113, %swap3A_114], %swap3A_117 {strides = array<i32>} : memref<40x128xf32, #tpu.memory_space<vmem>>, vector<1x16xf32>,
      %swap3A_118 = arith.index_cast %scan3A_92 : i32 to index
      %swap3A_119 = arith.constant 80 : index
      %swap3A_120 = tpu.vector_load %arg10[%swap3A_118, %swap3A_119] {strides = array<i32>} : memref<40x128xf32, #tpu.memory_space<vmem>>, vector<1x16xf32>,
      %swap3A_121 = vector.shape_cast %swap3A_120 : vector<1x16xf32> to vector<16xf32>
      %swap3A_122 = vector.shape_cast %broadcast_in_dim3A_3 : vector<16xf32> to vector<1x16xf32>
      tpu.vector_store %arg10[%swap3A_118, %swap3A_119], %swap3A_122 {strides = array<i32>} : memref<40x128xf32, #tpu.memory_space<vmem>>, vector<1x16xf32>,
      %swap3A_123 = arith.index_cast %scan3A_92 : i32 to index
      %swap3A_124 = arith.constant 96 : index
      %swap3A_125 = tpu.vector_load %arg10[%swap3A_123, %swap3A_124] {strides = array<i32>} : memref<40x128xf32, #tpu.memory_space<vmem>>, vector<1x16xf32>,
      %swap3A_126 = vector.shape_cast %swap3A_125 : vector<1x16xf32> to vector<16xf32>
      %swap3A_127 = vector.shape_cast %broadcast_in_dim3A_3 : vector<16xf32> to vector<1x16xf32>
      tpu.vector_store %arg10[%swap3A_123, %swap3A_124], %swap3A_127 {strides = array<i32>} : memref<40x128xf32, #tpu.memory_space<vmem>>, vector<1x16xf32>,
      %swap3A_128 = arith.index_cast %scan3A_92 : i32 to index
      %swap3A_129 = arith.constant 112 : index
      %swap3A_130 = tpu.vector_load %arg10[%swap3A_128, %swap3A_129] {strides = array<i32>} : memref<40x128xf32, #tpu.memory_space<vmem>>, vector<1x16xf32>,
      %swap3A_131 = vector.shape_cast %swap3A_130 : vector<1x16xf32> to vector<16xf32>
      %swap3A_132 = vector.shape_cast %broadcast_in_dim3A_3 : vector<16xf32> to vector<1x16xf32>
      tpu.vector_store %arg10[%swap3A_128, %swap3A_129], %swap3A_132 {strides = array<i32>} : memref<40x128xf32, #tpu.memory_space<vmem>>, vector<1x16xf32>,
      %scan3A_133 = arith.constant 0 : i32
      scf.yield %scan3A_133 : i32
    }
    %scan3A_9 = arith.constant 40 : i32
    %scan3A_10 = arith.constant 0 : i32
    %scan3A_11 = arith.constant 0 : i32
    %scan3A_12 = arith.constant 16 : i32
    %scan3A_13 = arith.addi %scan3A_11, %scan3A_12 : i32
    %scan3A_14 = arith.constant 1 : i32
    %scan3A_15 = scf.for %scan3A_92 = %scan3A_11 to %scan3A_13 step %scan3A_14 iter_args(%scan3A_93 = %scan3A_10) -> (i32)  : i32 {
      %mul3A_94 = arith.constant 640 : i32
      %mul3A_95 = arith.muli %arg1, %mul3A_94 : i32
      %mul3A_96 = arith.constant 40 : i32
      %mul3A_97 = arith.muli %scan3A_92, %mul3A_96 : i32
      %add3A_98 = arith.addi %mul3A_95, %mul3A_97 : i32
      "tpu.region"() ({
        %run_scoped3A = tpu.sem_alloc : memref<!tpu.dma_semaphore, #tpu.memory_space<semaphore_mem>>
        %dma_start3A_100 = arith.constant 0 : i32
        %dma_start3A_101 = tpu.memref_slice %arg14[%add3A_98, %dma_start3A_100] : memref<10240x128xf32, #tpu.memory_space<vmem_shared>> -> memref<40x128xf32, #tpu.memory_space<vmem_shared>>
        %dma_start3A_102 = arith.constant 0 : i32
        %dma_start3A_103 = tpu.memref_slice %arg14[%add3A_98, %dma_start3A_102] : memref<10240x128xf32, #tpu.memory_space<vmem_shared>> -> memref<40x128xf32, #tpu.memory_space<vmem_shared>>
        tpu.enqueue_dma source(%arg10 : memref<40x128xf32, #tpu.memory_space<vmem>>) target(%dma_start3A_103 : memref<40x128xf32, #tpu.memory_space<vmem_shared>>) target_semaphore(%run_scoped3A : memref<!tpu.dma_semaphore, #tpu.memory_space<semaphore_mem>>)
        %dma_wait3A_104 = arith.constant 0 : i32
        %dma_wait3A_105 = tpu.memref_slice %arg14[%add3A_98, %dma_wait3A_104] : memref<10240x128xf32, #tpu.memory_space<vmem_shared>> -> memref<40x128xf32, #tpu.memory_space<vmem_shared>>
        %dma_wait3A_106 = arith.constant 0 : i32
        %dma_wait3A_107 = tpu.memref_slice %arg14[%add3A_98, %dma_wait3A_106] : memref<10240x128xf32, #tpu.memory_space<vmem_shared>> -> memref<40x128xf32, #tpu.memory_space<vmem_shared>>
        tpu.wait_dma2 semaphore(%run_scoped3A : memref<!tpu.dma_semaphore, #tpu.memory_space<semaphore_mem>>) src(%arg10 : memref<40x128xf32, #tpu.memory_space<vmem>>) dst(%dma_wait3A_107 : memref<40x128xf32, #tpu.memory_space<vmem_shared>>)
        tpu.yield
      }) : () -> ()
      %scan3A_99 = arith.constant 0 : i32
      scf.yield %scan3A_99 : i32
    }
    %scan3A_16 = arith.constant 16 : i32
    %barrier3A = arith.constant 0 : index
    tpu.barrier barrier_id(%barrier3A)
    %dma_start3A = arith.constant 0 : i32
    %dma_start3A_17 = tpu.memref_slice %arg7[%dma_start3A] : memref<10000xi32, #tpu.memory_space<vmem>> -> memref<40xi32, #tpu.memory_space<vmem>>
    %dma_start3A_18 = arith.constant 0 : i32
    %dma_start3A_19 = arith.constant 0 : i32
    %dma_start3A_20 = tpu.memref_slice %arg2[%dma_start3A_18, %dma_start3A_19] : memref<10000x128xf32, #tpu.memory_space<hbm>> -> memref<10000x128xf32, #tpu.memory_space<hbm>>
    tpu.enqueue_indirect_dma source(%dma_start3A_20 : memref<10000x128xf32, #tpu.memory_space<hbm>>) target(%arg10 : memref<40x128xf32, #tpu.memory_space<vmem>>) offsets(%dma_start3A_17 : memref<40xi32, #tpu.memory_space<vmem>>) semaphore(%arg15 : memref<!tpu.dma_semaphore, #tpu.memory_space<semaphore_mem>>)
    %add3A_21 = arith.constant 0 : i32
    %add3A_22 = arith.addi %mul3A_2, %add3A_21 : i32
    %dma_start3A_23 = arith.constant 0 : i32
    %dma_start3A_24 = tpu.memref_slice %arg5[%add3A_22, %dma_start3A_23] : memref<320000x128xf32, #tpu.memory_space<hbm>> -> memref<40x128xf32, #tpu.memory_space<hbm>>
    %dma_start3A_25 = arith.constant 0 : i32
    %dma_start3A_26 = tpu.memref_slice %arg5[%add3A_22, %dma_start3A_25] : memref<320000x128xf32, #tpu.memory_space<hbm>> -> memref<40x128xf32, #tpu.memory_space<hbm>>
    tpu.enqueue_dma source(%dma_start3A_26 : memref<40x128xf32, #tpu.memory_space<hbm>>) target(%arg12 : memref<40x128xf32, #tpu.memory_space<vmem>>) target_semaphore(%arg17 : memref<!tpu.dma_semaphore, #tpu.memory_space<semaphore_mem>>)
    %scan3A_27 = arith.constant 0 : i32
    %scan3A_28 = arith.constant 0 : i32
    %scan3A_29 = arith.constant 124 : i32
    %scan3A_30 = arith.addi %scan3A_28, %scan3A_29 : i32
    %scan3A_31 = arith.constant 1 : i32
    %scan3A_32 = scf.for %scan3A_92 = %scan3A_28 to %scan3A_30 step %scan3A_31 iter_args(%scan3A_93 = %scan3A_27) -> (i32)  : i32 {
      %mul3A_94 = arith.constant 2 : i32
      %mul3A_95 = arith.muli %mul3A_94, %scan3A_92 : i32
      %add3A_96 = arith.constant 1 : i32
      %add3A_97 = arith.addi %mul3A_95, %add3A_96 : i32
      %mul3A_98 = arith.constant 40 : i32
      %mul3A_99 = arith.muli %add3A_97, %mul3A_98 : i32
      %dma_start3A_100 = tpu.memref_slice %arg7[%mul3A_99] : memref<10000xi32, #tpu.memory_space<vmem>> -> memref<40xi32, #tpu.memory_space<vmem>>
      %dma_start3A_101 = arith.constant 0 : i32
      %dma_start3A_102 = arith.constant 0 : i32
      %dma_start3A_103 = tpu.memref_slice %arg2[%dma_start3A_101, %dma_start3A_102] : memref<10000x128xf32, #tpu.memory_space<hbm>> -> memref<10000x128xf32, #tpu.memory_space<hbm>>
      tpu.enqueue_indirect_dma source(%dma_start3A_103 : memref<10000x128xf32, #tpu.memory_space<hbm>>) target(%arg11 : memref<40x128xf32, #tpu.memory_space<vmem>>) offsets(%dma_start3A_100 : memref<40xi32, #tpu.memory_space<vmem>>) semaphore(%arg16 : memref<!tpu.dma_semaphore, #tpu.memory_space<semaphore_mem>>)
      %mul3A_104 = arith.constant 40 : i32
      %mul3A_105 = arith.muli %add3A_97, %mul3A_104 : i32
      %add3A_106 = arith.addi %mul3A_2, %mul3A_105 : i32
      %dma_start3A_107 = arith.constant 0 : i32
      %dma_start3A_108 = tpu.memref_slice %arg5[%add3A_106, %dma_start3A_107] : memref<320000x128xf32, #tpu.memory_space<hbm>> -> memref<40x128xf32, #tpu.memory_space<hbm>>
      %dma_start3A_109 = arith.constant 0 : i32
      %dma_start3A_110 = tpu.memref_slice %arg5[%add3A_106, %dma_start3A_109] : memref<320000x128xf32, #tpu.memory_space<hbm>> -> memref<40x128xf32, #tpu.memory_space<hbm>>
      tpu.enqueue_dma source(%dma_start3A_110 : memref<40x128xf32, #tpu.memory_space<hbm>>) target(%arg13 : memref<40x128xf32, #tpu.memory_space<vmem>>) target_semaphore(%arg18 : memref<!tpu.dma_semaphore, #tpu.memory_space<semaphore_mem>>)
      %mul3A_111 = arith.constant 40 : i32
      %mul3A_112 = arith.muli %mul3A_95, %mul3A_111 : i32
      %dma_wait3A_113 = tpu.memref_slice %arg7[%mul3A_112] : memref<10000xi32, #tpu.memory_space<vmem>> -> memref<40xi32, #tpu.memory_space<vmem>>
      %dma_wait3A_114 = arith.constant 0 : i32
      %dma_wait3A_115 = arith.constant 0 : i32
      %dma_wait3A_116 = tpu.memref_slice %arg2[%dma_wait3A_114, %dma_wait3A_115] : memref<10000x128xf32, #tpu.memory_space<hbm>> -> memref<10000x128xf32, #tpu.memory_space<hbm>>
      tpu.wait_indirect_dma semaphore(%arg15 : memref<!tpu.dma_semaphore, #tpu.memory_space<semaphore_mem>>) src(%dma_wait3A_116 : memref<10000x128xf32, #tpu.memory_space<hbm>>) dst(%arg10 : memref<40x128xf32, #tpu.memory_space<vmem>>)
      %mul3A_117 = arith.constant 40 : i32
      %mul3A_118 = arith.muli %mul3A_95, %mul3A_117 : i32
      %add3A_119 = arith.addi %mul3A_2, %mul3A_118 : i32
      %dma_wait3A_120 = arith.constant 0 : i32
      %dma_wait3A_121 = tpu.memref_slice %arg5[%add3A_119, %dma_wait3A_120] : memref<320000x128xf32, #tpu.memory_space<hbm>> -> memref<40x128xf32, #tpu.memory_space<hbm>>
      %dma_wait3A_122 = arith.constant 0 : i32
      %dma_wait3A_123 = tpu.memref_slice %arg5[%add3A_119, %dma_wait3A_122] : memref<320000x128xf32, #tpu.memory_space<hbm>> -> memref<40x128xf32, #tpu.memory_space<hbm>>
      tpu.wait_dma2 semaphore(%arg17 : memref<!tpu.dma_semaphore, #tpu.memory_space<semaphore_mem>>) src(%dma_wait3A_123 : memref<40x128xf32, #tpu.memory_space<hbm>>) dst(%arg12 : memref<40x128xf32, #tpu.memory_space<vmem>>)
      %mul3A_124 = arith.constant 40 : i32
      %mul3A_125 = arith.muli %mul3A_95, %mul3A_124 : i32
      %add3A_126 = arith.addi %mul3A_2, %mul3A_125 : i32
      "tpu.region"() ({
        %run_scoped3A = tpu.sem_alloc : memref<!tpu.dma_semaphore, #tpu.memory_space<semaphore_mem>>
        %dma_start3A_175 = tpu.memref_slice %arg4[%add3A_126] : memref<320000xi32, #tpu.memory_space<hbm>> -> memref<40xi32, #tpu.memory_space<hbm>>
        %dma_start3A_176 = tpu.memref_slice %arg4[%add3A_126] : memref<320000xi32, #tpu.memory_space<hbm>> -> memref<40xi32, #tpu.memory_space<hbm>>
        tpu.enqueue_dma source(%dma_start3A_176 : memref<40xi32, #tpu.memory_space<hbm>>) target(%arg8 : memref<40xi32, #tpu.memory_space<vmem>>) target_semaphore(%run_scoped3A : memref<!tpu.dma_semaphore, #tpu.memory_space<semaphore_mem>>)
        %dma_wait3A_177 = tpu.memref_slice %arg4[%add3A_126] : memref<320000xi32, #tpu.memory_space<hbm>> -> memref<40xi32, #tpu.memory_space<hbm>>
        %dma_wait3A_178 = tpu.memref_slice %arg4[%add3A_126] : memref<320000xi32, #tpu.memory_space<hbm>> -> memref<40xi32, #tpu.memory_space<hbm>>
        tpu.wait_dma2 semaphore(%run_scoped3A : memref<!tpu.dma_semaphore, #tpu.memory_space<semaphore_mem>>) src(%dma_wait3A_178 : memref<40xi32, #tpu.memory_space<hbm>>) dst(%arg8 : memref<40xi32, #tpu.memory_space<vmem>>)
        tpu.yield
      }) : () -> ()
      %scan3A_127 = arith.constant 0 : i32
      %scan3A_128 = arith.constant 0 : i32
      %scan3A_129 = arith.constant 40 : i32
      %scan3A_130 = arith.addi %scan3A_128, %scan3A_129 : i32
      %scan3A_131 = arith.constant 1 : i32
      %scan3A_132 = scf.for %scan3A_175 = %scan3A_128 to %scan3A_130 step %scan3A_131 iter_args(%scan3A_176 = %scan3A_127) -> (i32)  : i32 {
        %get3A = arith.index_cast %scan3A_175 : i32 to index
        %get3A_177 = arith.constant 0 : index
        %get3A_178 = tpu.vector_load %arg10[%get3A, %get3A_177] {strides = array<i32>} : memref<40x128xf32, #tpu.memory_space<vmem>>, vector<1x16xf32>,
        %get3A_179 = vector.shape_cast %get3A_178 : vector<1x16xf32> to vector<16xf32>
        %get3A_180 = arith.index_cast %scan3A_175 : i32 to index
        %get3A_181 = arith.constant 0 : index
        %get3A_182 = tpu.vector_load %arg12[%get3A_180, %get3A_181] {strides = array<i32>} : memref<40x128xf32, #tpu.memory_space<vmem>>, vector<1x16xf32>,
        %get3A_183 = vector.shape_cast %get3A_182 : vector<1x16xf32> to vector<16xf32>
        %add3A_184 = arith.addf %get3A_179, %get3A_183 : vector<16xf32>
        %max3A = arith.constant 0.000000e+00 : f32
        %max3A_185 = vector.broadcast %max3A : f32 to vector<16xf32>
        %max3A_186 = arith.maximumf %add3A_184, %max3A_185 : vector<16xf32>
        %swap3A = arith.index_cast %scan3A_175 : i32 to index
        %swap3A_187 = arith.constant 0 : index
        %swap3A_188 = tpu.vector_load %arg10[%swap3A, %swap3A_187] {strides = array<i32>} : memref<40x128xf32, #tpu.memory_space<vmem>>, vector<1x16xf32>,
        %swap3A_189 = vector.shape_cast %swap3A_188 : vector<1x16xf32> to vector<16xf32>
        %swap3A_190 = vector.shape_cast %max3A_186 : vector<16xf32> to vector<1x16xf32>
        tpu.vector_store %arg10[%swap3A, %swap3A_187], %swap3A_190 {strides = array<i32>} : memref<40x128xf32, #tpu.memory_space<vmem>>, vector<1x16xf32>,
        %get3A_191 = arith.index_cast %scan3A_175 : i32 to index
        %get3A_192 = arith.constant 16 : index
        %get3A_193 = tpu.vector_load %arg10[%get3A_191, %get3A_192] {strides = array<i32>} : memref<40x128xf32, #tpu.memory_space<vmem>>, vector<1x16xf32>,
        %get3A_194 = vector.shape_cast %get3A_193 : vector<1x16xf32> to vector<16xf32>
        %get3A_195 = arith.index_cast %scan3A_175 : i32 to index
        %get3A_196 = arith.constant 16 : index
        %get3A_197 = tpu.vector_load %arg12[%get3A_195, %get3A_196] {strides = array<i32>} : memref<40x128xf32, #tpu.memory_space<vmem>>, vector<1x16xf32>,
        %get3A_198 = vector.shape_cast %get3A_197 : vector<1x16xf32> to vector<16xf32>
        %add3A_199 = arith.addf %get3A_194, %get3A_198 : vector<16xf32>
        %max3A_200 = arith.constant 0.000000e+00 : f32
        %max3A_201 = vector.broadcast %max3A_200 : f32 to vector<16xf32>
        %max3A_202 = arith.maximumf %add3A_199, %max3A_201 : vector<16xf32>
        %swap3A_203 = arith.index_cast %scan3A_175 : i32 to index
        %swap3A_204 = arith.constant 16 : index
        %swap3A_205 = tpu.vector_load %arg10[%swap3A_203, %swap3A_204] {strides = array<i32>} : memref<40x128xf32, #tpu.memory_space<vmem>>, vector<1x16xf32>,
        %swap3A_206 = vector.shape_cast %swap3A_205 : vector<1x16xf32> to vector<16xf32>
        %swap3A_207 = vector.shape_cast %max3A_202 : vector<16xf32> to vector<1x16xf32>
        tpu.vector_store %arg10[%swap3A_203, %swap3A_204], %swap3A_207 {strides = array<i32>} : memref<40x128xf32, #tpu.memory_space<vmem>>, vector<1x16xf32>,
        %get3A_208 = arith.index_cast %scan3A_175 : i32 to index
        %get3A_209 = arith.constant 32 : index
        %get3A_210 = tpu.vector_load %arg10[%get3A_208, %get3A_209] {strides = array<i32>} : memref<40x128xf32, #tpu.memory_space<vmem>>, vector<1x16xf32>,
        %get3A_211 = vector.shape_cast %get3A_210 : vector<1x16xf32> to vector<16xf32>
        %get3A_212 = arith.index_cast %scan3A_175 : i32 to index
        %get3A_213 = arith.constant 32 : index
        %get3A_214 = tpu.vector_load %arg12[%get3A_212, %get3A_213] {strides = array<i32>} : memref<40x128xf32, #tpu.memory_space<vmem>>, vector<1x16xf32>,
        %get3A_215 = vector.shape_cast %get3A_214 : vector<1x16xf32> to vector<16xf32>
        %add3A_216 = arith.addf %get3A_211, %get3A_215 : vector<16xf32>
        %max3A_217 = arith.constant 0.000000e+00 : f32
        %max3A_218 = vector.broadcast %max3A_217 : f32 to vector<16xf32>
        %max3A_219 = arith.maximumf %add3A_216, %max3A_218 : vector<16xf32>
        %swap3A_220 = arith.index_cast %scan3A_175 : i32 to index
        %swap3A_221 = arith.constant 32 : index
        %swap3A_222 = tpu.vector_load %arg10[%swap3A_220, %swap3A_221] {strides = array<i32>} : memref<40x128xf32, #tpu.memory_space<vmem>>, vector<1x16xf32>,
        %swap3A_223 = vector.shape_cast %swap3A_222 : vector<1x16xf32> to vector<16xf32>
        %swap3A_224 = vector.shape_cast %max3A_219 : vector<16xf32> to vector<1x16xf32>
        tpu.vector_store %arg10[%swap3A_220, %swap3A_221], %swap3A_224 {strides = array<i32>} : memref<40x128xf32, #tpu.memory_space<vmem>>, vector<1x16xf32>,
        %get3A_225 = arith.index_cast %scan3A_175 : i32 to index
        %get3A_226 = arith.constant 48 : index
        %get3A_227 = tpu.vector_load %arg10[%get3A_225, %get3A_226] {strides = array<i32>} : memref<40x128xf32, #tpu.memory_space<vmem>>, vector<1x16xf32>,
        %get3A_228 = vector.shape_cast %get3A_227 : vector<1x16xf32> to vector<16xf32>
        %get3A_229 = arith.index_cast %scan3A_175 : i32 to index
        %get3A_230 = arith.constant 48 : index
        %get3A_231 = tpu.vector_load %arg12[%get3A_229, %get3A_230] {strides = array<i32>} : memref<40x128xf32, #tpu.memory_space<vmem>>, vector<1x16xf32>,
        %get3A_232 = vector.shape_cast %get3A_231 : vector<1x16xf32> to vector<16xf32>
        %add3A_233 = arith.addf %get3A_228, %get3A_232 : vector<16xf32>
        %max3A_234 = arith.constant 0.000000e+00 : f32
        %max3A_235 = vector.broadcast %max3A_234 : f32 to vector<16xf32>
        %max3A_236 = arith.maximumf %add3A_233, %max3A_235 : vector<16xf32>
        %swap3A_237 = arith.index_cast %scan3A_175 : i32 to index
        %swap3A_238 = arith.constant 48 : index
        %swap3A_239 = tpu.vector_load %arg10[%swap3A_237, %swap3A_238] {strides = array<i32>} : memref<40x128xf32, #tpu.memory_space<vmem>>, vector<1x16xf32>,
        %swap3A_240 = vector.shape_cast %swap3A_239 : vector<1x16xf32> to vector<16xf32>
        %swap3A_241 = vector.shape_cast %max3A_236 : vector<16xf32> to vector<1x16xf32>
        tpu.vector_store %arg10[%swap3A_237, %swap3A_238], %swap3A_241 {strides = array<i32>} : memref<40x128xf32, #tpu.memory_space<vmem>>, vector<1x16xf32>,
        %get3A_242 = arith.index_cast %scan3A_175 : i32 to index
        %get3A_243 = arith.constant 64 : index
        %get3A_244 = tpu.vector_load %arg10[%get3A_242, %get3A_243] {strides = array<i32>} : memref<40x128xf32, #tpu.memory_space<vmem>>, vector<1x16xf32>,
        %get3A_245 = vector.shape_cast %get3A_244 : vector<1x16xf32> to vector<16xf32>
        %get3A_246 = arith.index_cast %scan3A_175 : i32 to index
        %get3A_247 = arith.constant 64 : index
        %get3A_248 = tpu.vector_load %arg12[%get3A_246, %get3A_247] {strides = array<i32>} : memref<40x128xf32, #tpu.memory_space<vmem>>, vector<1x16xf32>,
        %get3A_249 = vector.shape_cast %get3A_248 : vector<1x16xf32> to vector<16xf32>
        %add3A_250 = arith.addf %get3A_245, %get3A_249 : vector<16xf32>
        %max3A_251 = arith.constant 0.000000e+00 : f32
        %max3A_252 = vector.broadcast %max3A_251 : f32 to vector<16xf32>
        %max3A_253 = arith.maximumf %add3A_250, %max3A_252 : vector<16xf32>
        %swap3A_254 = arith.index_cast %scan3A_175 : i32 to index
        %swap3A_255 = arith.constant 64 : index
        %swap3A_256 = tpu.vector_load %arg10[%swap3A_254, %swap3A_255] {strides = array<i32>} : memref<40x128xf32, #tpu.memory_space<vmem>>, vector<1x16xf32>,
        %swap3A_257 = vector.shape_cast %swap3A_256 : vector<1x16xf32> to vector<16xf32>
        %swap3A_258 = vector.shape_cast %max3A_253 : vector<16xf32> to vector<1x16xf32>
        tpu.vector_store %arg10[%swap3A_254, %swap3A_255], %swap3A_258 {strides = array<i32>} : memref<40x128xf32, #tpu.memory_space<vmem>>, vector<1x16xf32>,
        %get3A_259 = arith.index_cast %scan3A_175 : i32 to index
        %get3A_260 = arith.constant 80 : index
        %get3A_261 = tpu.vector_load %arg10[%get3A_259, %get3A_260] {strides = array<i32>} : memref<40x128xf32, #tpu.memory_space<vmem>>, vector<1x16xf32>,
        %get3A_262 = vector.shape_cast %get3A_261 : vector<1x16xf32> to vector<16xf32>
        %get3A_263 = arith.index_cast %scan3A_175 : i32 to index
        %get3A_264 = arith.constant 80 : index
        %get3A_265 = tpu.vector_load %arg12[%get3A_263, %get3A_264] {strides = array<i32>} : memref<40x128xf32, #tpu.memory_space<vmem>>, vector<1x16xf32>,
        %get3A_266 = vector.shape_cast %get3A_265 : vector<1x16xf32> to vector<16xf32>
        %add3A_267 = arith.addf %get3A_262, %get3A_266 : vector<16xf32>
        %max3A_268 = arith.constant 0.000000e+00 : f32
        %max3A_269 = vector.broadcast %max3A_268 : f32 to vector<16xf32>
        %max3A_270 = arith.maximumf %add3A_267, %max3A_269 : vector<16xf32>
        %swap3A_271 = arith.index_cast %scan3A_175 : i32 to index
        %swap3A_272 = arith.constant 80 : index
        %swap3A_273 = tpu.vector_load %arg10[%swap3A_271, %swap3A_272] {strides = array<i32>} : memref<40x128xf32, #tpu.memory_space<vmem>>, vector<1x16xf32>,
        %swap3A_274 = vector.shape_cast %swap3A_273 : vector<1x16xf32> to vector<16xf32>
        %swap3A_275 = vector.shape_cast %max3A_270 : vector<16xf32> to vector<1x16xf32>
        tpu.vector_store %arg10[%swap3A_271, %swap3A_272], %swap3A_275 {strides = array<i32>} : memref<40x128xf32, #tpu.memory_space<vmem>>, vector<1x16xf32>,
        %get3A_276 = arith.index_cast %scan3A_175 : i32 to index
        %get3A_277 = arith.constant 96 : index
        %get3A_278 = tpu.vector_load %arg10[%get3A_276, %get3A_277] {strides = array<i32>} : memref<40x128xf32, #tpu.memory_space<vmem>>, vector<1x16xf32>,
        %get3A_279 = vector.shape_cast %get3A_278 : vector<1x16xf32> to vector<16xf32>
        %get3A_280 = arith.index_cast %scan3A_175 : i32 to index
        %get3A_281 = arith.constant 96 : index
        %get3A_282 = tpu.vector_load %arg12[%get3A_280, %get3A_281] {strides = array<i32>} : memref<40x128xf32, #tpu.memory_space<vmem>>, vector<1x16xf32>,
        %get3A_283 = vector.shape_cast %get3A_282 : vector<1x16xf32> to vector<16xf32>
        %add3A_284 = arith.addf %get3A_279, %get3A_283 : vector<16xf32>
        %max3A_285 = arith.constant 0.000000e+00 : f32
        %max3A_286 = vector.broadcast %max3A_285 : f32 to vector<16xf32>
        %max3A_287 = arith.maximumf %add3A_284, %max3A_286 : vector<16xf32>
        %swap3A_288 = arith.index_cast %scan3A_175 : i32 to index
        %swap3A_289 = arith.constant 96 : index
        %swap3A_290 = tpu.vector_load %arg10[%swap3A_288, %swap3A_289] {strides = array<i32>} : memref<40x128xf32, #tpu.memory_space<vmem>>, vector<1x16xf32>,
        %swap3A_291 = vector.shape_cast %swap3A_290 : vector<1x16xf32> to vector<16xf32>
        %swap3A_292 = vector.shape_cast %max3A_287 : vector<16xf32> to vector<1x16xf32>
        tpu.vector_store %arg10[%swap3A_288, %swap3A_289], %swap3A_292 {strides = array<i32>} : memref<40x128xf32, #tpu.memory_space<vmem>>, vector<1x16xf32>,
        %get3A_293 = arith.index_cast %scan3A_175 : i32 to index
        %get3A_294 = arith.constant 112 : index
        %get3A_295 = tpu.vector_load %arg10[%get3A_293, %get3A_294] {strides = array<i32>} : memref<40x128xf32, #tpu.memory_space<vmem>>, vector<1x16xf32>,
        %get3A_296 = vector.shape_cast %get3A_295 : vector<1x16xf32> to vector<16xf32>
        %get3A_297 = arith.index_cast %scan3A_175 : i32 to index
        %get3A_298 = arith.constant 112 : index
        %get3A_299 = tpu.vector_load %arg12[%get3A_297, %get3A_298] {strides = array<i32>} : memref<40x128xf32, #tpu.memory_space<vmem>>, vector<1x16xf32>,
        %get3A_300 = vector.shape_cast %get3A_299 : vector<1x16xf32> to vector<16xf32>
        %add3A_301 = arith.addf %get3A_296, %get3A_300 : vector<16xf32>
        %max3A_302 = arith.constant 0.000000e+00 : f32
        %max3A_303 = vector.broadcast %max3A_302 : f32 to vector<16xf32>
        %max3A_304 = arith.maximumf %add3A_301, %max3A_303 : vector<16xf32>
        %swap3A_305 = arith.index_cast %scan3A_175 : i32 to index
        %swap3A_306 = arith.constant 112 : index
        %swap3A_307 = tpu.vector_load %arg10[%swap3A_305, %swap3A_306] {strides = array<i32>} : memref<40x128xf32, #tpu.memory_space<vmem>>, vector<1x16xf32>,
        %swap3A_308 = vector.shape_cast %swap3A_307 : vector<1x16xf32> to vector<16xf32>
        %swap3A_309 = vector.shape_cast %max3A_304 : vector<16xf32> to vector<1x16xf32>
        tpu.vector_store %arg10[%swap3A_305, %swap3A_306], %swap3A_309 {strides = array<i32>} : memref<40x128xf32, #tpu.memory_space<vmem>>, vector<1x16xf32>,
        %scan3A_310 = arith.constant 0 : i32
        scf.yield %scan3A_310 : i32
      }
      %scan3A_133 = arith.constant 40 : i32
      "tpu.region"() ({
        %run_scoped3A = tpu.sem_alloc : memref<!tpu.dma_semaphore, #tpu.memory_space<semaphore_mem>>
        %dma_start3A_175 = arith.constant 0 : i32
        %dma_start3A_176 = arith.constant 0 : i32
        %dma_start3A_177 = tpu.memref_slice %arg14[%dma_start3A_175, %dma_start3A_176] : memref<10240x128xf32, #tpu.memory_space<vmem_shared>> -> memref<10240x128xf32, #tpu.memory_space<vmem_shared>>
        tpu.enqueue_indirect_dma source(%arg10 : memref<40x128xf32, #tpu.memory_space<vmem>>) target(%dma_start3A_177 : memref<10240x128xf32, #tpu.memory_space<vmem_shared>>) offsets(%arg8 : memref<40xi32, #tpu.memory_space<vmem>>) semaphore(%run_scoped3A : memref<!tpu.dma_semaphore, #tpu.memory_space<semaphore_mem>>) {add = true}
        %dma_wait3A_178 = arith.constant 0 : i32
        %dma_wait3A_179 = arith.constant 0 : i32
        %dma_wait3A_180 = tpu.memref_slice %arg14[%dma_wait3A_178, %dma_wait3A_179] : memref<10240x128xf32, #tpu.memory_space<vmem_shared>> -> memref<10240x128xf32, #tpu.memory_space<vmem_shared>>
        tpu.wait_indirect_dma semaphore(%run_scoped3A : memref<!tpu.dma_semaphore, #tpu.memory_space<semaphore_mem>>) src(%arg10 : memref<40x128xf32, #tpu.memory_space<vmem>>) dst(%dma_wait3A_180 : memref<10240x128xf32, #tpu.memory_space<vmem_shared>>)
        tpu.yield
      }) : () -> ()
      %add3A_134 = arith.constant 2 : i32
      %add3A_135 = arith.addi %mul3A_95, %add3A_134 : i32
      %mul3A_136 = arith.constant 40 : i32
      %mul3A_137 = arith.muli %add3A_135, %mul3A_136 : i32
      %dma_start3A_138 = tpu.memref_slice %arg7[%mul3A_137] : memref<10000xi32, #tpu.memory_space<vmem>> -> memref<40xi32, #tpu.memory_space<vmem>>
      %dma_start3A_139 = arith.constant 0 : i32
      %dma_start3A_140 = arith.constant 0 : i32
      %dma_start3A_141 = tpu.memref_slice %arg2[%dma_start3A_139, %dma_start3A_140] : memref<10000x128xf32, #tpu.memory_space<hbm>> -> memref<10000x128xf32, #tpu.memory_space<hbm>>
      tpu.enqueue_indirect_dma source(%dma_start3A_141 : memref<10000x128xf32, #tpu.memory_space<hbm>>) target(%arg10 : memref<40x128xf32, #tpu.memory_space<vmem>>) offsets(%dma_start3A_138 : memref<40xi32, #tpu.memory_space<vmem>>) semaphore(%arg15 : memref<!tpu.dma_semaphore, #tpu.memory_space<semaphore_mem>>)
      %mul3A_142 = arith.constant 40 : i32
      %mul3A_143 = arith.muli %add3A_135, %mul3A_142 : i32
      %add3A_144 = arith.addi %mul3A_2, %mul3A_143 : i32
      %dma_start3A_145 = arith.constant 0 : i32
      %dma_start3A_146 = tpu.memref_slice %arg5[%add3A_144, %dma_start3A_145] : memref<320000x128xf32, #tpu.memory_space<hbm>> -> memref<40x128xf32, #tpu.memory_space<hbm>>
      %dma_start3A_147 = arith.constant 0 : i32
      %dma_start3A_148 = tpu.memref_slice %arg5[%add3A_144, %dma_start3A_147] : memref<320000x128xf32, #tpu.memory_space<hbm>> -> memref<40x128xf32, #tpu.memory_space<hbm>>
      tpu.enqueue_dma source(%dma_start3A_148 : memref<40x128xf32, #tpu.memory_space<hbm>>) target(%arg12 : memref<40x128xf32, #tpu.memory_space<vmem>>) target_semaphore(%arg17 : memref<!tpu.dma_semaphore, #tpu.memory_space<semaphore_mem>>)
      %add3A_149 = arith.constant 1 : i32
      %add3A_150 = arith.addi %mul3A_95, %add3A_149 : i32
      %mul3A_151 = arith.constant 40 : i32
      %mul3A_152 = arith.muli %add3A_150, %mul3A_151 : i32
      %dma_wait3A_153 = tpu.memref_slice %arg7[%mul3A_152] : memref<10000xi32, #tpu.memory_space<vmem>> -> memref<40xi32, #tpu.memory_space<vmem>>
      %dma_wait3A_154 = arith.constant 0 : i32
      %dma_wait3A_155 = arith.constant 0 : i32
      %dma_wait3A_156 = tpu.memref_slice %arg2[%dma_wait3A_154, %dma_wait3A_155] : memref<10000x128xf32, #tpu.memory_space<hbm>> -> memref<10000x128xf32, #tpu.memory_space<hbm>>
      tpu.wait_indirect_dma semaphore(%arg16 : memref<!tpu.dma_semaphore, #tpu.memory_space<semaphore_mem>>) src(%dma_wait3A_156 : memref<10000x128xf32, #tpu.memory_space<hbm>>) dst(%arg11 : memref<40x128xf32, #tpu.memory_space<vmem>>)
      %mul3A_157 = arith.constant 40 : i32
      %mul3A_158 = arith.muli %add3A_150, %mul3A_157 : i32
      %add3A_159 = arith.addi %mul3A_2, %mul3A_158 : i32
      %dma_wait3A_160 = arith.constant 0 : i32
      %dma_wait3A_161 = tpu.memref_slice %arg5[%add3A_159, %dma_wait3A_160] : memref<320000x128xf32, #tpu.memory_space<hbm>> -> memref<40x128xf32, #tpu.memory_space<hbm>>
      %dma_wait3A_162 = arith.constant 0 : i32
      %dma_wait3A_163 = tpu.memref_slice %arg5[%add3A_159, %dma_wait3A_162] : memref<320000x128xf32, #tpu.memory_space<hbm>> -> memref<40x128xf32, #tpu.memory_space<hbm>>
      tpu.wait_dma2 semaphore(%arg18 : memref<!tpu.dma_semaphore, #tpu.memory_space<semaphore_mem>>) src(%dma_wait3A_163 : memref<40x128xf32, #tpu.memory_space<hbm>>) dst(%arg13 : memref<40x128xf32, #tpu.memory_space<vmem>>)
      %mul3A_164 = arith.constant 40 : i32
      %mul3A_165 = arith.muli %add3A_150, %mul3A_164 : i32
      %add3A_166 = arith.addi %mul3A_2, %mul3A_165 : i32
      "tpu.region"() ({
        %run_scoped3A = tpu.sem_alloc : memref<!tpu.dma_semaphore, #tpu.memory_space<semaphore_mem>>
        %dma_start3A_175 = tpu.memref_slice %arg4[%add3A_166] : memref<320000xi32, #tpu.memory_space<hbm>> -> memref<40xi32, #tpu.memory_space<hbm>>
        %dma_start3A_176 = tpu.memref_slice %arg4[%add3A_166] : memref<320000xi32, #tpu.memory_space<hbm>> -> memref<40xi32, #tpu.memory_space<hbm>>
        tpu.enqueue_dma source(%dma_start3A_176 : memref<40xi32, #tpu.memory_space<hbm>>) target(%arg9 : memref<40xi32, #tpu.memory_space<vmem>>) target_semaphore(%run_scoped3A : memref<!tpu.dma_semaphore, #tpu.memory_space<semaphore_mem>>)
        %dma_wait3A_177 = tpu.memref_slice %arg4[%add3A_166] : memref<320000xi32, #tpu.memory_space<hbm>> -> memref<40xi32, #tpu.memory_space<hbm>>
        %dma_wait3A_178 = tpu.memref_slice %arg4[%add3A_166] : memref<320000xi32, #tpu.memory_space<hbm>> -> memref<40xi32, #tpu.memory_space<hbm>>
        tpu.wait_dma2 semaphore(%run_scoped3A : memref<!tpu.dma_semaphore, #tpu.memory_space<semaphore_mem>>) src(%dma_wait3A_178 : memref<40xi32, #tpu.memory_space<hbm>>) dst(%arg9 : memref<40xi32, #tpu.memory_space<vmem>>)
        tpu.yield
      }) : () -> ()
      %scan3A_167 = arith.constant 0 : i32
      %scan3A_168 = arith.constant 0 : i32
      %scan3A_169 = arith.constant 40 : i32
      %scan3A_170 = arith.addi %scan3A_168, %scan3A_169 : i32
      %scan3A_171 = arith.constant 1 : i32
      %scan3A_172 = scf.for %scan3A_175 = %scan3A_168 to %scan3A_170 step %scan3A_171 iter_args(%scan3A_176 = %scan3A_167) -> (i32)  : i32 {
        %get3A = arith.index_cast %scan3A_175 : i32 to index
        %get3A_177 = arith.constant 0 : index
        %get3A_178 = tpu.vector_load %arg11[%get3A, %get3A_177] {strides = array<i32>} : memref<40x128xf32, #tpu.memory_space<vmem>>, vector<1x16xf32>,
        %get3A_179 = vector.shape_cast %get3A_178 : vector<1x16xf32> to vector<16xf32>
        %get3A_180 = arith.index_cast %scan3A_175 : i32 to index
        %get3A_181 = arith.constant 0 : index
        %get3A_182 = tpu.vector_load %arg13[%get3A_180, %get3A_181] {strides = array<i32>} : memref<40x128xf32, #tpu.memory_space<vmem>>, vector<1x16xf32>,
        %get3A_183 = vector.shape_cast %get3A_182 : vector<1x16xf32> to vector<16xf32>
        %add3A_184 = arith.addf %get3A_179, %get3A_183 : vector<16xf32>
        %max3A = arith.constant 0.000000e+00 : f32
        %max3A_185 = vector.broadcast %max3A : f32 to vector<16xf32>
        %max3A_186 = arith.maximumf %add3A_184, %max3A_185 : vector<16xf32>
        %swap3A = arith.index_cast %scan3A_175 : i32 to index
        %swap3A_187 = arith.constant 0 : index
        %swap3A_188 = tpu.vector_load %arg11[%swap3A, %swap3A_187] {strides = array<i32>} : memref<40x128xf32, #tpu.memory_space<vmem>>, vector<1x16xf32>,
        %swap3A_189 = vector.shape_cast %swap3A_188 : vector<1x16xf32> to vector<16xf32>
        %swap3A_190 = vector.shape_cast %max3A_186 : vector<16xf32> to vector<1x16xf32>
        tpu.vector_store %arg11[%swap3A, %swap3A_187], %swap3A_190 {strides = array<i32>} : memref<40x128xf32, #tpu.memory_space<vmem>>, vector<1x16xf32>,
        %get3A_191 = arith.index_cast %scan3A_175 : i32 to index
        %get3A_192 = arith.constant 16 : index
        %get3A_193 = tpu.vector_load %arg11[%get3A_191, %get3A_192] {strides = array<i32>} : memref<40x128xf32, #tpu.memory_space<vmem>>, vector<1x16xf32>,
        %get3A_194 = vector.shape_cast %get3A_193 : vector<1x16xf32> to vector<16xf32>
        %get3A_195 = arith.index_cast %scan3A_175 : i32 to index
        %get3A_196 = arith.constant 16 : index
        %get3A_197 = tpu.vector_load %arg13[%get3A_195, %get3A_196] {strides = array<i32>} : memref<40x128xf32, #tpu.memory_space<vmem>>, vector<1x16xf32>,
        %get3A_198 = vector.shape_cast %get3A_197 : vector<1x16xf32> to vector<16xf32>
        %add3A_199 = arith.addf %get3A_194, %get3A_198 : vector<16xf32>
        %max3A_200 = arith.constant 0.000000e+00 : f32
        %max3A_201 = vector.broadcast %max3A_200 : f32 to vector<16xf32>
        %max3A_202 = arith.maximumf %add3A_199, %max3A_201 : vector<16xf32>
        %swap3A_203 = arith.index_cast %scan3A_175 : i32 to index
        %swap3A_204 = arith.constant 16 : index
        %swap3A_205 = tpu.vector_load %arg11[%swap3A_203, %swap3A_204] {strides = array<i32>} : memref<40x128xf32, #tpu.memory_space<vmem>>, vector<1x16xf32>,
        %swap3A_206 = vector.shape_cast %swap3A_205 : vector<1x16xf32> to vector<16xf32>
        %swap3A_207 = vector.shape_cast %max3A_202 : vector<16xf32> to vector<1x16xf32>
        tpu.vector_store %arg11[%swap3A_203, %swap3A_204], %swap3A_207 {strides = array<i32>} : memref<40x128xf32, #tpu.memory_space<vmem>>, vector<1x16xf32>,
        %get3A_208 = arith.index_cast %scan3A_175 : i32 to index
        %get3A_209 = arith.constant 32 : index
        %get3A_210 = tpu.vector_load %arg11[%get3A_208, %get3A_209] {strides = array<i32>} : memref<40x128xf32, #tpu.memory_space<vmem>>, vector<1x16xf32>,
        %get3A_211 = vector.shape_cast %get3A_210 : vector<1x16xf32> to vector<16xf32>
        %get3A_212 = arith.index_cast %scan3A_175 : i32 to index
        %get3A_213 = arith.constant 32 : index
        %get3A_214 = tpu.vector_load %arg13[%get3A_212, %get3A_213] {strides = array<i32>} : memref<40x128xf32, #tpu.memory_space<vmem>>, vector<1x16xf32>,
        %get3A_215 = vector.shape_cast %get3A_214 : vector<1x16xf32> to vector<16xf32>
        %add3A_216 = arith.addf %get3A_211, %get3A_215 : vector<16xf32>
        %max3A_217 = arith.constant 0.000000e+00 : f32
        %max3A_218 = vector.broadcast %max3A_217 : f32 to vector<16xf32>
        %max3A_219 = arith.maximumf %add3A_216, %max3A_218 : vector<16xf32>
        %swap3A_220 = arith.index_cast %scan3A_175 : i32 to index
        %swap3A_221 = arith.constant 32 : index
        %swap3A_222 = tpu.vector_load %arg11[%swap3A_220, %swap3A_221] {strides = array<i32>} : memref<40x128xf32, #tpu.memory_space<vmem>>, vector<1x16xf32>,
        %swap3A_223 = vector.shape_cast %swap3A_222 : vector<1x16xf32> to vector<16xf32>
        %swap3A_224 = vector.shape_cast %max3A_219 : vector<16xf32> to vector<1x16xf32>
        tpu.vector_store %arg11[%swap3A_220, %swap3A_221], %swap3A_224 {strides = array<i32>} : memref<40x128xf32, #tpu.memory_space<vmem>>, vector<1x16xf32>,
        %get3A_225 = arith.index_cast %scan3A_175 : i32 to index
        %get3A_226 = arith.constant 48 : index
        %get3A_227 = tpu.vector_load %arg11[%get3A_225, %get3A_226] {strides = array<i32>} : memref<40x128xf32, #tpu.memory_space<vmem>>, vector<1x16xf32>,
        %get3A_228 = vector.shape_cast %get3A_227 : vector<1x16xf32> to vector<16xf32>
        %get3A_229 = arith.index_cast %scan3A_175 : i32 to index
        %get3A_230 = arith.constant 48 : index
        %get3A_231 = tpu.vector_load %arg13[%get3A_229, %get3A_230] {strides = array<i32>} : memref<40x128xf32, #tpu.memory_space<vmem>>, vector<1x16xf32>,
        %get3A_232 = vector.shape_cast %get3A_231 : vector<1x16xf32> to vector<16xf32>
        %add3A_233 = arith.addf %get3A_228, %get3A_232 : vector<16xf32>
        %max3A_234 = arith.constant 0.000000e+00 : f32
        %max3A_235 = vector.broadcast %max3A_234 : f32 to vector<16xf32>
        %max3A_236 = arith.maximumf %add3A_233, %max3A_235 : vector<16xf32>
        %swap3A_237 = arith.index_cast %scan3A_175 : i32 to index
        %swap3A_238 = arith.constant 48 : index
        %swap3A_239 = tpu.vector_load %arg11[%swap3A_237, %swap3A_238] {strides = array<i32>} : memref<40x128xf32, #tpu.memory_space<vmem>>, vector<1x16xf32>,
        %swap3A_240 = vector.shape_cast %swap3A_239 : vector<1x16xf32> to vector<16xf32>
        %swap3A_241 = vector.shape_cast %max3A_236 : vector<16xf32> to vector<1x16xf32>
        tpu.vector_store %arg11[%swap3A_237, %swap3A_238], %swap3A_241 {strides = array<i32>} : memref<40x128xf32, #tpu.memory_space<vmem>>, vector<1x16xf32>,
        %get3A_242 = arith.index_cast %scan3A_175 : i32 to index
        %get3A_243 = arith.constant 64 : index
        %get3A_244 = tpu.vector_load %arg11[%get3A_242, %get3A_243] {strides = array<i32>} : memref<40x128xf32, #tpu.memory_space<vmem>>, vector<1x16xf32>,
        %get3A_245 = vector.shape_cast %get3A_244 : vector<1x16xf32> to vector<16xf32>
        %get3A_246 = arith.index_cast %scan3A_175 : i32 to index
        %get3A_247 = arith.constant 64 : index
        %get3A_248 = tpu.vector_load %arg13[%get3A_246, %get3A_247] {strides = array<i32>} : memref<40x128xf32, #tpu.memory_space<vmem>>, vector<1x16xf32>,
        %get3A_249 = vector.shape_cast %get3A_248 : vector<1x16xf32> to vector<16xf32>
        %add3A_250 = arith.addf %get3A_245, %get3A_249 : vector<16xf32>
        %max3A_251 = arith.constant 0.000000e+00 : f32
        %max3A_252 = vector.broadcast %max3A_251 : f32 to vector<16xf32>
        %max3A_253 = arith.maximumf %add3A_250, %max3A_252 : vector<16xf32>
        %swap3A_254 = arith.index_cast %scan3A_175 : i32 to index
        %swap3A_255 = arith.constant 64 : index
        %swap3A_256 = tpu.vector_load %arg11[%swap3A_254, %swap3A_255] {strides = array<i32>} : memref<40x128xf32, #tpu.memory_space<vmem>>, vector<1x16xf32>,
        %swap3A_257 = vector.shape_cast %swap3A_256 : vector<1x16xf32> to vector<16xf32>
        %swap3A_258 = vector.shape_cast %max3A_253 : vector<16xf32> to vector<1x16xf32>
        tpu.vector_store %arg11[%swap3A_254, %swap3A_255], %swap3A_258 {strides = array<i32>} : memref<40x128xf32, #tpu.memory_space<vmem>>, vector<1x16xf32>,
        %get3A_259 = arith.index_cast %scan3A_175 : i32 to index
        %get3A_260 = arith.constant 80 : index
        %get3A_261 = tpu.vector_load %arg11[%get3A_259, %get3A_260] {strides = array<i32>} : memref<40x128xf32, #tpu.memory_space<vmem>>, vector<1x16xf32>,
        %get3A_262 = vector.shape_cast %get3A_261 : vector<1x16xf32> to vector<16xf32>
        %get3A_263 = arith.index_cast %scan3A_175 : i32 to index
        %get3A_264 = arith.constant 80 : index
        %get3A_265 = tpu.vector_load %arg13[%get3A_263, %get3A_264] {strides = array<i32>} : memref<40x128xf32, #tpu.memory_space<vmem>>, vector<1x16xf32>,
        %get3A_266 = vector.shape_cast %get3A_265 : vector<1x16xf32> to vector<16xf32>
        %add3A_267 = arith.addf %get3A_262, %get3A_266 : vector<16xf32>
        %max3A_268 = arith.constant 0.000000e+00 : f32
        %max3A_269 = vector.broadcast %max3A_268 : f32 to vector<16xf32>
        %max3A_270 = arith.maximumf %add3A_267, %max3A_269 : vector<16xf32>
        %swap3A_271 = arith.index_cast %scan3A_175 : i32 to index
        %swap3A_272 = arith.constant 80 : index
        %swap3A_273 = tpu.vector_load %arg11[%swap3A_271, %swap3A_272] {strides = array<i32>} : memref<40x128xf32, #tpu.memory_space<vmem>>, vector<1x16xf32>,
        %swap3A_274 = vector.shape_cast %swap3A_273 : vector<1x16xf32> to vector<16xf32>
        %swap3A_275 = vector.shape_cast %max3A_270 : vector<16xf32> to vector<1x16xf32>
        tpu.vector_store %arg11[%swap3A_271, %swap3A_272], %swap3A_275 {strides = array<i32>} : memref<40x128xf32, #tpu.memory_space<vmem>>, vector<1x16xf32>,
        %get3A_276 = arith.index_cast %scan3A_175 : i32 to index
        %get3A_277 = arith.constant 96 : index
        %get3A_278 = tpu.vector_load %arg11[%get3A_276, %get3A_277] {strides = array<i32>} : memref<40x128xf32, #tpu.memory_space<vmem>>, vector<1x16xf32>,
        %get3A_279 = vector.shape_cast %get3A_278 : vector<1x16xf32> to vector<16xf32>
        %get3A_280 = arith.index_cast %scan3A_175 : i32 to index
        %get3A_281 = arith.constant 96 : index
        %get3A_282 = tpu.vector_load %arg13[%get3A_280, %get3A_281] {strides = array<i32>} : memref<40x128xf32, #tpu.memory_space<vmem>>, vector<1x16xf32>,
        %get3A_283 = vector.shape_cast %get3A_282 : vector<1x16xf32> to vector<16xf32>
        %add3A_284 = arith.addf %get3A_279, %get3A_283 : vector<16xf32>
        %max3A_285 = arith.constant 0.000000e+00 : f32
        %max3A_286 = vector.broadcast %max3A_285 : f32 to vector<16xf32>
        %max3A_287 = arith.maximumf %add3A_284, %max3A_286 : vector<16xf32>
        %swap3A_288 = arith.index_cast %scan3A_175 : i32 to index
        %swap3A_289 = arith.constant 96 : index
        %swap3A_290 = tpu.vector_load %arg11[%swap3A_288, %swap3A_289] {strides = array<i32>} : memref<40x128xf32, #tpu.memory_space<vmem>>, vector<1x16xf32>,
        %swap3A_291 = vector.shape_cast %swap3A_290 : vector<1x16xf32> to vector<16xf32>
        %swap3A_292 = vector.shape_cast %max3A_287 : vector<16xf32> to vector<1x16xf32>
        tpu.vector_store %arg11[%swap3A_288, %swap3A_289], %swap3A_292 {strides = array<i32>} : memref<40x128xf32, #tpu.memory_space<vmem>>, vector<1x16xf32>,
        %get3A_293 = arith.index_cast %scan3A_175 : i32 to index
        %get3A_294 = arith.constant 112 : index
        %get3A_295 = tpu.vector_load %arg11[%get3A_293, %get3A_294] {strides = array<i32>} : memref<40x128xf32, #tpu.memory_space<vmem>>, vector<1x16xf32>,
        %get3A_296 = vector.shape_cast %get3A_295 : vector<1x16xf32> to vector<16xf32>
        %get3A_297 = arith.index_cast %scan3A_175 : i32 to index
        %get3A_298 = arith.constant 112 : index
        %get3A_299 = tpu.vector_load %arg13[%get3A_297, %get3A_298] {strides = array<i32>} : memref<40x128xf32, #tpu.memory_space<vmem>>, vector<1x16xf32>,
        %get3A_300 = vector.shape_cast %get3A_299 : vector<1x16xf32> to vector<16xf32>
        %add3A_301 = arith.addf %get3A_296, %get3A_300 : vector<16xf32>
        %max3A_302 = arith.constant 0.000000e+00 : f32
        %max3A_303 = vector.broadcast %max3A_302 : f32 to vector<16xf32>
        %max3A_304 = arith.maximumf %add3A_301, %max3A_303 : vector<16xf32>
        %swap3A_305 = arith.index_cast %scan3A_175 : i32 to index
        %swap3A_306 = arith.constant 112 : index
        %swap3A_307 = tpu.vector_load %arg11[%swap3A_305, %swap3A_306] {strides = array<i32>} : memref<40x128xf32, #tpu.memory_space<vmem>>, vector<1x16xf32>,
        %swap3A_308 = vector.shape_cast %swap3A_307 : vector<1x16xf32> to vector<16xf32>
        %swap3A_309 = vector.shape_cast %max3A_304 : vector<16xf32> to vector<1x16xf32>
        tpu.vector_store %arg11[%swap3A_305, %swap3A_306], %swap3A_309 {strides = array<i32>} : memref<40x128xf32, #tpu.memory_space<vmem>>, vector<1x16xf32>,
        %scan3A_310 = arith.constant 0 : i32
        scf.yield %scan3A_310 : i32
      }
      %scan3A_173 = arith.constant 40 : i32
      "tpu.region"() ({
        %run_scoped3A = tpu.sem_alloc : memref<!tpu.dma_semaphore, #tpu.memory_space<semaphore_mem>>
        %dma_start3A_175 = arith.constant 0 : i32
        %dma_start3A_176 = arith.constant 0 : i32
        %dma_start3A_177 = tpu.memref_slice %arg14[%dma_start3A_175, %dma_start3A_176] : memref<10240x128xf32, #tpu.memory_space<vmem_shared>> -> memref<10240x128xf32, #tpu.memory_space<vmem_shared>>
        tpu.enqueue_indirect_dma source(%arg11 : memref<40x128xf32, #tpu.memory_space<vmem>>) target(%dma_start3A_177 : memref<10240x128xf32, #tpu.memory_space<vmem_shared>>) offsets(%arg9 : memref<40xi32, #tpu.memory_space<vmem>>) semaphore(%run_scoped3A : memref<!tpu.dma_semaphore, #tpu.memory_space<semaphore_mem>>) {add = true}
        %dma_wait3A_178 = arith.constant 0 : i32
        %dma_wait3A_179 = arith.constant 0 : i32
        %dma_wait3A_180 = tpu.memref_slice %arg14[%dma_wait3A_178, %dma_wait3A_179] : memref<10240x128xf32, #tpu.memory_space<vmem_shared>> -> memref<10240x128xf32, #tpu.memory_space<vmem_shared>>
        tpu.wait_indirect_dma semaphore(%run_scoped3A : memref<!tpu.dma_semaphore, #tpu.memory_space<semaphore_mem>>) src(%arg11 : memref<40x128xf32, #tpu.memory_space<vmem>>) dst(%dma_wait3A_180 : memref<10240x128xf32, #tpu.memory_space<vmem_shared>>)
        tpu.yield
      }) : () -> ()
      %scan3A_174 = arith.constant 0 : i32
      scf.yield %scan3A_174 : i32
    }
    %scan3A_33 = arith.constant 124 : i32
    %dma_start3A_34 = arith.constant 9960 : i32
    %dma_start3A_35 = tpu.memref_slice %arg7[%dma_start3A_34] : memref<10000xi32, #tpu.memory_space<vmem>> -> memref<40xi32, #tpu.memory_space<vmem>>
    %dma_start3A_36 = arith.constant 0 : i32
    %dma_start3A_37 = arith.constant 0 : i32
    %dma_start3A_38 = tpu.memref_slice %arg2[%dma_start3A_36, %dma_start3A_37] : memref<10000x128xf32, #tpu.memory_space<hbm>> -> memref<10000x128xf32, #tpu.memory_space<hbm>>
    tpu.enqueue_indirect_dma source(%dma_start3A_38 : memref<10000x128xf32, #tpu.memory_space<hbm>>) target(%arg11 : memref<40x128xf32, #tpu.memory_space<vmem>>) offsets(%dma_start3A_35 : memref<40xi32, #tpu.memory_space<vmem>>) semaphore(%arg16 : memref<!tpu.dma_semaphore, #tpu.memory_space<semaphore_mem>>)
    %add3A_39 = arith.constant 9960 : i32
    %add3A_40 = arith.addi %mul3A_2, %add3A_39 : i32
    %dma_start3A_41 = arith.constant 0 : i32
    %dma_start3A_42 = tpu.memref_slice %arg5[%add3A_40, %dma_start3A_41] : memref<320000x128xf32, #tpu.memory_space<hbm>> -> memref<40x128xf32, #tpu.memory_space<hbm>>
    %dma_start3A_43 = arith.constant 0 : i32
    %dma_start3A_44 = tpu.memref_slice %arg5[%add3A_40, %dma_start3A_43] : memref<320000x128xf32, #tpu.memory_space<hbm>> -> memref<40x128xf32, #tpu.memory_space<hbm>>
    tpu.enqueue_dma source(%dma_start3A_44 : memref<40x128xf32, #tpu.memory_space<hbm>>) target(%arg13 : memref<40x128xf32, #tpu.memory_space<vmem>>) target_semaphore(%arg18 : memref<!tpu.dma_semaphore, #tpu.memory_space<semaphore_mem>>)
    %dma_wait3A = arith.constant 9920 : i32
    %dma_wait3A_45 = tpu.memref_slice %arg7[%dma_wait3A] : memref<10000xi32, #tpu.memory_space<vmem>> -> memref<40xi32, #tpu.memory_space<vmem>>
    %dma_wait3A_46 = arith.constant 0 : i32
    %dma_wait3A_47 = arith.constant 0 : i32
    %dma_wait3A_48 = tpu.memref_slice %arg2[%dma_wait3A_46, %dma_wait3A_47] : memref<10000x128xf32, #tpu.memory_space<hbm>> -> memref<10000x128xf32, #tpu.memory_space<hbm>>
    tpu.wait_indirect_dma semaphore(%arg15 : memref<!tpu.dma_semaphore, #tpu.memory_space<semaphore_mem>>) src(%dma_wait3A_48 : memref<10000x128xf32, #tpu.memory_space<hbm>>) dst(%arg10 : memref<40x128xf32, #tpu.memory_space<vmem>>)
    %add3A_49 = arith.constant 9920 : i32
    %add3A_50 = arith.addi %mul3A_2, %add3A_49 : i32
    %dma_wait3A_51 = arith.constant 0 : i32
    %dma_wait3A_52 = tpu.memref_slice %arg5[%add3A_50, %dma_wait3A_51] : memref<320000x128xf32, #tpu.memory_space<hbm>> -> memref<40x128xf32, #tpu.memory_space<hbm>>
    %dma_wait3A_53 = arith.constant 0 : i32
    %dma_wait3A_54 = tpu.memref_slice %arg5[%add3A_50, %dma_wait3A_53] : memref<320000x128xf32, #tpu.memory_space<hbm>> -> memref<40x128xf32, #tpu.memory_space<hbm>>
    tpu.wait_dma2 semaphore(%arg17 : memref<!tpu.dma_semaphore, #tpu.memory_space<semaphore_mem>>) src(%dma_wait3A_54 : memref<40x128xf32, #tpu.memory_space<hbm>>) dst(%arg12 : memref<40x128xf32, #tpu.memory_space<vmem>>)
    %add3A_55 = arith.constant 9920 : i32
    %add3A_56 = arith.addi %mul3A_2, %add3A_55 : i32
    "tpu.region"() ({
      %run_scoped3A = tpu.sem_alloc : memref<!tpu.dma_semaphore, #tpu.memory_space<semaphore_mem>>
      %dma_start3A_92 = tpu.memref_slice %arg4[%add3A_56] : memref<320000xi32, #tpu.memory_space<hbm>> -> memref<40xi32, #tpu.memory_space<hbm>>
      %dma_start3A_93 = tpu.memref_slice %arg4[%add3A_56] : memref<320000xi32, #tpu.memory_space<hbm>> -> memref<40xi32, #tpu.memory_space<hbm>>
      tpu.enqueue_dma source(%dma_start3A_93 : memref<40xi32, #tpu.memory_space<hbm>>) target(%arg8 : memref<40xi32, #tpu.memory_space<vmem>>) target_semaphore(%run_scoped3A : memref<!tpu.dma_semaphore, #tpu.memory_space<semaphore_mem>>)
      %dma_wait3A_94 = tpu.memref_slice %arg4[%add3A_56] : memref<320000xi32, #tpu.memory_space<hbm>> -> memref<40xi32, #tpu.memory_space<hbm>>
      %dma_wait3A_95 = tpu.memref_slice %arg4[%add3A_56] : memref<320000xi32, #tpu.memory_space<hbm>> -> memref<40xi32, #tpu.memory_space<hbm>>
      tpu.wait_dma2 semaphore(%run_scoped3A : memref<!tpu.dma_semaphore, #tpu.memory_space<semaphore_mem>>) src(%dma_wait3A_95 : memref<40xi32, #tpu.memory_space<hbm>>) dst(%arg8 : memref<40xi32, #tpu.memory_space<vmem>>)
      tpu.yield
    }) : () -> ()
    %scan3A_57 = arith.constant 0 : i32
    %scan3A_58 = arith.constant 0 : i32
    %scan3A_59 = arith.constant 40 : i32
    %scan3A_60 = arith.addi %scan3A_58, %scan3A_59 : i32
    %scan3A_61 = arith.constant 1 : i32
    %scan3A_62 = scf.for %scan3A_92 = %scan3A_58 to %scan3A_60 step %scan3A_61 iter_args(%scan3A_93 = %scan3A_57) -> (i32)  : i32 {
      %get3A = arith.index_cast %scan3A_92 : i32 to index
      %get3A_94 = arith.constant 0 : index
      %get3A_95 = tpu.vector_load %arg10[%get3A, %get3A_94] {strides = array<i32>} : memref<40x128xf32, #tpu.memory_space<vmem>>, vector<1x16xf32>,
      %get3A_96 = vector.shape_cast %get3A_95 : vector<1x16xf32> to vector<16xf32>
      %get3A_97 = arith.index_cast %scan3A_92 : i32 to index
      %get3A_98 = arith.constant 0 : index
      %get3A_99 = tpu.vector_load %arg12[%get3A_97, %get3A_98] {strides = array<i32>} : memref<40x128xf32, #tpu.memory_space<vmem>>, vector<1x16xf32>,
      %get3A_100 = vector.shape_cast %get3A_99 : vector<1x16xf32> to vector<16xf32>
      %add3A_101 = arith.addf %get3A_96, %get3A_100 : vector<16xf32>
      %max3A = arith.constant 0.000000e+00 : f32
      %max3A_102 = vector.broadcast %max3A : f32 to vector<16xf32>
      %max3A_103 = arith.maximumf %add3A_101, %max3A_102 : vector<16xf32>
      %swap3A = arith.index_cast %scan3A_92 : i32 to index
      %swap3A_104 = arith.constant 0 : index
      %swap3A_105 = tpu.vector_load %arg10[%swap3A, %swap3A_104] {strides = array<i32>} : memref<40x128xf32, #tpu.memory_space<vmem>>, vector<1x16xf32>,
      %swap3A_106 = vector.shape_cast %swap3A_105 : vector<1x16xf32> to vector<16xf32>
      %swap3A_107 = vector.shape_cast %max3A_103 : vector<16xf32> to vector<1x16xf32>
      tpu.vector_store %arg10[%swap3A, %swap3A_104], %swap3A_107 {strides = array<i32>} : memref<40x128xf32, #tpu.memory_space<vmem>>, vector<1x16xf32>,
      %get3A_108 = arith.index_cast %scan3A_92 : i32 to index
      %get3A_109 = arith.constant 16 : index
      %get3A_110 = tpu.vector_load %arg10[%get3A_108, %get3A_109] {strides = array<i32>} : memref<40x128xf32, #tpu.memory_space<vmem>>, vector<1x16xf32>,
      %get3A_111 = vector.shape_cast %get3A_110 : vector<1x16xf32> to vector<16xf32>
      %get3A_112 = arith.index_cast %scan3A_92 : i32 to index
      %get3A_113 = arith.constant 16 : index
      %get3A_114 = tpu.vector_load %arg12[%get3A_112, %get3A_113] {strides = array<i32>} : memref<40x128xf32, #tpu.memory_space<vmem>>, vector<1x16xf32>,
      %get3A_115 = vector.shape_cast %get3A_114 : vector<1x16xf32> to vector<16xf32>
      %add3A_116 = arith.addf %get3A_111, %get3A_115 : vector<16xf32>
      %max3A_117 = arith.constant 0.000000e+00 : f32
      %max3A_118 = vector.broadcast %max3A_117 : f32 to vector<16xf32>
      %max3A_119 = arith.maximumf %add3A_116, %max3A_118 : vector<16xf32>
      %swap3A_120 = arith.index_cast %scan3A_92 : i32 to index
      %swap3A_121 = arith.constant 16 : index
      %swap3A_122 = tpu.vector_load %arg10[%swap3A_120, %swap3A_121] {strides = array<i32>} : memref<40x128xf32, #tpu.memory_space<vmem>>, vector<1x16xf32>,
      %swap3A_123 = vector.shape_cast %swap3A_122 : vector<1x16xf32> to vector<16xf32>
      %swap3A_124 = vector.shape_cast %max3A_119 : vector<16xf32> to vector<1x16xf32>
      tpu.vector_store %arg10[%swap3A_120, %swap3A_121], %swap3A_124 {strides = array<i32>} : memref<40x128xf32, #tpu.memory_space<vmem>>, vector<1x16xf32>,
      %get3A_125 = arith.index_cast %scan3A_92 : i32 to index
      %get3A_126 = arith.constant 32 : index
      %get3A_127 = tpu.vector_load %arg10[%get3A_125, %get3A_126] {strides = array<i32>} : memref<40x128xf32, #tpu.memory_space<vmem>>, vector<1x16xf32>,
      %get3A_128 = vector.shape_cast %get3A_127 : vector<1x16xf32> to vector<16xf32>
      %get3A_129 = arith.index_cast %scan3A_92 : i32 to index
      %get3A_130 = arith.constant 32 : index
      %get3A_131 = tpu.vector_load %arg12[%get3A_129, %get3A_130] {strides = array<i32>} : memref<40x128xf32, #tpu.memory_space<vmem>>, vector<1x16xf32>,
      %get3A_132 = vector.shape_cast %get3A_131 : vector<1x16xf32> to vector<16xf32>
      %add3A_133 = arith.addf %get3A_128, %get3A_132 : vector<16xf32>
      %max3A_134 = arith.constant 0.000000e+00 : f32
      %max3A_135 = vector.broadcast %max3A_134 : f32 to vector<16xf32>
      %max3A_136 = arith.maximumf %add3A_133, %max3A_135 : vector<16xf32>
      %swap3A_137 = arith.index_cast %scan3A_92 : i32 to index
      %swap3A_138 = arith.constant 32 : index
      %swap3A_139 = tpu.vector_load %arg10[%swap3A_137, %swap3A_138] {strides = array<i32>} : memref<40x128xf32, #tpu.memory_space<vmem>>, vector<1x16xf32>,
      %swap3A_140 = vector.shape_cast %swap3A_139 : vector<1x16xf32> to vector<16xf32>
      %swap3A_141 = vector.shape_cast %max3A_136 : vector<16xf32> to vector<1x16xf32>
      tpu.vector_store %arg10[%swap3A_137, %swap3A_138], %swap3A_141 {strides = array<i32>} : memref<40x128xf32, #tpu.memory_space<vmem>>, vector<1x16xf32>,
      %get3A_142 = arith.index_cast %scan3A_92 : i32 to index
      %get3A_143 = arith.constant 48 : index
      %get3A_144 = tpu.vector_load %arg10[%get3A_142, %get3A_143] {strides = array<i32>} : memref<40x128xf32, #tpu.memory_space<vmem>>, vector<1x16xf32>,
      %get3A_145 = vector.shape_cast %get3A_144 : vector<1x16xf32> to vector<16xf32>
      %get3A_146 = arith.index_cast %scan3A_92 : i32 to index
      %get3A_147 = arith.constant 48 : index
      %get3A_148 = tpu.vector_load %arg12[%get3A_146, %get3A_147] {strides = array<i32>} : memref<40x128xf32, #tpu.memory_space<vmem>>, vector<1x16xf32>,
      %get3A_149 = vector.shape_cast %get3A_148 : vector<1x16xf32> to vector<16xf32>
      %add3A_150 = arith.addf %get3A_145, %get3A_149 : vector<16xf32>
      %max3A_151 = arith.constant 0.000000e+00 : f32
      %max3A_152 = vector.broadcast %max3A_151 : f32 to vector<16xf32>
      %max3A_153 = arith.maximumf %add3A_150, %max3A_152 : vector<16xf32>
      %swap3A_154 = arith.index_cast %scan3A_92 : i32 to index
      %swap3A_155 = arith.constant 48 : index
      %swap3A_156 = tpu.vector_load %arg10[%swap3A_154, %swap3A_155] {strides = array<i32>} : memref<40x128xf32, #tpu.memory_space<vmem>>, vector<1x16xf32>,
      %swap3A_157 = vector.shape_cast %swap3A_156 : vector<1x16xf32> to vector<16xf32>
      %swap3A_158 = vector.shape_cast %max3A_153 : vector<16xf32> to vector<1x16xf32>
      tpu.vector_store %arg10[%swap3A_154, %swap3A_155], %swap3A_158 {strides = array<i32>} : memref<40x128xf32, #tpu.memory_space<vmem>>, vector<1x16xf32>,
      %get3A_159 = arith.index_cast %scan3A_92 : i32 to index
      %get3A_160 = arith.constant 64 : index
      %get3A_161 = tpu.vector_load %arg10[%get3A_159, %get3A_160] {strides = array<i32>} : memref<40x128xf32, #tpu.memory_space<vmem>>, vector<1x16xf32>,
      %get3A_162 = vector.shape_cast %get3A_161 : vector<1x16xf32> to vector<16xf32>
      %get3A_163 = arith.index_cast %scan3A_92 : i32 to index
      %get3A_164 = arith.constant 64 : index
      %get3A_165 = tpu.vector_load %arg12[%get3A_163, %get3A_164] {strides = array<i32>} : memref<40x128xf32, #tpu.memory_space<vmem>>, vector<1x16xf32>,
      %get3A_166 = vector.shape_cast %get3A_165 : vector<1x16xf32> to vector<16xf32>
      %add3A_167 = arith.addf %get3A_162, %get3A_166 : vector<16xf32>
      %max3A_168 = arith.constant 0.000000e+00 : f32
      %max3A_169 = vector.broadcast %max3A_168 : f32 to vector<16xf32>
      %max3A_170 = arith.maximumf %add3A_167, %max3A_169 : vector<16xf32>
      %swap3A_171 = arith.index_cast %scan3A_92 : i32 to index
      %swap3A_172 = arith.constant 64 : index
      %swap3A_173 = tpu.vector_load %arg10[%swap3A_171, %swap3A_172] {strides = array<i32>} : memref<40x128xf32, #tpu.memory_space<vmem>>, vector<1x16xf32>,
      %swap3A_174 = vector.shape_cast %swap3A_173 : vector<1x16xf32> to vector<16xf32>
      %swap3A_175 = vector.shape_cast %max3A_170 : vector<16xf32> to vector<1x16xf32>
      tpu.vector_store %arg10[%swap3A_171, %swap3A_172], %swap3A_175 {strides = array<i32>} : memref<40x128xf32, #tpu.memory_space<vmem>>, vector<1x16xf32>,
      %get3A_176 = arith.index_cast %scan3A_92 : i32 to index
      %get3A_177 = arith.constant 80 : index
      %get3A_178 = tpu.vector_load %arg10[%get3A_176, %get3A_177] {strides = array<i32>} : memref<40x128xf32, #tpu.memory_space<vmem>>, vector<1x16xf32>,
      %get3A_179 = vector.shape_cast %get3A_178 : vector<1x16xf32> to vector<16xf32>
      %get3A_180 = arith.index_cast %scan3A_92 : i32 to index
      %get3A_181 = arith.constant 80 : index
      %get3A_182 = tpu.vector_load %arg12[%get3A_180, %get3A_181] {strides = array<i32>} : memref<40x128xf32, #tpu.memory_space<vmem>>, vector<1x16xf32>,
      %get3A_183 = vector.shape_cast %get3A_182 : vector<1x16xf32> to vector<16xf32>
      %add3A_184 = arith.addf %get3A_179, %get3A_183 : vector<16xf32>
      %max3A_185 = arith.constant 0.000000e+00 : f32
      %max3A_186 = vector.broadcast %max3A_185 : f32 to vector<16xf32>
      %max3A_187 = arith.maximumf %add3A_184, %max3A_186 : vector<16xf32>
      %swap3A_188 = arith.index_cast %scan3A_92 : i32 to index
      %swap3A_189 = arith.constant 80 : index
      %swap3A_190 = tpu.vector_load %arg10[%swap3A_188, %swap3A_189] {strides = array<i32>} : memref<40x128xf32, #tpu.memory_space<vmem>>, vector<1x16xf32>,
      %swap3A_191 = vector.shape_cast %swap3A_190 : vector<1x16xf32> to vector<16xf32>
      %swap3A_192 = vector.shape_cast %max3A_187 : vector<16xf32> to vector<1x16xf32>
      tpu.vector_store %arg10[%swap3A_188, %swap3A_189], %swap3A_192 {strides = array<i32>} : memref<40x128xf32, #tpu.memory_space<vmem>>, vector<1x16xf32>,
      %get3A_193 = arith.index_cast %scan3A_92 : i32 to index
      %get3A_194 = arith.constant 96 : index
      %get3A_195 = tpu.vector_load %arg10[%get3A_193, %get3A_194] {strides = array<i32>} : memref<40x128xf32, #tpu.memory_space<vmem>>, vector<1x16xf32>,
      %get3A_196 = vector.shape_cast %get3A_195 : vector<1x16xf32> to vector<16xf32>
      %get3A_197 = arith.index_cast %scan3A_92 : i32 to index
      %get3A_198 = arith.constant 96 : index
      %get3A_199 = tpu.vector_load %arg12[%get3A_197, %get3A_198] {strides = array<i32>} : memref<40x128xf32, #tpu.memory_space<vmem>>, vector<1x16xf32>,
      %get3A_200 = vector.shape_cast %get3A_199 : vector<1x16xf32> to vector<16xf32>
      %add3A_201 = arith.addf %get3A_196, %get3A_200 : vector<16xf32>
      %max3A_202 = arith.constant 0.000000e+00 : f32
      %max3A_203 = vector.broadcast %max3A_202 : f32 to vector<16xf32>
      %max3A_204 = arith.maximumf %add3A_201, %max3A_203 : vector<16xf32>
      %swap3A_205 = arith.index_cast %scan3A_92 : i32 to index
      %swap3A_206 = arith.constant 96 : index
      %swap3A_207 = tpu.vector_load %arg10[%swap3A_205, %swap3A_206] {strides = array<i32>} : memref<40x128xf32, #tpu.memory_space<vmem>>, vector<1x16xf32>,
      %swap3A_208 = vector.shape_cast %swap3A_207 : vector<1x16xf32> to vector<16xf32>
      %swap3A_209 = vector.shape_cast %max3A_204 : vector<16xf32> to vector<1x16xf32>
      tpu.vector_store %arg10[%swap3A_205, %swap3A_206], %swap3A_209 {strides = array<i32>} : memref<40x128xf32, #tpu.memory_space<vmem>>, vector<1x16xf32>,
      %get3A_210 = arith.index_cast %scan3A_92 : i32 to index
      %get3A_211 = arith.constant 112 : index
      %get3A_212 = tpu.vector_load %arg10[%get3A_210, %get3A_211] {strides = array<i32>} : memref<40x128xf32, #tpu.memory_space<vmem>>, vector<1x16xf32>,
      %get3A_213 = vector.shape_cast %get3A_212 : vector<1x16xf32> to vector<16xf32>
      %get3A_214 = arith.index_cast %scan3A_92 : i32 to index
      %get3A_215 = arith.constant 112 : index
      %get3A_216 = tpu.vector_load %arg12[%get3A_214, %get3A_215] {strides = array<i32>} : memref<40x128xf32, #tpu.memory_space<vmem>>, vector<1x16xf32>,
      %get3A_217 = vector.shape_cast %get3A_216 : vector<1x16xf32> to vector<16xf32>
      %add3A_218 = arith.addf %get3A_213, %get3A_217 : vector<16xf32>
      %max3A_219 = arith.constant 0.000000e+00 : f32
      %max3A_220 = vector.broadcast %max3A_219 : f32 to vector<16xf32>
      %max3A_221 = arith.maximumf %add3A_218, %max3A_220 : vector<16xf32>
      %swap3A_222 = arith.index_cast %scan3A_92 : i32 to index
      %swap3A_223 = arith.constant 112 : index
      %swap3A_224 = tpu.vector_load %arg10[%swap3A_222, %swap3A_223] {strides = array<i32>} : memref<40x128xf32, #tpu.memory_space<vmem>>, vector<1x16xf32>,
      %swap3A_225 = vector.shape_cast %swap3A_224 : vector<1x16xf32> to vector<16xf32>
      %swap3A_226 = vector.shape_cast %max3A_221 : vector<16xf32> to vector<1x16xf32>
      tpu.vector_store %arg10[%swap3A_222, %swap3A_223], %swap3A_226 {strides = array<i32>} : memref<40x128xf32, #tpu.memory_space<vmem>>, vector<1x16xf32>,
      %scan3A_227 = arith.constant 0 : i32
      scf.yield %scan3A_227 : i32
    }
    %scan3A_63 = arith.constant 40 : i32
    "tpu.region"() ({
      %run_scoped3A = tpu.sem_alloc : memref<!tpu.dma_semaphore, #tpu.memory_space<semaphore_mem>>
      %dma_start3A_92 = arith.constant 0 : i32
      %dma_start3A_93 = arith.constant 0 : i32
      %dma_start3A_94 = tpu.memref_slice %arg14[%dma_start3A_92, %dma_start3A_93] : memref<10240x128xf32, #tpu.memory_space<vmem_shared>> -> memref<10240x128xf32, #tpu.memory_space<vmem_shared>>
      tpu.enqueue_indirect_dma source(%arg10 : memref<40x128xf32, #tpu.memory_space<vmem>>) target(%dma_start3A_94 : memref<10240x128xf32, #tpu.memory_space<vmem_shared>>) offsets(%arg8 : memref<40xi32, #tpu.memory_space<vmem>>) semaphore(%run_scoped3A : memref<!tpu.dma_semaphore, #tpu.memory_space<semaphore_mem>>) {add = true}
      %dma_wait3A_95 = arith.constant 0 : i32
      %dma_wait3A_96 = arith.constant 0 : i32
      %dma_wait3A_97 = tpu.memref_slice %arg14[%dma_wait3A_95, %dma_wait3A_96] : memref<10240x128xf32, #tpu.memory_space<vmem_shared>> -> memref<10240x128xf32, #tpu.memory_space<vmem_shared>>
      tpu.wait_indirect_dma semaphore(%run_scoped3A : memref<!tpu.dma_semaphore, #tpu.memory_space<semaphore_mem>>) src(%arg10 : memref<40x128xf32, #tpu.memory_space<vmem>>) dst(%dma_wait3A_97 : memref<10240x128xf32, #tpu.memory_space<vmem_shared>>)
      tpu.yield
    }) : () -> ()
    %dma_wait3A_64 = arith.constant 9960 : i32
    %dma_wait3A_65 = tpu.memref_slice %arg7[%dma_wait3A_64] : memref<10000xi32, #tpu.memory_space<vmem>> -> memref<40xi32, #tpu.memory_space<vmem>>
    %dma_wait3A_66 = arith.constant 0 : i32
    %dma_wait3A_67 = arith.constant 0 : i32
    %dma_wait3A_68 = tpu.memref_slice %arg2[%dma_wait3A_66, %dma_wait3A_67] : memref<10000x128xf32, #tpu.memory_space<hbm>> -> memref<10000x128xf32, #tpu.memory_space<hbm>>
    tpu.wait_indirect_dma semaphore(%arg16 : memref<!tpu.dma_semaphore, #tpu.memory_space<semaphore_mem>>) src(%dma_wait3A_68 : memref<10000x128xf32, #tpu.memory_space<hbm>>) dst(%arg11 : memref<40x128xf32, #tpu.memory_space<vmem>>)
    %add3A_69 = arith.constant 9960 : i32
    %add3A_70 = arith.addi %mul3A_2, %add3A_69 : i32
    %dma_wait3A_71 = arith.constant 0 : i32
    %dma_wait3A_72 = tpu.memref_slice %arg5[%add3A_70, %dma_wait3A_71] : memref<320000x128xf32, #tpu.memory_space<hbm>> -> memref<40x128xf32, #tpu.memory_space<hbm>>
    %dma_wait3A_73 = arith.constant 0 : i32
    %dma_wait3A_74 = tpu.memref_slice %arg5[%add3A_70, %dma_wait3A_73] : memref<320000x128xf32, #tpu.memory_space<hbm>> -> memref<40x128xf32, #tpu.memory_space<hbm>>
    tpu.wait_dma2 semaphore(%arg18 : memref<!tpu.dma_semaphore, #tpu.memory_space<semaphore_mem>>) src(%dma_wait3A_74 : memref<40x128xf32, #tpu.memory_space<hbm>>) dst(%arg13 : memref<40x128xf32, #tpu.memory_space<vmem>>)
    %add3A_75 = arith.constant 9960 : i32
    %add3A_76 = arith.addi %mul3A_2, %add3A_75 : i32
    "tpu.region"() ({
      %run_scoped3A = tpu.sem_alloc : memref<!tpu.dma_semaphore, #tpu.memory_space<semaphore_mem>>
      %dma_start3A_92 = tpu.memref_slice %arg4[%add3A_76] : memref<320000xi32, #tpu.memory_space<hbm>> -> memref<40xi32, #tpu.memory_space<hbm>>
      %dma_start3A_93 = tpu.memref_slice %arg4[%add3A_76] : memref<320000xi32, #tpu.memory_space<hbm>> -> memref<40xi32, #tpu.memory_space<hbm>>
      tpu.enqueue_dma source(%dma_start3A_93 : memref<40xi32, #tpu.memory_space<hbm>>) target(%arg9 : memref<40xi32, #tpu.memory_space<vmem>>) target_semaphore(%run_scoped3A : memref<!tpu.dma_semaphore, #tpu.memory_space<semaphore_mem>>)
      %dma_wait3A_94 = tpu.memref_slice %arg4[%add3A_76] : memref<320000xi32, #tpu.memory_space<hbm>> -> memref<40xi32, #tpu.memory_space<hbm>>
      %dma_wait3A_95 = tpu.memref_slice %arg4[%add3A_76] : memref<320000xi32, #tpu.memory_space<hbm>> -> memref<40xi32, #tpu.memory_space<hbm>>
      tpu.wait_dma2 semaphore(%run_scoped3A : memref<!tpu.dma_semaphore, #tpu.memory_space<semaphore_mem>>) src(%dma_wait3A_95 : memref<40xi32, #tpu.memory_space<hbm>>) dst(%arg9 : memref<40xi32, #tpu.memory_space<vmem>>)
      tpu.yield
    }) : () -> ()
    %scan3A_77 = arith.constant 0 : i32
    %scan3A_78 = arith.constant 0 : i32
    %scan3A_79 = arith.constant 40 : i32
    %scan3A_80 = arith.addi %scan3A_78, %scan3A_79 : i32
    %scan3A_81 = arith.constant 1 : i32
    %scan3A_82 = scf.for %scan3A_92 = %scan3A_78 to %scan3A_80 step %scan3A_81 iter_args(%scan3A_93 = %scan3A_77) -> (i32)  : i32 {
      %get3A = arith.index_cast %scan3A_92 : i32 to index
      %get3A_94 = arith.constant 0 : index
      %get3A_95 = tpu.vector_load %arg11[%get3A, %get3A_94] {strides = array<i32>} : memref<40x128xf32, #tpu.memory_space<vmem>>, vector<1x16xf32>,
      %get3A_96 = vector.shape_cast %get3A_95 : vector<1x16xf32> to vector<16xf32>
      %get3A_97 = arith.index_cast %scan3A_92 : i32 to index
      %get3A_98 = arith.constant 0 : index
      %get3A_99 = tpu.vector_load %arg13[%get3A_97, %get3A_98] {strides = array<i32>} : memref<40x128xf32, #tpu.memory_space<vmem>>, vector<1x16xf32>,
      %get3A_100 = vector.shape_cast %get3A_99 : vector<1x16xf32> to vector<16xf32>
      %add3A_101 = arith.addf %get3A_96, %get3A_100 : vector<16xf32>
      %max3A = arith.constant 0.000000e+00 : f32
      %max3A_102 = vector.broadcast %max3A : f32 to vector<16xf32>
      %max3A_103 = arith.maximumf %add3A_101, %max3A_102 : vector<16xf32>
      %swap3A = arith.index_cast %scan3A_92 : i32 to index
      %swap3A_104 = arith.constant 0 : index
      %swap3A_105 = tpu.vector_load %arg11[%swap3A, %swap3A_104] {strides = array<i32>} : memref<40x128xf32, #tpu.memory_space<vmem>>, vector<1x16xf32>,
      %swap3A_106 = vector.shape_cast %swap3A_105 : vector<1x16xf32> to vector<16xf32>
      %swap3A_107 = vector.shape_cast %max3A_103 : vector<16xf32> to vector<1x16xf32>
      tpu.vector_store %arg11[%swap3A, %swap3A_104], %swap3A_107 {strides = array<i32>} : memref<40x128xf32, #tpu.memory_space<vmem>>, vector<1x16xf32>,
      %get3A_108 = arith.index_cast %scan3A_92 : i32 to index
      %get3A_109 = arith.constant 16 : index
      %get3A_110 = tpu.vector_load %arg11[%get3A_108, %get3A_109] {strides = array<i32>} : memref<40x128xf32, #tpu.memory_space<vmem>>, vector<1x16xf32>,
      %get3A_111 = vector.shape_cast %get3A_110 : vector<1x16xf32> to vector<16xf32>
      %get3A_112 = arith.index_cast %scan3A_92 : i32 to index
      %get3A_113 = arith.constant 16 : index
      %get3A_114 = tpu.vector_load %arg13[%get3A_112, %get3A_113] {strides = array<i32>} : memref<40x128xf32, #tpu.memory_space<vmem>>, vector<1x16xf32>,
      %get3A_115 = vector.shape_cast %get3A_114 : vector<1x16xf32> to vector<16xf32>
      %add3A_116 = arith.addf %get3A_111, %get3A_115 : vector<16xf32>
      %max3A_117 = arith.constant 0.000000e+00 : f32
      %max3A_118 = vector.broadcast %max3A_117 : f32 to vector<16xf32>
      %max3A_119 = arith.maximumf %add3A_116, %max3A_118 : vector<16xf32>
      %swap3A_120 = arith.index_cast %scan3A_92 : i32 to index
      %swap3A_121 = arith.constant 16 : index
      %swap3A_122 = tpu.vector_load %arg11[%swap3A_120, %swap3A_121] {strides = array<i32>} : memref<40x128xf32, #tpu.memory_space<vmem>>, vector<1x16xf32>,
      %swap3A_123 = vector.shape_cast %swap3A_122 : vector<1x16xf32> to vector<16xf32>
      %swap3A_124 = vector.shape_cast %max3A_119 : vector<16xf32> to vector<1x16xf32>
      tpu.vector_store %arg11[%swap3A_120, %swap3A_121], %swap3A_124 {strides = array<i32>} : memref<40x128xf32, #tpu.memory_space<vmem>>, vector<1x16xf32>,
      %get3A_125 = arith.index_cast %scan3A_92 : i32 to index
      %get3A_126 = arith.constant 32 : index
      %get3A_127 = tpu.vector_load %arg11[%get3A_125, %get3A_126] {strides = array<i32>} : memref<40x128xf32, #tpu.memory_space<vmem>>, vector<1x16xf32>,
      %get3A_128 = vector.shape_cast %get3A_127 : vector<1x16xf32> to vector<16xf32>
      %get3A_129 = arith.index_cast %scan3A_92 : i32 to index
      %get3A_130 = arith.constant 32 : index
      %get3A_131 = tpu.vector_load %arg13[%get3A_129, %get3A_130] {strides = array<i32>} : memref<40x128xf32, #tpu.memory_space<vmem>>, vector<1x16xf32>,
      %get3A_132 = vector.shape_cast %get3A_131 : vector<1x16xf32> to vector<16xf32>
      %add3A_133 = arith.addf %get3A_128, %get3A_132 : vector<16xf32>
      %max3A_134 = arith.constant 0.000000e+00 : f32
      %max3A_135 = vector.broadcast %max3A_134 : f32 to vector<16xf32>
      %max3A_136 = arith.maximumf %add3A_133, %max3A_135 : vector<16xf32>
      %swap3A_137 = arith.index_cast %scan3A_92 : i32 to index
      %swap3A_138 = arith.constant 32 : index
      %swap3A_139 = tpu.vector_load %arg11[%swap3A_137, %swap3A_138] {strides = array<i32>} : memref<40x128xf32, #tpu.memory_space<vmem>>, vector<1x16xf32>,
      %swap3A_140 = vector.shape_cast %swap3A_139 : vector<1x16xf32> to vector<16xf32>
      %swap3A_141 = vector.shape_cast %max3A_136 : vector<16xf32> to vector<1x16xf32>
      tpu.vector_store %arg11[%swap3A_137, %swap3A_138], %swap3A_141 {strides = array<i32>} : memref<40x128xf32, #tpu.memory_space<vmem>>, vector<1x16xf32>,
      %get3A_142 = arith.index_cast %scan3A_92 : i32 to index
      %get3A_143 = arith.constant 48 : index
      %get3A_144 = tpu.vector_load %arg11[%get3A_142, %get3A_143] {strides = array<i32>} : memref<40x128xf32, #tpu.memory_space<vmem>>, vector<1x16xf32>,
      %get3A_145 = vector.shape_cast %get3A_144 : vector<1x16xf32> to vector<16xf32>
      %get3A_146 = arith.index_cast %scan3A_92 : i32 to index
      %get3A_147 = arith.constant 48 : index
      %get3A_148 = tpu.vector_load %arg13[%get3A_146, %get3A_147] {strides = array<i32>} : memref<40x128xf32, #tpu.memory_space<vmem>>, vector<1x16xf32>,
      %get3A_149 = vector.shape_cast %get3A_148 : vector<1x16xf32> to vector<16xf32>
      %add3A_150 = arith.addf %get3A_145, %get3A_149 : vector<16xf32>
      %max3A_151 = arith.constant 0.000000e+00 : f32
      %max3A_152 = vector.broadcast %max3A_151 : f32 to vector<16xf32>
      %max3A_153 = arith.maximumf %add3A_150, %max3A_152 : vector<16xf32>
      %swap3A_154 = arith.index_cast %scan3A_92 : i32 to index
      %swap3A_155 = arith.constant 48 : index
      %swap3A_156 = tpu.vector_load %arg11[%swap3A_154, %swap3A_155] {strides = array<i32>} : memref<40x128xf32, #tpu.memory_space<vmem>>, vector<1x16xf32>,
      %swap3A_157 = vector.shape_cast %swap3A_156 : vector<1x16xf32> to vector<16xf32>
      %swap3A_158 = vector.shape_cast %max3A_153 : vector<16xf32> to vector<1x16xf32>
      tpu.vector_store %arg11[%swap3A_154, %swap3A_155], %swap3A_158 {strides = array<i32>} : memref<40x128xf32, #tpu.memory_space<vmem>>, vector<1x16xf32>,
      %get3A_159 = arith.index_cast %scan3A_92 : i32 to index
      %get3A_160 = arith.constant 64 : index
      %get3A_161 = tpu.vector_load %arg11[%get3A_159, %get3A_160] {strides = array<i32>} : memref<40x128xf32, #tpu.memory_space<vmem>>, vector<1x16xf32>,
      %get3A_162 = vector.shape_cast %get3A_161 : vector<1x16xf32> to vector<16xf32>
      %get3A_163 = arith.index_cast %scan3A_92 : i32 to index
      %get3A_164 = arith.constant 64 : index
      %get3A_165 = tpu.vector_load %arg13[%get3A_163, %get3A_164] {strides = array<i32>} : memref<40x128xf32, #tpu.memory_space<vmem>>, vector<1x16xf32>,
      %get3A_166 = vector.shape_cast %get3A_165 : vector<1x16xf32> to vector<16xf32>
      %add3A_167 = arith.addf %get3A_162, %get3A_166 : vector<16xf32>
      %max3A_168 = arith.constant 0.000000e+00 : f32
      %max3A_169 = vector.broadcast %max3A_168 : f32 to vector<16xf32>
      %max3A_170 = arith.maximumf %add3A_167, %max3A_169 : vector<16xf32>
      %swap3A_171 = arith.index_cast %scan3A_92 : i32 to index
      %swap3A_172 = arith.constant 64 : index
      %swap3A_173 = tpu.vector_load %arg11[%swap3A_171, %swap3A_172] {strides = array<i32>} : memref<40x128xf32, #tpu.memory_space<vmem>>, vector<1x16xf32>,
      %swap3A_174 = vector.shape_cast %swap3A_173 : vector<1x16xf32> to vector<16xf32>
      %swap3A_175 = vector.shape_cast %max3A_170 : vector<16xf32> to vector<1x16xf32>
      tpu.vector_store %arg11[%swap3A_171, %swap3A_172], %swap3A_175 {strides = array<i32>} : memref<40x128xf32, #tpu.memory_space<vmem>>, vector<1x16xf32>,
      %get3A_176 = arith.index_cast %scan3A_92 : i32 to index
      %get3A_177 = arith.constant 80 : index
      %get3A_178 = tpu.vector_load %arg11[%get3A_176, %get3A_177] {strides = array<i32>} : memref<40x128xf32, #tpu.memory_space<vmem>>, vector<1x16xf32>,
      %get3A_179 = vector.shape_cast %get3A_178 : vector<1x16xf32> to vector<16xf32>
      %get3A_180 = arith.index_cast %scan3A_92 : i32 to index
      %get3A_181 = arith.constant 80 : index
      %get3A_182 = tpu.vector_load %arg13[%get3A_180, %get3A_181] {strides = array<i32>} : memref<40x128xf32, #tpu.memory_space<vmem>>, vector<1x16xf32>,
      %get3A_183 = vector.shape_cast %get3A_182 : vector<1x16xf32> to vector<16xf32>
      %add3A_184 = arith.addf %get3A_179, %get3A_183 : vector<16xf32>
      %max3A_185 = arith.constant 0.000000e+00 : f32
      %max3A_186 = vector.broadcast %max3A_185 : f32 to vector<16xf32>
      %max3A_187 = arith.maximumf %add3A_184, %max3A_186 : vector<16xf32>
      %swap3A_188 = arith.index_cast %scan3A_92 : i32 to index
      %swap3A_189 = arith.constant 80 : index
      %swap3A_190 = tpu.vector_load %arg11[%swap3A_188, %swap3A_189] {strides = array<i32>} : memref<40x128xf32, #tpu.memory_space<vmem>>, vector<1x16xf32>,
      %swap3A_191 = vector.shape_cast %swap3A_190 : vector<1x16xf32> to vector<16xf32>
      %swap3A_192 = vector.shape_cast %max3A_187 : vector<16xf32> to vector<1x16xf32>
      tpu.vector_store %arg11[%swap3A_188, %swap3A_189], %swap3A_192 {strides = array<i32>} : memref<40x128xf32, #tpu.memory_space<vmem>>, vector<1x16xf32>,
      %get3A_193 = arith.index_cast %scan3A_92 : i32 to index
      %get3A_194 = arith.constant 96 : index
      %get3A_195 = tpu.vector_load %arg11[%get3A_193, %get3A_194] {strides = array<i32>} : memref<40x128xf32, #tpu.memory_space<vmem>>, vector<1x16xf32>,
      %get3A_196 = vector.shape_cast %get3A_195 : vector<1x16xf32> to vector<16xf32>
      %get3A_197 = arith.index_cast %scan3A_92 : i32 to index
      %get3A_198 = arith.constant 96 : index
      %get3A_199 = tpu.vector_load %arg13[%get3A_197, %get3A_198] {strides = array<i32>} : memref<40x128xf32, #tpu.memory_space<vmem>>, vector<1x16xf32>,
      %get3A_200 = vector.shape_cast %get3A_199 : vector<1x16xf32> to vector<16xf32>
      %add3A_201 = arith.addf %get3A_196, %get3A_200 : vector<16xf32>
      %max3A_202 = arith.constant 0.000000e+00 : f32
      %max3A_203 = vector.broadcast %max3A_202 : f32 to vector<16xf32>
      %max3A_204 = arith.maximumf %add3A_201, %max3A_203 : vector<16xf32>
      %swap3A_205 = arith.index_cast %scan3A_92 : i32 to index
      %swap3A_206 = arith.constant 96 : index
      %swap3A_207 = tpu.vector_load %arg11[%swap3A_205, %swap3A_206] {strides = array<i32>} : memref<40x128xf32, #tpu.memory_space<vmem>>, vector<1x16xf32>,
      %swap3A_208 = vector.shape_cast %swap3A_207 : vector<1x16xf32> to vector<16xf32>
      %swap3A_209 = vector.shape_cast %max3A_204 : vector<16xf32> to vector<1x16xf32>
      tpu.vector_store %arg11[%swap3A_205, %swap3A_206], %swap3A_209 {strides = array<i32>} : memref<40x128xf32, #tpu.memory_space<vmem>>, vector<1x16xf32>,
      %get3A_210 = arith.index_cast %scan3A_92 : i32 to index
      %get3A_211 = arith.constant 112 : index
      %get3A_212 = tpu.vector_load %arg11[%get3A_210, %get3A_211] {strides = array<i32>} : memref<40x128xf32, #tpu.memory_space<vmem>>, vector<1x16xf32>,
      %get3A_213 = vector.shape_cast %get3A_212 : vector<1x16xf32> to vector<16xf32>
      %get3A_214 = arith.index_cast %scan3A_92 : i32 to index
      %get3A_215 = arith.constant 112 : index
      %get3A_216 = tpu.vector_load %arg13[%get3A_214, %get3A_215] {strides = array<i32>} : memref<40x128xf32, #tpu.memory_space<vmem>>, vector<1x16xf32>,
      %get3A_217 = vector.shape_cast %get3A_216 : vector<1x16xf32> to vector<16xf32>
      %add3A_218 = arith.addf %get3A_213, %get3A_217 : vector<16xf32>
      %max3A_219 = arith.constant 0.000000e+00 : f32
      %max3A_220 = vector.broadcast %max3A_219 : f32 to vector<16xf32>
      %max3A_221 = arith.maximumf %add3A_218, %max3A_220 : vector<16xf32>
      %swap3A_222 = arith.index_cast %scan3A_92 : i32 to index
      %swap3A_223 = arith.constant 112 : index
      %swap3A_224 = tpu.vector_load %arg11[%swap3A_222, %swap3A_223] {strides = array<i32>} : memref<40x128xf32, #tpu.memory_space<vmem>>, vector<1x16xf32>,
      %swap3A_225 = vector.shape_cast %swap3A_224 : vector<1x16xf32> to vector<16xf32>
      %swap3A_226 = vector.shape_cast %max3A_221 : vector<16xf32> to vector<1x16xf32>
      tpu.vector_store %arg11[%swap3A_222, %swap3A_223], %swap3A_226 {strides = array<i32>} : memref<40x128xf32, #tpu.memory_space<vmem>>, vector<1x16xf32>,
      %scan3A_227 = arith.constant 0 : i32
      scf.yield %scan3A_227 : i32
    }
    %scan3A_83 = arith.constant 40 : i32
    "tpu.region"() ({
      %run_scoped3A = tpu.sem_alloc : memref<!tpu.dma_semaphore, #tpu.memory_space<semaphore_mem>>
      %dma_start3A_92 = arith.constant 0 : i32
      %dma_start3A_93 = arith.constant 0 : i32
      %dma_start3A_94 = tpu.memref_slice %arg14[%dma_start3A_92, %dma_start3A_93] : memref<10240x128xf32, #tpu.memory_space<vmem_shared>> -> memref<10240x128xf32, #tpu.memory_space<vmem_shared>>
      tpu.enqueue_indirect_dma source(%arg11 : memref<40x128xf32, #tpu.memory_space<vmem>>) target(%dma_start3A_94 : memref<10240x128xf32, #tpu.memory_space<vmem_shared>>) offsets(%arg9 : memref<40xi32, #tpu.memory_space<vmem>>) semaphore(%run_scoped3A : memref<!tpu.dma_semaphore, #tpu.memory_space<semaphore_mem>>) {add = true}
      %dma_wait3A_95 = arith.constant 0 : i32
      %dma_wait3A_96 = arith.constant 0 : i32
      %dma_wait3A_97 = tpu.memref_slice %arg14[%dma_wait3A_95, %dma_wait3A_96] : memref<10240x128xf32, #tpu.memory_space<vmem_shared>> -> memref<10240x128xf32, #tpu.memory_space<vmem_shared>>
      tpu.wait_indirect_dma semaphore(%run_scoped3A : memref<!tpu.dma_semaphore, #tpu.memory_space<semaphore_mem>>) src(%arg11 : memref<40x128xf32, #tpu.memory_space<vmem>>) dst(%dma_wait3A_97 : memref<10240x128xf32, #tpu.memory_space<vmem_shared>>)
      tpu.yield
    }) : () -> ()
    %barrier3A_84 = arith.constant 0 : index
    tpu.barrier barrier_id(%barrier3A_84)
    %scan3A_85 = arith.constant 0 : i32
    %scan3A_86 = arith.constant 0 : i32
    %scan3A_87 = arith.constant 16 : i32
    %scan3A_88 = arith.addi %scan3A_86, %scan3A_87 : i32
    %scan3A_89 = arith.constant 1 : i32
    %scan3A_90 = scf.for %scan3A_92 = %scan3A_86 to %scan3A_88 step %scan3A_89 iter_args(%scan3A_93 = %scan3A_85) -> (i32)  : i32 {
      %mul3A_94 = arith.constant 640 : i32
      %mul3A_95 = arith.muli %arg1, %mul3A_94 : i32
      %mul3A_96 = arith.constant 40 : i32
      %mul3A_97 = arith.muli %scan3A_92, %mul3A_96 : i32
      %add3A_98 = arith.addi %mul3A_95, %mul3A_97 : i32
      "tpu.region"() ({
        %run_scoped3A = tpu.sem_alloc : memref<!tpu.dma_semaphore, #tpu.memory_space<semaphore_mem>>
        %dma_start3A_100 = arith.constant 0 : i32
        %dma_start3A_101 = tpu.memref_slice %arg14[%add3A_98, %dma_start3A_100] : memref<10240x128xf32, #tpu.memory_space<vmem_shared>> -> memref<40x128xf32, #tpu.memory_space<vmem_shared>>
        %dma_start3A_102 = arith.constant 0 : i32
        %dma_start3A_103 = tpu.memref_slice %arg14[%add3A_98, %dma_start3A_102] : memref<10240x128xf32, #tpu.memory_space<vmem_shared>> -> memref<40x128xf32, #tpu.memory_space<vmem_shared>>
        tpu.enqueue_dma source(%dma_start3A_103 : memref<40x128xf32, #tpu.memory_space<vmem_shared>>) target(%arg10 : memref<40x128xf32, #tpu.memory_space<vmem>>) target_semaphore(%run_scoped3A : memref<!tpu.dma_semaphore, #tpu.memory_space<semaphore_mem>>)
        %dma_wait3A_104 = arith.constant 0 : i32
        %dma_wait3A_105 = tpu.memref_slice %arg14[%add3A_98, %dma_wait3A_104] : memref<10240x128xf32, #tpu.memory_space<vmem_shared>> -> memref<40x128xf32, #tpu.memory_space<vmem_shared>>
        %dma_wait3A_106 = arith.constant 0 : i32
        %dma_wait3A_107 = tpu.memref_slice %arg14[%add3A_98, %dma_wait3A_106] : memref<10240x128xf32, #tpu.memory_space<vmem_shared>> -> memref<40x128xf32, #tpu.memory_space<vmem_shared>>
        tpu.wait_dma2 semaphore(%run_scoped3A : memref<!tpu.dma_semaphore, #tpu.memory_space<semaphore_mem>>) src(%dma_wait3A_107 : memref<40x128xf32, #tpu.memory_space<vmem_shared>>) dst(%arg10 : memref<40x128xf32, #tpu.memory_space<vmem>>)
        tpu.yield
      }) : () -> ()
      "tpu.region"() ({
        %run_scoped3A = tpu.sem_alloc : memref<!tpu.dma_semaphore, #tpu.memory_space<semaphore_mem>>
        %dma_start3A_100 = arith.constant 0 : i32
        %dma_start3A_101 = arith.constant 0 : i32
        %dma_start3A_102 = tpu.memref_slice %arg6[%arg0, %dma_start3A_100, %dma_start3A_101] : memref<2x10240x128xf32, #tpu.memory_space<hbm>> -> memref<1x10240x128xf32, #tpu.memory_space<hbm>>
        %dma_start3A_103 = tpu.memref_squeeze %dma_start3A_102 : memref<1x10240x128xf32, #tpu.memory_space<hbm>> -> memref<10240x128xf32, #tpu.memory_space<hbm>>
        %dma_start3A_104 = arith.constant 0 : i32
        %dma_start3A_105 = tpu.memref_slice %dma_start3A_103[%add3A_98, %dma_start3A_104] : memref<10240x128xf32, #tpu.memory_space<hbm>> -> memref<40x128xf32, #tpu.memory_space<hbm>>
        %dma_start3A_106 = arith.constant 0 : i32
        %dma_start3A_107 = arith.constant 0 : i32
        %dma_start3A_108 = tpu.memref_slice %arg6[%arg0, %dma_start3A_106, %dma_start3A_107] : memref<2x10240x128xf32, #tpu.memory_space<hbm>> -> memref<1x10240x128xf32, #tpu.memory_space<hbm>>
        %dma_start3A_109 = tpu.memref_squeeze %dma_start3A_108 : memref<1x10240x128xf32, #tpu.memory_space<hbm>> -> memref<10240x128xf32, #tpu.memory_space<hbm>>
        %dma_start3A_110 = arith.constant 0 : i32
        %dma_start3A_111 = tpu.memref_slice %dma_start3A_109[%add3A_98, %dma_start3A_110] : memref<10240x128xf32, #tpu.memory_space<hbm>> -> memref<40x128xf32, #tpu.memory_space<hbm>>
        tpu.enqueue_dma source(%arg10 : memref<40x128xf32, #tpu.memory_space<vmem>>) target(%dma_start3A_111 : memref<40x128xf32, #tpu.memory_space<hbm>>) target_semaphore(%run_scoped3A : memref<!tpu.dma_semaphore, #tpu.memory_space<semaphore_mem>>)
        %dma_wait3A_112 = arith.constant 0 : i32
        %dma_wait3A_113 = arith.constant 0 : i32
        %dma_wait3A_114 = tpu.memref_slice %arg6[%arg0, %dma_wait3A_112, %dma_wait3A_113] : memref<2x10240x128xf32, #tpu.memory_space<hbm>> -> memref<1x10240x128xf32, #tpu.memory_space<hbm>>
        %dma_wait3A_115 = tpu.memref_squeeze %dma_wait3A_114 : memref<1x10240x128xf32, #tpu.memory_space<hbm>> -> memref<10240x128xf32, #tpu.memory_space<hbm>>
        %dma_wait3A_116 = arith.constant 0 : i32
        %dma_wait3A_117 = tpu.memref_slice %dma_wait3A_115[%add3A_98, %dma_wait3A_116] : memref<10240x128xf32, #tpu.memory_space<hbm>> -> memref<40x128xf32, #tpu.memory_space<hbm>>
        %dma_wait3A_118 = arith.constant 0 : i32
        %dma_wait3A_119 = arith.constant 0 : i32
        %dma_wait3A_120 = tpu.memref_slice %arg6[%arg0, %dma_wait3A_118, %dma_wait3A_119] : memref<2x10240x128xf32, #tpu.memory_space<hbm>> -> memref<1x10240x128xf32, #tpu.memory_space<hbm>>
        %dma_wait3A_121 = tpu.memref_squeeze %dma_wait3A_120 : memref<1x10240x128xf32, #tpu.memory_space<hbm>> -> memref<10240x128xf32, #tpu.memory_space<hbm>>
        %dma_wait3A_122 = arith.constant 0 : i32
        %dma_wait3A_123 = tpu.memref_slice %dma_wait3A_121[%add3A_98, %dma_wait3A_122] : memref<10240x128xf32, #tpu.memory_space<hbm>> -> memref<40x128xf32, #tpu.memory_space<hbm>>
        tpu.wait_dma2 semaphore(%run_scoped3A : memref<!tpu.dma_semaphore, #tpu.memory_space<semaphore_mem>>) src(%arg10 : memref<40x128xf32, #tpu.memory_space<vmem>>) dst(%dma_wait3A_123 : memref<40x128xf32, #tpu.memory_space<hbm>>)
        tpu.yield
      }) : () -> ()
      %scan3A_99 = arith.constant 0 : i32
      scf.yield %scan3A_99 : i32
    }
    %scan3A_91 = arith.constant 16 : i32
    return
  }
}

module attributes {stable_mosaic.version = 14 : i64} {
  func.func @_edge_embed_body(%arg0: i32, %arg1: memref<2000x16xf32, #tpu.memory_space<vmem>>, %arg2: memref<16x128xf32, #tpu.memory_space<vmem>>, %arg3: memref<1x128xf32, #tpu.memory_space<vmem>>, %arg4: memref<2000x128xf32, #tpu.memory_space<vmem>>) attributes {dimension_semantics = [#tpu.dimension_semantics<arbitrary>], iteration_bounds = array<i64: 160>, scalar_prefetch = 0 : i64, scratch_operands = 0 : i64, tpu.core_type = #tpu.core_type<tc>, window_params = [{transform_indices = @transform_0, window_bounds = array<i64: 2000, 16>}, {pipeline_mode = #tpu.pipeline_mode<synchronous>, transform_indices = @transform_1, window_bounds = array<i64: 16, 128>}, {pipeline_mode = #tpu.pipeline_mode<synchronous>, transform_indices = @transform_2, window_bounds = array<i64: 1, 128>}, {transform_indices = @transform_3, window_bounds = array<i64: 2000, 128>}]} {
    %get3A = arith.constant 0 : index
    %get3A_0 = arith.constant 0 : index
    %get3A_1 = vector.load %arg1[%get3A, %get3A_0] : memref<2000x16xf32, #tpu.memory_space<vmem>>, vector<2000x16xf32>
    %get3A_2 = arith.constant 0 : index
    %get3A_3 = arith.constant 0 : index
    %get3A_4 = vector.load %arg2[%get3A_2, %get3A_3] : memref<16x128xf32, #tpu.memory_space<vmem>>, vector<16x128xf32>
    %dot_general3A = arith.constant dense<0.000000e+00> : vector<2000x128xf32>
    %dot_general3A_5 = tpu.matmul %get3A_1, %get3A_4, %dot_general3A {dimension_numbers = #tpu.dot_dimension_numbers<[1], [0], [0], [1], [0, 0, 1, 1], [], []>, transpose_lhs_hint = false} : vector<2000x16xf32>, vector<16x128xf32>, vector<2000x128xf32> -> vector<2000x128xf32>
    %get3A_6 = arith.constant 0 : index
    %get3A_7 = arith.constant 0 : index
    %get3A_8 = vector.load %arg3[%get3A_6, %get3A_7] : memref<1x128xf32, #tpu.memory_space<vmem>>, vector<1x128xf32>
    %add3A = vector.broadcast %get3A_8 : vector<1x128xf32> to vector<2000x128xf32>
    %add3A_9 = arith.addf %dot_general3A_5, %add3A : vector<2000x128xf32>
    %swap3A = arith.constant 0 : index
    %swap3A_10 = arith.constant 0 : index
    %swap3A_11 = vector.load %arg4[%swap3A, %swap3A_10] : memref<2000x128xf32, #tpu.memory_space<vmem>>, vector<2000x128xf32>
    tpu.vector_store %arg4[%swap3A, %swap3A_10], %add3A_9 {strides = array<i32>} : memref<2000x128xf32, #tpu.memory_space<vmem>>, vector<2000x128xf32>,
    return
  }
  func.func @transform_0(%arg0: i32) -> (i32, i32) {
    %c0_i32 = arith.constant 0 : i32
    %c0_i32_0 = arith.constant 0 : i32
    return %arg0, %c0_i32 : i32, i32
  }
  func.func @transform_1(%arg0: i32) -> (i32, i32) {
    %c0_i32 = arith.constant 0 : i32
    %c0_i32_0 = arith.constant 0 : i32
    %c0_i32_1 = arith.constant 0 : i32
    return %c0_i32, %c0_i32_0 : i32, i32
  }
  func.func @transform_2(%arg0: i32) -> (i32, i32) {
    %c0_i32 = arith.constant 0 : i32
    %c0_i32_0 = arith.constant 0 : i32
    %c0_i32_1 = arith.constant 0 : i32
    return %c0_i32, %c0_i32_0 : i32, i32
  }
  func.func @transform_3(%arg0: i32) -> (i32, i32) {
    %c0_i32 = arith.constant 0 : i32
    %c0_i32_0 = arith.constant 0 : i32
    return %arg0, %c0_i32 : i32, i32
  }
}

module attributes {stable_mosaic.version = 14 : i64} {
  func.func @_edge_mlp_body(%arg0: i32, %arg1: memref<2000x128xf32, #tpu.memory_space<vmem>>, %arg2: memref<2000x16xf32, #tpu.memory_space<vmem>>, %arg3: memref<16x128xf32, #tpu.memory_space<vmem>>, %arg4: memref<128x128xf32, #tpu.memory_space<vmem>>, %arg5: memref<1x128xf32, #tpu.memory_space<vmem>>, %arg6: memref<128x128xf32, #tpu.memory_space<vmem>>, %arg7: memref<1x128xf32, #tpu.memory_space<vmem>>, %arg8: memref<2000x128xbf16, #tpu.memory_space<vmem>>, %arg9: memref<2x128xf32, #tpu.memory_space<vmem>>, %arg10: memref<2x128xf32, #tpu.memory_space<vmem>>) attributes {dimension_semantics = [#tpu.dimension_semantics<arbitrary>], iteration_bounds = array<i64: 160>, scalar_prefetch = 0 : i64, scratch_operands = 1 : i64, tpu.core_type = #tpu.core_type<tc>, window_params = [{transform_indices = @transform_0, window_bounds = array<i64: 2000, 128>}, {transform_indices = @transform_1, window_bounds = array<i64: 2000, 16>}, {pipeline_mode = #tpu.pipeline_mode<synchronous>, transform_indices = @transform_2, window_bounds = array<i64: 16, 128>}, {pipeline_mode = #tpu.pipeline_mode<synchronous>, transform_indices = @transform_3, window_bounds = array<i64: 128, 128>}, {pipeline_mode = #tpu.pipeline_mode<synchronous>, transform_indices = @transform_4, window_bounds = array<i64: 1, 128>}, {pipeline_mode = #tpu.pipeline_mode<synchronous>, transform_indices = @transform_5, window_bounds = array<i64: 128, 128>}, {pipeline_mode = #tpu.pipeline_mode<synchronous>, transform_indices = @transform_6, window_bounds = array<i64: 1, 128>}, {transform_indices = @transform_7, window_bounds = array<i64: 2000, 128>}, {pipeline_mode = #tpu.pipeline_mode<synchronous>, transform_indices = @transform_8, window_bounds = array<i64: 2, 128>}]} {
    %get3A = arith.constant 0 : index
    %get3A_0 = arith.constant 0 : index
    %get3A_1 = vector.load %arg1[%get3A, %get3A_0] : memref<2000x128xf32, #tpu.memory_space<vmem>>, vector<2000x128xf32>
    %get3A_2 = arith.constant 0 : index
    %get3A_3 = arith.constant 0 : index
    %get3A_4 = vector.load %arg2[%get3A_2, %get3A_3] : memref<2000x16xf32, #tpu.memory_space<vmem>>, vector<2000x16xf32>
    %get3A_5 = arith.constant 0 : index
    %get3A_6 = arith.constant 0 : index
    %get3A_7 = vector.load %arg3[%get3A_5, %get3A_6] : memref<16x128xf32, #tpu.memory_space<vmem>>, vector<16x128xf32>
    %dot_general3A = arith.constant dense<0.000000e+00> : vector<2000x128xf32>
    %dot_general3A_8 = tpu.matmul %get3A_4, %get3A_7, %dot_general3A {dimension_numbers = #tpu.dot_dimension_numbers<[1], [0], [0], [1], [0, 0, 1, 1], [], []>, transpose_lhs_hint = false} : vector<2000x16xf32>, vector<16x128xf32>, vector<2000x128xf32> -> vector<2000x128xf32>
    %add3A = arith.addf %get3A_1, %dot_general3A_8 : vector<2000x128xf32>
    %max3A = arith.constant 0.000000e+00 : f32
    %max3A_9 = vector.broadcast %max3A : f32 to vector<2000x128xf32>
    %max3A_10 = arith.maximumf %add3A, %max3A_9 : vector<2000x128xf32>
    %get3A_11 = arith.constant 0 : index
    %get3A_12 = arith.constant 0 : index
    %get3A_13 = vector.load %arg4[%get3A_11, %get3A_12] : memref<128x128xf32, #tpu.memory_space<vmem>>, vector<128x128xf32>
    %dot_general3A_14 = arith.constant dense<0.000000e+00> : vector<2000x128xf32>
    %dot_general3A_15 = tpu.matmul %max3A_10, %get3A_13, %dot_general3A_14 {dimension_numbers = #tpu.dot_dimension_numbers<[1], [0], [0], [1], [0, 0, 1, 1], [], []>, transpose_lhs_hint = false} : vector<2000x128xf32>, vector<128x128xf32>, vector<2000x128xf32> -> vector<2000x128xf32>
    %get3A_16 = arith.constant 0 : index
    %get3A_17 = arith.constant 0 : index
    %get3A_18 = vector.load %arg5[%get3A_16, %get3A_17] : memref<1x128xf32, #tpu.memory_space<vmem>>, vector<1x128xf32>
    %add3A_19 = vector.broadcast %get3A_18 : vector<1x128xf32> to vector<2000x128xf32>
    %add3A_20 = arith.addf %dot_general3A_15, %add3A_19 : vector<2000x128xf32>
    %max3A_21 = arith.constant 0.000000e+00 : f32
    %max3A_22 = vector.broadcast %max3A_21 : f32 to vector<2000x128xf32>
    %max3A_23 = arith.maximumf %add3A_20, %max3A_22 : vector<2000x128xf32>
    %get3A_24 = arith.constant 0 : index
    %get3A_25 = arith.constant 0 : index
    %get3A_26 = vector.load %arg6[%get3A_24, %get3A_25] : memref<128x128xf32, #tpu.memory_space<vmem>>, vector<128x128xf32>
    %dot_general3A_27 = arith.constant dense<0.000000e+00> : vector<2000x128xf32>
    %dot_general3A_28 = tpu.matmul %max3A_23, %get3A_26, %dot_general3A_27 {dimension_numbers = #tpu.dot_dimension_numbers<[1], [0], [0], [1], [0, 0, 1, 1], [], []>, transpose_lhs_hint = false} : vector<2000x128xf32>, vector<128x128xf32>, vector<2000x128xf32> -> vector<2000x128xf32>
    %get3A_29 = arith.constant 0 : index
    %get3A_30 = arith.constant 0 : index
    %get3A_31 = vector.load %arg7[%get3A_29, %get3A_30] : memref<1x128xf32, #tpu.memory_space<vmem>>, vector<1x128xf32>
    %add3A_32 = vector.broadcast %get3A_31 : vector<1x128xf32> to vector<2000x128xf32>
    %add3A_33 = arith.addf %dot_general3A_28, %add3A_32 : vector<2000x128xf32>
    %convert_element_type3A = arith.truncf %add3A_33 : vector<2000x128xf32> to vector<2000x128xbf16>
    %swap3A = arith.constant 0 : index
    %swap3A_34 = arith.constant 0 : index
    %swap3A_35 = vector.load %arg8[%swap3A, %swap3A_34] : memref<2000x128xbf16, #tpu.memory_space<vmem>>, vector<2000x128xbf16>
    tpu.vector_store %arg8[%swap3A, %swap3A_34], %convert_element_type3A {strides = array<i32>} : memref<2000x128xbf16, #tpu.memory_space<vmem>>, vector<2000x128xbf16>,
    %eq3A = arith.constant 0 : i32
    %eq3A_36 = arith.cmpi eq, %arg0, %eq3A : i32
    %convert_element_type3A_37 = arith.extui %eq3A_36 : i1 to i32
    %cond3A = arith.constant 0 : i32
    %cond3A_38 = arith.cmpi ne, %convert_element_type3A_37, %cond3A : i32
    scf.if %cond3A_38 {
      %broadcast_in_dim3A_62 = arith.constant 0.000000e+00 : f32
      %broadcast_in_dim3A_63 = vector.broadcast %broadcast_in_dim3A_62 : f32 to vector<2x128xf32>
      %swap3A_64 = arith.constant 0 : index
      %swap3A_65 = arith.constant 0 : index
      %swap3A_66 = vector.load %arg10[%swap3A_64, %swap3A_65] : memref<2x128xf32, #tpu.memory_space<vmem>>, vector<2x128xf32>
      tpu.vector_store %arg10[%swap3A_64, %swap3A_65], %broadcast_in_dim3A_63 {strides = array<i32>} : memref<2x128xf32, #tpu.memory_space<vmem>>, vector<2x128xf32>,
    } else {
    }
    %get3A_39 = arith.constant 0 : index
    %get3A_40 = arith.constant 0 : index
    %get3A_41 = vector.load %arg10[%get3A_39, %get3A_40] : memref<2x128xf32, #tpu.memory_space<vmem>>, vector<1x128xf32>
    %reduce_sum3A = arith.constant dense<0.000000e+00> : vector<128xf32>
    %reduce_sum3A_42 = vector.multi_reduction <add>, %add3A_33, %reduce_sum3A [0] : vector<2000x128xf32> to vector<128xf32>
    %broadcast_in_dim3A = vector.shape_cast %reduce_sum3A_42 : vector<128xf32> to vector<1x128xf32>
    %add3A_43 = arith.addf %get3A_41, %broadcast_in_dim3A : vector<1x128xf32>
    %swap3A_44 = arith.constant 0 : index
    %swap3A_45 = arith.constant 0 : index
    %swap3A_46 = vector.load %arg10[%swap3A_44, %swap3A_45] : memref<2x128xf32, #tpu.memory_space<vmem>>, vector<1x128xf32>
    tpu.vector_store %arg10[%swap3A_44, %swap3A_45], %add3A_43 {strides = array<i32>} : memref<2x128xf32, #tpu.memory_space<vmem>>, vector<1x128xf32>,
    %get3A_47 = arith.constant 1 : index
    %get3A_48 = arith.constant 0 : index
    %get3A_49 = vector.load %arg10[%get3A_47, %get3A_48] : memref<2x128xf32, #tpu.memory_space<vmem>>, vector<1x128xf32>
    %mul3A = arith.mulf %add3A_33, %add3A_33 : vector<2000x128xf32>
    %reduce_sum3A_50 = arith.constant dense<0.000000e+00> : vector<128xf32>
    %reduce_sum3A_51 = vector.multi_reduction <add>, %mul3A, %reduce_sum3A_50 [0] : vector<2000x128xf32> to vector<128xf32>
    %broadcast_in_dim3A_52 = vector.shape_cast %reduce_sum3A_51 : vector<128xf32> to vector<1x128xf32>
    %add3A_53 = arith.addf %get3A_49, %broadcast_in_dim3A_52 : vector<1x128xf32>
    %swap3A_54 = arith.constant 1 : index
    %swap3A_55 = arith.constant 0 : index
    %swap3A_56 = vector.load %arg10[%swap3A_54, %swap3A_55] : memref<2x128xf32, #tpu.memory_space<vmem>>, vector<1x128xf32>
    tpu.vector_store %arg10[%swap3A_54, %swap3A_55], %add3A_53 {strides = array<i32>} : memref<2x128xf32, #tpu.memory_space<vmem>>, vector<1x128xf32>,
    %eq3A_57 = arith.constant 159 : i32
    %eq3A_58 = arith.cmpi eq, %arg0, %eq3A_57 : i32
    %convert_element_type3A_59 = arith.extui %eq3A_58 : i1 to i32
    %cond3A_60 = arith.constant 0 : i32
    %cond3A_61 = arith.cmpi ne, %convert_element_type3A_59, %cond3A_60 : i32
    scf.if %cond3A_61 {
      %get3A_62 = arith.constant 0 : index
      %get3A_63 = arith.constant 0 : index
      %get3A_64 = vector.load %arg10[%get3A_62, %get3A_63] : memref<2x128xf32, #tpu.memory_space<vmem>>, vector<2x128xf32>
      %swap3A_65 = arith.constant 0 : index
      %swap3A_66 = arith.constant 0 : index
      %swap3A_67 = vector.load %arg9[%swap3A_65, %swap3A_66] : memref<2x128xf32, #tpu.memory_space<vmem>>, vector<2x128xf32>
      tpu.vector_store %arg9[%swap3A_65, %swap3A_66], %get3A_64 {strides = array<i32>} : memref<2x128xf32, #tpu.memory_space<vmem>>, vector<2x128xf32>,
    } else {
    }
    return
  }
  func.func @transform_0(%arg0: i32) -> (i32, i32) {
    %c0_i32 = arith.constant 0 : i32
    %c0_i32_0 = arith.constant 0 : i32
    return %arg0, %c0_i32 : i32, i32
  }
  func.func @transform_1(%arg0: i32) -> (i32, i32) {
    %c0_i32 = arith.constant 0 : i32
    %c0_i32_0 = arith.constant 0 : i32
    return %arg0, %c0_i32 : i32, i32
  }
  func.func @transform_2(%arg0: i32) -> (i32, i32) {
    %c0_i32 = arith.constant 0 : i32
    %c0_i32_0 = arith.constant 0 : i32
    %c0_i32_1 = arith.constant 0 : i32
    return %c0_i32, %c0_i32_0 : i32, i32
  }
  func.func @transform_3(%arg0: i32) -> (i32, i32) {
    %c0_i32 = arith.constant 0 : i32
    %c0_i32_0 = arith.constant 0 : i32
    %c0_i32_1 = arith.constant 0 : i32
    return %c0_i32, %c0_i32_0 : i32, i32
  }
  func.func @transform_4(%arg0: i32) -> (i32, i32) {
    %c0_i32 = arith.constant 0 : i32
    %c0_i32_0 = arith.constant 0 : i32
    %c0_i32_1 = arith.constant 0 : i32
    return %c0_i32, %c0_i32_0 : i32, i32
  }
  func.func @transform_5(%arg0: i32) -> (i32, i32) {
    %c0_i32 = arith.constant 0 : i32
    %c0_i32_0 = arith.constant 0 : i32
    %c0_i32_1 = arith.constant 0 : i32
    return %c0_i32, %c0_i32_0 : i32, i32
  }
  func.func @transform_6(%arg0: i32) -> (i32, i32) {
    %c0_i32 = arith.constant 0 : i32
    %c0_i32_0 = arith.constant 0 : i32
    %c0_i32_1 = arith.constant 0 : i32
    return %c0_i32, %c0_i32_0 : i32, i32
  }
  func.func @transform_7(%arg0: i32) -> (i32, i32) {
    %c0_i32 = arith.constant 0 : i32
    %c0_i32_0 = arith.constant 0 : i32
    return %arg0, %c0_i32 : i32, i32
  }
  func.func @transform_8(%arg0: i32) -> (i32, i32) {
    %c0_i32 = arith.constant 0 : i32
    %c0_i32_0 = arith.constant 0 : i32
    %c0_i32_1 = arith.constant 0 : i32
    return %c0_i32, %c0_i32_0 : i32, i32
  }
}

module attributes {stable_mosaic.version = 14 : i64} {
  func.func @_node_mlp_body(%arg0: memref<10000x128xf32, #tpu.memory_space<vmem>>, %arg1: memref<2x10240x128xf32, #tpu.memory_space<vmem>>, %arg2: memref<128x128xf32, #tpu.memory_space<vmem>>, %arg3: memref<1x128xf32, #tpu.memory_space<vmem>>, %arg4: memref<128x128xf32, #tpu.memory_space<vmem>>, %arg5: memref<1x128xf32, #tpu.memory_space<vmem>>, %arg6: memref<1x128xf32, #tpu.memory_space<vmem>>, %arg7: memref<1x128xf32, #tpu.memory_space<vmem>>, %arg8: memref<128x128xf32, #tpu.memory_space<vmem>>, %arg9: memref<128x128xf32, #tpu.memory_space<vmem>>, %arg10: memref<1x128xf32, #tpu.memory_space<vmem>>, %arg11: memref<10000x128xf32, #tpu.memory_space<vmem>>, %arg12: memref<10000x128xf32, #tpu.memory_space<vmem>>, %arg13: memref<10000x128xf32, #tpu.memory_space<vmem>>) attributes {dimension_semantics = [], scalar_prefetch = 0 : i64, scratch_operands = 0 : i64, tpu.core_type = #tpu.core_type<tc>} {
    %get3A = arith.constant 0 : index
    %get3A_0 = arith.constant 0 : index
    %get3A_1 = vector.load %arg0[%get3A, %get3A_0] : memref<10000x128xf32, #tpu.memory_space<vmem>>, vector<10000x128xf32>
    %get3A_2 = arith.constant 0 : index
    %get3A_3 = arith.constant 0 : index
    %get3A_4 = arith.constant 0 : index
    %get3A_5 = vector.load %arg1[%get3A_2, %get3A_3, %get3A_4] : memref<2x10240x128xf32, #tpu.memory_space<vmem>>, vector<1x10000x128xf32>
    %get3A_6 = vector.shape_cast %get3A_5 : vector<1x10000x128xf32> to vector<10000x128xf32>
    %add3A = arith.addf %get3A_1, %get3A_6 : vector<10000x128xf32>
    %get3A_7 = arith.constant 1 : index
    %get3A_8 = arith.constant 0 : index
    %get3A_9 = arith.constant 0 : index
    %get3A_10 = vector.load %arg1[%get3A_7, %get3A_8, %get3A_9] : memref<2x10240x128xf32, #tpu.memory_space<vmem>>, vector<1x10000x128xf32>
    %get3A_11 = vector.shape_cast %get3A_10 : vector<1x10000x128xf32> to vector<10000x128xf32>
    %add3A_12 = arith.addf %add3A, %get3A_11 : vector<10000x128xf32>
    %get3A_13 = arith.constant 0 : index
    %get3A_14 = arith.constant 0 : index
    %get3A_15 = vector.load %arg2[%get3A_13, %get3A_14] : memref<128x128xf32, #tpu.memory_space<vmem>>, vector<128x128xf32>
    %dot_general3A = arith.constant dense<0.000000e+00> : vector<10000x128xf32>
    %dot_general3A_16 = tpu.matmul %add3A_12, %get3A_15, %dot_general3A {dimension_numbers = #tpu.dot_dimension_numbers<[1], [0], [0], [1], [0, 0, 1, 1], [], []>, transpose_lhs_hint = false} : vector<10000x128xf32>, vector<128x128xf32>, vector<10000x128xf32> -> vector<10000x128xf32>
    %get3A_17 = arith.constant 0 : index
    %get3A_18 = arith.constant 0 : index
    %get3A_19 = vector.load %arg3[%get3A_17, %get3A_18] : memref<1x128xf32, #tpu.memory_space<vmem>>, vector<1x128xf32>
    %add3A_20 = vector.broadcast %get3A_19 : vector<1x128xf32> to vector<10000x128xf32>
    %add3A_21 = arith.addf %dot_general3A_16, %add3A_20 : vector<10000x128xf32>
    %max3A = arith.constant 0.000000e+00 : f32
    %max3A_22 = vector.broadcast %max3A : f32 to vector<10000x128xf32>
    %max3A_23 = arith.maximumf %add3A_21, %max3A_22 : vector<10000x128xf32>
    %get3A_24 = arith.constant 0 : index
    %get3A_25 = arith.constant 0 : index
    %get3A_26 = vector.load %arg4[%get3A_24, %get3A_25] : memref<128x128xf32, #tpu.memory_space<vmem>>, vector<128x128xf32>
    %dot_general3A_27 = arith.constant dense<0.000000e+00> : vector<10000x128xf32>
    %dot_general3A_28 = tpu.matmul %max3A_23, %get3A_26, %dot_general3A_27 {dimension_numbers = #tpu.dot_dimension_numbers<[1], [0], [0], [1], [0, 0, 1, 1], [], []>, transpose_lhs_hint = false} : vector<10000x128xf32>, vector<128x128xf32>, vector<10000x128xf32> -> vector<10000x128xf32>
    %get3A_29 = arith.constant 0 : index
    %get3A_30 = arith.constant 0 : index
    %get3A_31 = vector.load %arg5[%get3A_29, %get3A_30] : memref<1x128xf32, #tpu.memory_space<vmem>>, vector<1x128xf32>
    %add3A_32 = vector.broadcast %get3A_31 : vector<1x128xf32> to vector<10000x128xf32>
    %add3A_33 = arith.addf %dot_general3A_28, %add3A_32 : vector<10000x128xf32>
    %reduce_sum3A = arith.constant dense<0.000000e+00> : vector<128xf32>
    %reduce_sum3A_34 = vector.multi_reduction <add>, %add3A_33, %reduce_sum3A [0] : vector<10000x128xf32> to vector<128xf32>
    %broadcast_in_dim3A = vector.shape_cast %reduce_sum3A_34 : vector<128xf32> to vector<1x128xf32>
    %div3A = arith.constant 1.000000e+04 : f32
    %div3A_35 = vector.broadcast %div3A : f32 to vector<1x128xf32>
    %div3A_36 = arith.divf %broadcast_in_dim3A, %div3A_35 : vector<1x128xf32>
    %sub3A = vector.broadcast %div3A_36 : vector<1x128xf32> to vector<10000x128xf32>
    %sub3A_37 = arith.subf %add3A_33, %sub3A : vector<10000x128xf32>
    %integer_pow3A = arith.mulf %sub3A_37, %sub3A_37 : vector<10000x128xf32>
    %reduce_sum3A_38 = arith.constant dense<0.000000e+00> : vector<128xf32>
    %reduce_sum3A_39 = vector.multi_reduction <add>, %integer_pow3A, %reduce_sum3A_38 [0] : vector<10000x128xf32> to vector<128xf32>
    %broadcast_in_dim3A_40 = vector.shape_cast %reduce_sum3A_39 : vector<128xf32> to vector<1x128xf32>
    %div3A_41 = arith.constant 1.000000e+04 : f32
    %div3A_42 = vector.broadcast %div3A_41 : f32 to vector<1x128xf32>
    %div3A_43 = arith.divf %broadcast_in_dim3A_40, %div3A_42 : vector<1x128xf32>
    %get3A_44 = arith.constant 0 : index
    %get3A_45 = arith.constant 0 : index
    %get3A_46 = vector.load %arg6[%get3A_44, %get3A_45] : memref<1x128xf32, #tpu.memory_space<vmem>>, vector<1x128xf32>
    %add3A_47 = arith.constant 9.99999974E-6 : f32
    %add3A_48 = vector.broadcast %add3A_47 : f32 to vector<1x128xf32>
    %add3A_49 = arith.addf %div3A_43, %add3A_48 : vector<1x128xf32>
    %rsqrt3A = math.rsqrt %add3A_49 : vector<1x128xf32>
    %mul3A = arith.mulf %get3A_46, %rsqrt3A : vector<1x128xf32>
    %sub3A_50 = vector.broadcast %div3A_36 : vector<1x128xf32> to vector<10000x128xf32>
    %sub3A_51 = arith.subf %add3A_33, %sub3A_50 : vector<10000x128xf32>
    %mul3A_52 = vector.broadcast %mul3A : vector<1x128xf32> to vector<10000x128xf32>
    %mul3A_53 = arith.mulf %sub3A_51, %mul3A_52 : vector<10000x128xf32>
    %get3A_54 = arith.constant 0 : index
    %get3A_55 = arith.constant 0 : index
    %get3A_56 = vector.load %arg7[%get3A_54, %get3A_55] : memref<1x128xf32, #tpu.memory_space<vmem>>, vector<1x128xf32>
    %add3A_57 = vector.broadcast %get3A_56 : vector<1x128xf32> to vector<10000x128xf32>
    %add3A_58 = arith.addf %mul3A_53, %add3A_57 : vector<10000x128xf32>
    %max3A_59 = arith.constant 0.000000e+00 : f32
    %max3A_60 = vector.broadcast %max3A_59 : f32 to vector<10000x128xf32>
    %max3A_61 = arith.maximumf %add3A_58, %max3A_60 : vector<10000x128xf32>
    %swap3A = arith.constant 0 : index
    %swap3A_62 = arith.constant 0 : index
    %swap3A_63 = vector.load %arg11[%swap3A, %swap3A_62] : memref<10000x128xf32, #tpu.memory_space<vmem>>, vector<10000x128xf32>
    tpu.vector_store %arg11[%swap3A, %swap3A_62], %max3A_61 {strides = array<i32>} : memref<10000x128xf32, #tpu.memory_space<vmem>>, vector<10000x128xf32>,
    %get3A_64 = arith.constant 0 : index
    %get3A_65 = arith.constant 0 : index
    %get3A_66 = vector.load %arg8[%get3A_64, %get3A_65] : memref<128x128xf32, #tpu.memory_space<vmem>>, vector<128x128xf32>
    %dot_general3A_67 = arith.constant dense<0.000000e+00> : vector<10000x128xf32>
    %dot_general3A_68 = tpu.matmul %max3A_61, %get3A_66, %dot_general3A_67 {dimension_numbers = #tpu.dot_dimension_numbers<[1], [0], [0], [1], [0, 0, 1, 1], [], []>, transpose_lhs_hint = false} : vector<10000x128xf32>, vector<128x128xf32>, vector<10000x128xf32> -> vector<10000x128xf32>
    %get3A_69 = arith.constant 0 : index
    %get3A_70 = arith.constant 0 : index
    %get3A_71 = vector.load %arg10[%get3A_69, %get3A_70] : memref<1x128xf32, #tpu.memory_space<vmem>>, vector<1x128xf32>
    %add3A_72 = vector.broadcast %get3A_71 : vector<1x128xf32> to vector<10000x128xf32>
    %add3A_73 = arith.addf %dot_general3A_68, %add3A_72 : vector<10000x128xf32>
    %swap3A_74 = arith.constant 0 : index
    %swap3A_75 = arith.constant 0 : index
    %swap3A_76 = vector.load %arg12[%swap3A_74, %swap3A_75] : memref<10000x128xf32, #tpu.memory_space<vmem>>, vector<10000x128xf32>
    tpu.vector_store %arg12[%swap3A_74, %swap3A_75], %add3A_73 {strides = array<i32>} : memref<10000x128xf32, #tpu.memory_space<vmem>>, vector<10000x128xf32>,
    %get3A_77 = arith.constant 0 : index
    %get3A_78 = arith.constant 0 : index
    %get3A_79 = vector.load %arg9[%get3A_77, %get3A_78] : memref<128x128xf32, #tpu.memory_space<vmem>>, vector<128x128xf32>
    %dot_general3A_80 = arith.constant dense<0.000000e+00> : vector<10000x128xf32>
    %dot_general3A_81 = tpu.matmul %max3A_61, %get3A_79, %dot_general3A_80 {dimension_numbers = #tpu.dot_dimension_numbers<[1], [0], [0], [1], [0, 0, 1, 1], [], []>, transpose_lhs_hint = false} : vector<10000x128xf32>, vector<128x128xf32>, vector<10000x128xf32> -> vector<10000x128xf32>
    %swap3A_82 = arith.constant 0 : index
    %swap3A_83 = arith.constant 0 : index
    %swap3A_84 = vector.load %arg13[%swap3A_82, %swap3A_83] : memref<10000x128xf32, #tpu.memory_space<vmem>>, vector<10000x128xf32>
    tpu.vector_store %arg13[%swap3A_82, %swap3A_83], %dot_general3A_81 {strides = array<i32>} : memref<10000x128xf32, #tpu.memory_space<vmem>>, vector<10000x128xf32>,
    return
  }
}

module attributes {stable_mosaic.version = 14 : i64} {
  func.func @_edge_bn_body(%arg0: i32, %arg1: memref<2000x128xbf16, #tpu.memory_space<vmem>>, %arg2: memref<1x128xf32, #tpu.memory_space<vmem>>, %arg3: memref<1x128xf32, #tpu.memory_space<vmem>>, %arg4: memref<2000x128xf32, #tpu.memory_space<vmem>>) attributes {dimension_semantics = [#tpu.dimension_semantics<arbitrary>], iteration_bounds = array<i64: 160>, scalar_prefetch = 0 : i64, scratch_operands = 0 : i64, tpu.core_type = #tpu.core_type<tc>, window_params = [{transform_indices = @transform_0, window_bounds = array<i64: 2000, 128>}, {pipeline_mode = #tpu.pipeline_mode<synchronous>, transform_indices = @transform_1, window_bounds = array<i64: 1, 128>}, {pipeline_mode = #tpu.pipeline_mode<synchronous>, transform_indices = @transform_2, window_bounds = array<i64: 1, 128>}, {transform_indices = @transform_3, window_bounds = array<i64: 2000, 128>}]} {
    %get3A = arith.constant 0 : index
    %get3A_0 = arith.constant 0 : index
    %get3A_1 = vector.load %arg1[%get3A, %get3A_0] : memref<2000x128xbf16, #tpu.memory_space<vmem>>, vector<2000x128xbf16>
    %convert_element_type3A = arith.extf %get3A_1 : vector<2000x128xbf16> to vector<2000x128xf32>
    %get3A_2 = arith.constant 0 : index
    %get3A_3 = arith.constant 0 : index
    %get3A_4 = vector.load %arg2[%get3A_2, %get3A_3] : memref<1x128xf32, #tpu.memory_space<vmem>>, vector<1x128xf32>
    %mul3A = vector.broadcast %get3A_4 : vector<1x128xf32> to vector<2000x128xf32>
    %mul3A_5 = arith.mulf %convert_element_type3A, %mul3A : vector<2000x128xf32>
    %get3A_6 = arith.constant 0 : index
    %get3A_7 = arith.constant 0 : index
    %get3A_8 = vector.load %arg3[%get3A_6, %get3A_7] : memref<1x128xf32, #tpu.memory_space<vmem>>, vector<1x128xf32>
    %add3A = vector.broadcast %get3A_8 : vector<1x128xf32> to vector<2000x128xf32>
    %add3A_9 = arith.addf %mul3A_5, %add3A : vector<2000x128xf32>
    %max3A = arith.constant 0.000000e+00 : f32
    %max3A_10 = vector.broadcast %max3A : f32 to vector<2000x128xf32>
    %max3A_11 = arith.maximumf %add3A_9, %max3A_10 : vector<2000x128xf32>
    %swap3A = arith.constant 0 : index
    %swap3A_12 = arith.constant 0 : index
    %swap3A_13 = vector.load %arg4[%swap3A, %swap3A_12] : memref<2000x128xf32, #tpu.memory_space<vmem>>, vector<2000x128xf32>
    tpu.vector_store %arg4[%swap3A, %swap3A_12], %max3A_11 {strides = array<i32>} : memref<2000x128xf32, #tpu.memory_space<vmem>>, vector<2000x128xf32>,
    return
  }
  func.func @transform_0(%arg0: i32) -> (i32, i32) {
    %c0_i32 = arith.constant 0 : i32
    %c0_i32_0 = arith.constant 0 : i32
    return %arg0, %c0_i32 : i32, i32
  }
  func.func @transform_1(%arg0: i32) -> (i32, i32) {
    %c0_i32 = arith.constant 0 : i32
    %c0_i32_0 = arith.constant 0 : i32
    %c0_i32_1 = arith.constant 0 : i32
    return %c0_i32, %c0_i32_0 : i32, i32
  }
  func.func @transform_2(%arg0: i32) -> (i32, i32) {
    %c0_i32 = arith.constant 0 : i32
    %c0_i32_0 = arith.constant 0 : i32
    %c0_i32_1 = arith.constant 0 : i32
    return %c0_i32, %c0_i32_0 : i32, i32
  }
  func.func @transform_3(%arg0: i32) -> (i32, i32) {
    %c0_i32 = arith.constant 0 : i32
    %c0_i32_0 = arith.constant 0 : i32
    return %arg0, %c0_i32 : i32, i32
  }
}

</mosaic_0001>

<sc_bundles>
// kernel: kernel.11.cloned.1.call-start
scs
__scs_entry_jumppad:
0x0: {  	(pc) =	sbr.rel $0x88, $3  }
0x1: {  	(tag) =	ssettag $0x0;
	lr =	simm.s32 $0x1  }
0x2: {  	[smem:$0x3F8E] =	sst lr;
	_ =	strace $0xD0000000  }
0x3: {  	_ = 	snop  }
0x4: {  	_ = 	snop  }
0x5: {  	_ = 	snop  }
0x6: {  	_ = 	snop  }
0x7: {  	_ = 	snop  }
__scs_overlays_trampoline_lowered:
0x8: {  	[smem:$0x3F9D] =	sst s0  }
0x9: {  	[smem:$0x3F9E] =	sst s1  }
0xa: {  	[smem:$0x3F9F] =	sst s2  }
0xb: {  	[smem:$0x3FA0] =	sst s3  }
0xc: {  	[smem:$0x3FA1] =	sst s4  }
0xd: {  	[smem:$0x3FA2] =	sst s5  }
0xe: {  	[smem:$0x3FA3] =	sst s6  }
0xf: {  	[smem:$0x3FA4] =	sst s7  }
0x10: {  	[smem:$0x3FA5] =	sst s8  }
0x11: {  	[smem:$0x3FA6] =	sst s9;
	s0 =	simm.s32 @!p0 $0x0  }
0x12: {  	s1 =	sld [smem:$0x3F8C];
	s0 =	simm.s32 @p0 $0x1  }
0x13: {  	[smem:$0x3FA7] =	sst s0;
	s0 =	simm.s32 @!p1 $0x0  }
0x14: {  	s2 =	sld [smem:$0x3F8B];
	s0 =	simm.s32 @p1 $0x1  }
0x15: {  	[smem:$0x3FA8] =	sst s0;
	s0 =	simm.s32 @!p2 $0x0  }
0x16: {  	s3 =	sld [smem:$0x3FDB];
	s0 =	simm.s32 @p2 $0x1  }
0x17: {  	s4 =	simm.s32 $0x1BF5;
	[smem:$0x3FAA] =	sst s0  }
0x18: {  	s0 =	sld [smem:$0x3F8D];
	_ =	swait.ge [sflag:s4], $0x0  }
0x19: {  	s7 =	sld [smem:$0x3F8E]  }
0x1a: {  	s8 =	sadd.s32 $0xFFFFE003, lr  }
0x1b: {  	s9 =	sadd.s32 $0xFFFFFEF7, lr;
	s5 =	simm.s32 $0xFFFFFFFF;
	p2 =	slt.u32 s8, $0xFFFFF086  }
0x1c: {  	p1 =	slt.u32 s9, $0xF7A;
	s5 =	simm.s32 @!p2 $0x0  }
0x1d: {  	s5 =	simm.s32 @p1 $0x1;
	p0 =	seq.s32 s7, s2  }
0x1e: {  	s7 =	smul.u32 @!p0 $0xF7A, s2;
	p2 =	seq.s32 @!p0 s5, $0x0  }
0x1f: {  	s9 =	smul.u32 $0xF7A, s1;
	s8 =	simm.s32 @!p0 $0x1BF5;
	p2 =	por !p2, p0  }
0x20: {  	[sflag:s8] =	ssyncset.s32 @!p0 $0xFFFFF086;
	s6 =	sadd.s32 @!p0 s3, s7;
	s7 =	simm.s32 @!p0 $0x108  }
0x21: {  	s3 =	sadd.s32 s3, s9;
	s6 =	sadd.s32 @!p0 $0x88, s6;
	s7 =	simm.s32 @p2 $0x1082  }
0x22: {  	[simem:s7], [sflag:s8] =	dma.local @!p0 [hbm:s6], $0xF7A  }
0x23: {  	s9 =	sor.u32 $0xD0000000, s2;
	s6 =	simm.s32 $0x108;
	_ =	swait.ge @!p0 [sflag:s8], $0x0  }
0x24: {  	s3 =	sadd.s32 $0x88, s3;
	s6 =	simm.s32 @!p1 $0x1082;
	[sflag:s4] =	ssyncset.s32 $0xFFFFF086  }
0x25: {  	[simem:s6], [sflag:s4] =	dma.local [hbm:s3], $0xF7A  }
0x26: {  	[smem:$0x3F8E] =	sst s1;
	(tag) =	ssettag s2;
	_ =	strace s9  }
0x27: {  	s1 =	sld [smem:$0x3F9E]  }
0x28: {  	s2 =	sld [smem:$0x3F9F]  }
0x29: {  	s4 =	sld [smem:$0x3FA1]  }
0x2a: {  	p0 =	seq.s32 s5, $0x0;
	s5 =	sld [smem:$0x3FA2]  }
0x2b: {  	s6 =	sld [smem:$0x3FA3]  }
0x2c: {  	s7 =	sld [smem:$0x3FA4]  }
0x2d: {  	s3 =	simm.s32 $0x108;
	s8 =	sld [smem:$0x3FA5]  }
0x2e: {  	s3 =	simm.s32 @!p0 $0x1082;
	s9 =	sld [smem:$0x3FA6]  }
0x2f: {  	lr =	sadd.s32 s0, s3;
	s0 =	sld [smem:$0x3F9D]  }
0x30: {  	s3 =	sld [smem:$0x3FA0]  }
0x31: {  	[smem:$0x3FA9] =	sst s10  }
0x32: {  	s10 =	sld [smem:$0x3FA7];
	_ =	sdelay $0x3  }
0x33: {  	p0 =	seq.s32 s10, $0x1;
	s10 =	sld [smem:$0x3FA9];
	_ =	sdelay $0x3  }
0x34: {  	[smem:$0x3FA9] =	sst s10  }
0x35: {  	s10 =	sld [smem:$0x3FA8];
	_ =	sdelay $0x3  }
0x36: {  	p1 =	seq.s32 s10, $0x1;
	s10 =	sld [smem:$0x3FA9];
	_ =	sdelay $0x3  }
0x37: {  	[smem:$0x3FA9] =	sst s10  }
0x38: {  	s10 =	sld [smem:$0x3FAA]  }
0x39: {  	_ = 	snop;
	(pc) =	sbr.ind lr, $3  }
0x3a: {  	_ = 	snop  }
0x3b: {  	_ = 	snop  }
0x3c: {  	p2 =	seq.s32 s10, $0x1;
	s10 =	sld [smem:$0x3FA9]  }
0x3d: {  	_ =	shalt  }
0x3e: {  	_ =	shalt  }
0x3f: {  	_ =	shalt  }
0x40: {  	_ =	shalt  }
0x41: {  	_ =	shalt  }
0x42: {  	_ =	shalt  }
0x43: {  	_ =	shalt  }
0x44: {  	_ =	shalt  }
0x45: {  	_ =	shalt  }
0x46: {  	_ =	shalt  }
0x47: {  	_ =	shalt  }
0x48: {  	_ =	shalt  }
0x49: {  	_ =	shalt  }
0x4a: {  	_ =	shalt  }
0x4b: {  	_ =	shalt  }
0x4c: {  	_ =	shalt  }
0x4d: {  	_ =	shalt  }
0x4e: {  	_ =	shalt  }
0x4f: {  	_ =	shalt  }
0x50: {  	_ =	shalt  }
0x51: {  	_ =	shalt  }
0x52: {  	_ =	shalt  }
0x53: {  	_ =	shalt  }
0x54: {  	_ =	shalt  }
0x55: {  	_ =	shalt  }
0x56: {  	_ =	shalt  }
0x57: {  	_ =	shalt  }
0x58: {  	_ =	shalt  }
0x59: {  	_ =	shalt  }
0x5a: {  	_ =	shalt  }
0x5b: {  	_ =	shalt  }
0x5c: {  	_ =	shalt  }
0x5d: {  	_ =	shalt  }
0x5e: {  	_ =	shalt  }
0x5f: {  	_ =	shalt  }
0x60: {  	_ =	shalt  }
0x61: {  	_ =	shalt  }
0x62: {  	_ =	shalt  }
0x63: {  	_ =	shalt  }
0x64: {  	_ =	shalt  }
0x65: {  	_ =	shalt  }
0x66: {  	_ =	shalt  }
0x67: {  	_ =	shalt  }
0x68: {  	_ =	shalt  }
0x69: {  	_ =	shalt  }
0x6a: {  	_ =	shalt  }
0x6b: {  	_ =	shalt  }
0x6c: {  	_ =	shalt  }
0x6d: {  	_ =	shalt  }
0x6e: {  	_ =	shalt  }
0x6f: {  	_ =	shalt  }
0x70: {  	_ =	shalt  }
0x71: {  	_ =	shalt  }
0x72: {  	_ =	shalt  }
0x73: {  	_ =	shalt  }
0x74: {  	_ =	shalt  }
0x75: {  	_ =	shalt  }
0x76: {  	_ =	shalt  }
0x77: {  	_ =	shalt  }
0x78: {  	_ =	shalt  }
0x79: {  	_ =	shalt  }
0x7a: {  	_ =	shalt  }
0x7b: {  	_ =	shalt  }
0x7c: {  	_ =	shalt  }
0x7d: {  	_ =	shalt  }
0x7e: {  	_ =	shalt  }
0x7f: {  	_ =	shalt  }
0x80: {  	_ =	shalt  }
0x81: {  	_ =	shalt  }
0x82: {  	_ =	shalt  }
0x83: {  	_ =	shalt  }
0x84: {  	_ =	shalt  }
0x85: {  	_ =	shalt  }
0x86: {  	_ =	shalt  }
0x87: {  	_ =	shalt  }
.Lfunc_end0:
.L_simem_size_0:
called_computation.1_lowered:
.L_overlay_start_0:
0x88: {  	s2 =	sld [smem:$0x3FD9]  }
0x89: {  	s3 =	sld [smem:$0x3FFE];
	_ =	sdelay $0x1  }
0x8a: {  	s1 =	srdreg.scid  }
0x8b: {  	s0 =	sand.u32 $0x1, s1  }
0x8c: {  	s16 =	sshll.u32 s0, $0xA;
	s2 =	sadd.s32 s3, s2  }
0x8d: {  	s2 =	sadd.s32 s2, s16  }
0x8e: {  	[smem:$0x3FB5] =	sst s2  }
0x8f: {  	_ = 	snop  }
0x90: {  	(tm) =	ssettm $0x1  }
0x91: {  	s17 =	sld [smem:$0x3FFB];
	_ =	sdelay $0x3  }
0x92: {  	_ =	strace s17  }
0x93: {  	s2 =	sld [smem:$0x3FFC];
	_ =	sdelay $0x3  }
0x94: {  	_ =	strace s2  }
0x95: {  	s2 =	sld [smem:$0x3FFD];
	_ =	sdelay $0x3  }
0x96: {  	_ =	strace s2  }
0x97: {  	_ =	strace $0x8FFFFFFF  }
0x98: {  	s18 =	sld [smem:$0x3FDB];
	_ =	sdelay $0x1  }
0x99: {  	s19 =	simm.s32 $_scs_section_size  }
0x9a: {  	s4 =	simm.s32 $_size__tile_overlayer_lowered;
	s5 =	simm.s32 $_tile_overlayer_lowered  }
0x9b: {  	s22 =	simm.s32 $0x1BFF;
	s21 =	sshll.u32 s5, $0x1;
	s2 =	sadd.s32 s19, s18  }
0x9c: {  	s6 =	simm.s32 $0x0;
	s20 =	sshll.u32 s4, $0x1;
	s4 =	sadd.s32 s21, s2  }
0x9d: {  	[timem:s6], [sflag:s22] =	dma.local [hbm:s4], s20  }
0x9e: {  	_ =	swait.ge [sflag:s22], s20  }
0x9f: {  	s3 =	ssub.s32 $0x0, s20;
	[sflag:s22] =	ssyncset.done $0x0  }
0xa0: {  	[sflag:s22] =	ssyncadd.s32 s3;
	_ =	sdelay $0x1  }
0xa1: {  	s23 =	simm.s32 $0x1B8B  }
0xa2: {  	_ =	swait.ge [sflag:s23], $0x1  }
0xa3: {  	[sflag:s23] =	ssyncset.done $0x0  }
0xa4: {  	s25 =	simm.s32 $0x1B8E;
	s24 =	sld [smem:$0x3FFE];
	[sflag:s23] =	ssyncadd.s32 $0xFFFFFFFF  }
0xa5: {  	s26 =	simm.s32 $execute0_lowered;
	[smem:$0x3FD2] =	sst s25  }
0xa6: {  	s4 =	sshll.u32 s26, $0x1;
	_ =	strace $0x80000049;
	[dreg:$0x1] =	wrdreg $0xFFFFFFFF  }
0xa7: {  	s28 =	simm.s32 $_size_execute0_lowered;
	s2 =	sadd.s32 s2, s4;
	[dreg:$0x0] =	wrdreg $0x0  }
0xa8: {  	s4 =	sshll.u32 s28, $0x1;
	[dreg:$0x2] =	wrdreg s2  }
0xa9: {  	[dreg:$0x3] =	wrdreg s4  }
0xaa: {  	[dreg:$0x4] =	wrdreg $0xC0  }
0xab: {  	_ =	task [dreg:s6], $0x5FFFF  }
0xac: {  	[dreg:$0x1] =	wrdreg $0xFFFFFFFF  }
0xad: {  	[dreg:$0x0] =	wrdreg $0x60  }
0xae: {  	[dreg:$0x2] =	wrdreg s24  }
0xaf: {  	[dreg:$0x3] =	wrdreg $0x9  }
0xb0: {  	_ =	task.clear_ibuf [dreg:s6], $0x4FFFF;
	_ =	strace $0x90000049  }
0xb1: {  	s29 =	simm.s32 $0x9;
	_ =	strace $0x8000004B  }
0xb2: {  	_ =	swait.ge [sflag:s29], $0x1  }
0xb3: {  	[sflag:s29] =	ssyncadd.s32 $0xFFFFFFFF  }
0xb4: {  	_ =	strace $0x9000004B  }
0xb5: {  	_ =	sfence  }
0xb6: {  	s30 =	sld [smem:$0x0];
	_ =	sdelay $0x2  }
0xb7: {  	s31 =	sshll.u32 s1, $0xD;
	s1 =	sshrl.u32 s1, $0x2  }
0xb8: {  	s3 =	sand.u32 $0x4000, s31;
	s1 =	sadd.s32 s1, s30  }
0xb9: {  	s0 =	sor.u32 s3, s0;
	s1 =	sshll.u32 s1, $0x11  }
0xba: {  	s0 =	sor.u32 s1, s0  }
0xbb: {  	s0 =	sadd.s32 $0x8F2B, s0  }
0xbc: {  	[sflag:s0] =	ssyncadd.remote.s32 $0x1  }
0xbd: {  	_ =	sfence.sel $0xFFFF  }
0xbe: {  	[dreg:$0x0] =	wrdreg $0xFFFFFFFF;
	(pc) =	sbr.abs _section_cstart, $3  }
0xbf: {  	[dreg:$0x1] =	wrdreg $0xFFFFFFFF  }
0xc0: {  	_ =	task.clear_ibuf [dreg:s6], $0x2FFFF;
	_ =	strace $0x9FFFFFFF  }
0xc1: {  	(tm) =	ssettm $0x7FFFFFFF  }
tec
execute0_lowered:
.L_overlay_start_1:
0x0: {  	(tag) =	ssettag $0x1  }
0x1: {  	s0 =	srdreg.scid;
	s7 =	rddreg [dreg:$0x0]  }
0x2: {  	s1 =	stileid.u32;
	s2 =	simm.s32 $0x0;
	s11 =	simm.s32 $0x5  }
0x3: {  	s12 =	simm.s32 $0x2780;
	s13 =	simm.s32 $0x50;
	s14 =	simm.s32 $0x4F00  }
0x4: {  	s15 =	simm.s32 $0x9F00;
	s16 =	simm.s32 $0x7700;
	s17 =	simm.s32 $0xC700  }
0x5: {  	s18 =	simm.s32 $0x1;
	s19 =	simm.s32 $0x3;
	s6 =	sand.u32 $0x1, s0  }
0x6: {  	s20 =	simm.s32 $0x2;
	s21 =	simm.s32 $0x4;
	s3 =	sshll.u32 s6, $0x4  }
0x7: {  	s22 =	simm.s32 $0x0;
	s0 =	rddreg [dreg:$0x1];
	s5 =	sor.u32 s1, s3  }
0x8: {  	[smem:$0x7FF] =	sst s2;
	s4 =	sadd.s32 $0x16A00, s7;
	s3 =	smul.u32 $0x2710, s5  }
0x9: {  	_ =	strace $0x8000004A;
	s10 =	ssub.s32 $0x2, s6;
	s9 =	smul.u32 $0x138800, s5  }
0xa: {  	s6 =	sadd.s32 $0x64E00, s7;
	s31 =	sshrl.u32 s10, $0x1;
	s5 =	sadd.s32 $0x3DC00, s7  }
0xb: {  	s10 =	ssub.s32 s10, s31;
	s8 =	sshrl.u32 s3, $0x3;
	s9 =	sshrl.u32 s9, $0x3  }
0xc: {  	s10 =	smax.u32 s10, $0x1;
	s8 =	sadd.s32 s8, s7;
	s9 =	sadd.s32 s6, s9  }
0xd: {  	s7 =	sadd.s32 $0xCC00, s8;
	s8 =	sadd.s32 $0x2E00, s8;
	s9 =	sadd.s32 $0x26C00, s9  }
.LBB2_1:
0xe: {  	[tilespmem:s2], [sflag:$0x5] =	stream.linear.gather [hbm4b:s7+s2], $0x2710, $0x38;
	[tilespmem:$0xEF00] =	vst v63  }
0xf: {  	_ =	swait.ge [sflag:s11], $0x2710  }
0x10: {  	[sflag:s11] =	ssyncset.done $0x0  }
0x11: {  	[sflag:s11] =	ssyncadd.s32 $0xFFFFD8F0  }
0x12: {  	[tilespmem:s12], [sflag:$0x5] =	stream.linear.gather [hbm4b:s8+s2], $0x2710, $0x38;
	[tilespmem:$0xEF00] =	vst v63  }
0x13: {  	_ =	swait.ge [sflag:s11], $0x2710  }
0x14: {  	[sflag:s11] =	ssyncset.done $0x0  }
0x15: {  	[sflag:s11] =	ssyncadd.s32 $0xFFFFD8F0  }
0x16: {  	[tilespmem:s14], [sflag:$0x1] =	stream.indirect.gather [hbm4b:s4+s13], $0x80, s2, s13, $0xb8;
	[tilespmem:$0xEF00] =	vst v63  }
0x17: {  	s23 =	simm.s32 $0x0  }
0x18: {  	[tilespmem:s15], [sflag:$0x3] =	stream.indirect.gather [hbm4b:s5+s13], $0x80, s12, s13, $0xb8;
	[tilespmem:$0xEF00] =	vst v63  }
.LBB2_2:
0x19: {  	s25 =	smul.u32 $0xA0, s23;
	_ =	sdelay $0x1  }
0x1a: {  	s24 =	sadd.s32 $0x50, s25  }
0x1b: {  	[tilespmem:s16], [sflag:$0x2] =	stream.indirect.gather [hbm4b:s4+s13], $0x80, s24, s13, $0xb8;
	[tilespmem:$0xEF00] =	vst v63  }
0x1c: {  	s26 =	sadd.s32 $0x27D0, s25  }
0x1d: {  	[tilespmem:s17], [sflag:$0x4] =	stream.indirect.gather [hbm4b:s5+s13], $0x80, s26, s13, $0xb8;
	[tilespmem:$0xEF00] =	vst v63  }
0x1e: {  	_ =	swait.ge [sflag:s18], $0x2800  }
0x1f: {  	[sflag:s18] =	ssyncset.done $0x0  }
0x20: {  	[sflag:s18] =	ssyncadd.s32 $0xFFFFD800  }
0x21: {  	_ =	swait.ge [sflag:s19], $0x2800  }
0x22: {  	[sflag:s19] =	ssyncset.done $0x0  }
0x23: {  	s26 =	simm.s32 $0x0;
	[sflag:s19] =	ssyncadd.s32 $0xFFFFD800  }
0x24: {  	v7 =	vld [tilespmem:s26+$0x9F00]  }
0x25: {  	v11 =	vld [tilespmem:s26+$0x9F10]  }
0x26: {  	v5 =	vld [tilespmem:s26+$0x9F20]  }
0x27: {  	v4 =	vld [tilespmem:s26+$0x9F30]  }
0x28: {  	v3 =	vld [tilespmem:s26+$0x9F40]  }
0x29: {  	v2 =	vld [tilespmem:s26+$0x9F50]  }
0x2a: {  	v1 =	vld [tilespmem:s26+$0x9F60]  }
0x2b: {  	v0 =	vld [tilespmem:s26+$0x9F70]  }
0x2c: {  	v12 =	vld [tilespmem:s26+$0x4F00]  }
0x2d: {  	v13 =	vld [tilespmem:s26+$0x4F10]  }
0x2e: {  	v10 =	vld [tilespmem:s26+$0x4F20]  }
0x2f: {  	v9 =	vld [tilespmem:s26+$0x4F30]  }
0x30: {  	v8 =	vld [tilespmem:s26+$0x4F40]  }
0x31: {  	v6 =	vld [tilespmem:s26+$0x4F50];
	v12 =	vadd.f32 v7, v12  }
0x32: {  	s28 =	simm.s32 $0x200;
	v11 =	vadd.f32 v11, v13;
	v7 =	vld [tilespmem:s26+$0x4F60]  }
.LBB2_3:
0x33: {  	s29 =	sshra.s32 s28, $0x2;
	p0 =	sne.s32 s28, $0x9E00;
	[tilespmem:s26+$0x4F00] =	vst v12;
	v5 =	vadd.f32 v5, v10;
	v10 =	vld [tilespmem:s26+$0x4F70]  }
0x34: {  	v12 =	vld [tilespmem:s29+$0x9F00];
	[tilespmem:s26+$0x4F10] =	vst v11;
	v4 =	vadd.f32 v4, v9  }
0x35: {  	v11 =	vld [tilespmem:s29+$0x9F10];
	[tilespmem:s26+$0x4F20] =	vst v5;
	v3 =	vadd.f32 v3, v8  }
0x36: {  	v5 =	vld [tilespmem:s29+$0x9F20];
	[tilespmem:s26+$0x4F30] =	vst v4;
	v2 =	vadd.f32 v2, v6  }
0x37: {  	v4 =	vld [tilespmem:s29+$0x9F30];
	[tilespmem:s26+$0x4F40] =	vst v3;
	v1 =	vadd.f32 v1, v7  }
0x38: {  	v3 =	vld [tilespmem:s29+$0x9F40];
	[tilespmem:s26+$0x4F50] =	vst v2;
	v0 =	vadd.f32 v0, v10  }
0x39: {  	v2 =	vld [tilespmem:s29+$0x9F50];
	[tilespmem:s26+$0x4F60] =	vst v1  }
0x3a: {  	v1 =	vld [tilespmem:s29+$0x9F60];
	[tilespmem:s26+$0x4F70] =	vst v0;
	s26 =	smov.u32 s29  }
0x3b: {  	v0 =	vld [tilespmem:s26+$0x9F70]  }
0x3c: {  	v6 =	vld [tilespmem:s26+$0x4F00]  }
0x3d: {  	v7 =	vld [tilespmem:s26+$0x4F10]  }
.Ltmp0:
0x3e: {  	v10 =	vld [tilespmem:s26+$0x4F20];
	(pc) =	sbr.rel @p0 .LBB2_3-.Ltmp0, $4  }
0x3f: {  	v9 =	vld [tilespmem:s26+$0x4F30]  }
0x40: {  	v8 =	vld [tilespmem:s26+$0x4F40]  }
0x41: {  	v12 =	vadd.f32 v12, v6;
	v6 =	vld [tilespmem:s26+$0x4F50]  }
0x42: {  	s28 =	sadd.s32 $0x200, s28;
	v11 =	vadd.f32 v11, v7;
	v7 =	vld [tilespmem:s26+$0x4F60]  }
0x43: {  	[tilespmem:s26+$0x4F00] =	vst v12;
	v5 =	vadd.f32 v5, v10;
	v10 =	vld [tilespmem:s26+$0x4F70]  }
0x44: {  	[tilespmem:s26+$0x4F10] =	vst v11;
	v4 =	vadd.f32 v4, v9  }
0x45: {  	[tilespmem:s26+$0x4F20] =	vst v5;
	v3 =	vadd.f32 v3, v8  }
0x46: {  	[tilespmem:s26+$0x4F30] =	vst v4;
	v2 =	vadd.f32 v2, v6  }
0x47: {  	[tilespmem:s26+$0x4F40] =	vst v3;
	v1 =	vadd.f32 v1, v7  }
0x48: {  	s28 =	sadd.s32 s3, s25;
	[tilespmem:s26+$0x4F50] =	vst v2;
	v0 =	vadd.f32 v0, v10  }
0x49: {  	s28 =	sshll.u32 s28, $0x4;
	[tilespmem:s26+$0x4F60] =	vst v1  }
0x4a: {  	s29 =	simm.s32 $0x0;
	s31 =	sadd.s32 s6, s28;
	[tilespmem:s26+$0x4F70] =	vst v0  }
0x4b: {  	[hbm4b:s31+s29] =	stream.linear.scatter [tilespmem:s14], [sflag:$0x5], $0x2800, $0x38;
	[tilespmem:$0xEF00] =	vst v63  }
0x4c: {  	_ =	swait.ge [sflag:s11], $0x2800  }
0x4d: {  	[sflag:s11] =	ssyncset.done $0x0  }
0x4e: {  	s30 =	sadd.s32 $0xA0, s25;
	[sflag:s11] =	ssyncadd.s32 $0xFFFFD800  }
0x4f: {  	[tilespmem:s14], [sflag:$0x1] =	stream.indirect.gather [hbm4b:s4+s13], $0x80, s30, s13, $0xb8;
	[tilespmem:$0xEF00] =	vst v63  }
0x50: {  	s31 =	sadd.s32 $0x2820, s25  }
0x51: {  	[tilespmem:s15], [sflag:$0x3] =	stream.indirect.gather [hbm4b:s5+s13], $0x80, s31, s13, $0xb8;
	[tilespmem:$0xEF00] =	vst v63  }
0x52: {  	_ =	swait.ge [sflag:s20], $0x2800  }
0x53: {  	[sflag:s20] =	ssyncset.done $0x0  }
0x54: {  	[sflag:s20] =	ssyncadd.s32 $0xFFFFD800  }
0x55: {  	_ =	swait.ge [sflag:s21], $0x2800  }
0x56: {  	[sflag:s21] =	ssyncset.done $0x0  }
0x57: {  	s25 =	simm.s32 $0x0;
	[sflag:s21] =	ssyncadd.s32 $0xFFFFD800  }
0x58: {  	v7 =	vld [tilespmem:s25+$0xC700]  }
0x59: {  	v11 =	vld [tilespmem:s25+$0xC710]  }
0x5a: {  	v5 =	vld [tilespmem:s25+$0xC720]  }
0x5b: {  	v4 =	vld [tilespmem:s25+$0xC730]  }
0x5c: {  	v3 =	vld [tilespmem:s25+$0xC740]  }
0x5d: {  	v2 =	vld [tilespmem:s25+$0xC750]  }
0x5e: {  	v1 =	vld [tilespmem:s25+$0xC760]  }
0x5f: {  	v0 =	vld [tilespmem:s25+$0xC770]  }
0x60: {  	v12 =	vld [tilespmem:s25+$0x7700]  }
0x61: {  	v13 =	vld [tilespmem:s25+$0x7710]  }
0x62: {  	v10 =	vld [tilespmem:s25+$0x7720]  }
0x63: {  	v9 =	vld [tilespmem:s25+$0x7730]  }
0x64: {  	v8 =	vld [tilespmem:s25+$0x7740]  }
0x65: {  	v6 =	vld [tilespmem:s25+$0x7750];
	v12 =	vadd.f32 v7, v12  }
0x66: {  	s26 =	simm.s32 $0x200;
	v11 =	vadd.f32 v11, v13;
	v7 =	vld [tilespmem:s25+$0x7760]  }
.LBB2_5:
0x67: {  	s28 =	sshra.s32 s26, $0x2;
	p0 =	sne.s32 s26, $0x9E00;
	[tilespmem:s25+$0x7700] =	vst v12;
	v5 =	vadd.f32 v5, v10;
	v10 =	vld [tilespmem:s25+$0x7770]  }
0x68: {  	v12 =	vld [tilespmem:s28+$0xC700];
	[tilespmem:s25+$0x7710] =	vst v11;
	v4 =	vadd.f32 v4, v9  }
0x69: {  	v11 =	vld [tilespmem:s28+$0xC710];
	[tilespmem:s25+$0x7720] =	vst v5;
	v3 =	vadd.f32 v3, v8  }
0x6a: {  	v5 =	vld [tilespmem:s28+$0xC720];
	[tilespmem:s25+$0x7730] =	vst v4;
	v2 =	vadd.f32 v2, v6  }
0x6b: {  	v4 =	vld [tilespmem:s28+$0xC730];
	[tilespmem:s25+$0x7740] =	vst v3;
	v1 =	vadd.f32 v1, v7  }
0x6c: {  	v3 =	vld [tilespmem:s28+$0xC740];
	[tilespmem:s25+$0x7750] =	vst v2;
	v0 =	vadd.f32 v0, v10  }
0x6d: {  	v2 =	vld [tilespmem:s28+$0xC750];
	[tilespmem:s25+$0x7760] =	vst v1  }
0x6e: {  	v1 =	vld [tilespmem:s28+$0xC760];
	[tilespmem:s25+$0x7770] =	vst v0;
	s25 =	smov.u32 s28  }
0x6f: {  	v0 =	vld [tilespmem:s25+$0xC770]  }
0x70: {  	v6 =	vld [tilespmem:s25+$0x7700]  }
0x71: {  	v7 =	vld [tilespmem:s25+$0x7710]  }
.Ltmp1:
0x72: {  	v10 =	vld [tilespmem:s25+$0x7720];
	(pc) =	sbr.rel @p0 .LBB2_5-.Ltmp1, $4  }
0x73: {  	v9 =	vld [tilespmem:s25+$0x7730]  }
0x74: {  	v8 =	vld [tilespmem:s25+$0x7740]  }
0x75: {  	v12 =	vadd.f32 v12, v6;
	v6 =	vld [tilespmem:s25+$0x7750]  }
0x76: {  	s26 =	sadd.s32 $0x200, s26;
	v11 =	vadd.f32 v11, v7;
	v7 =	vld [tilespmem:s25+$0x7760]  }
0x77: {  	[tilespmem:s25+$0x7700] =	vst v12;
	v5 =	vadd.f32 v5, v10;
	v63 =	vld [tilespmem:s25+$0x7770]  }
0x78: {  	[tilespmem:s25+$0x7710] =	vst v11;
	v4 =	vadd.f32 v4, v9  }
0x79: {  	[tilespmem:s25+$0x7720] =	vst v5;
	v3 =	vadd.f32 v3, v8  }
0x7a: {  	[tilespmem:s25+$0x7730] =	vst v4;
	v2 =	vadd.f32 v2, v6  }
0x7b: {  	[tilespmem:s25+$0x7740] =	vst v3;
	v1 =	vadd.f32 v1, v7  }
0x7c: {  	s24 =	sadd.s32 s3, s24;
	s23 =	sadd.s32 $0x1, s23;
	[tilespmem:s25+$0x7750] =	vst v2;
	v0 =	vadd.f32 v0, v63  }
0x7d: {  	s24 =	sshll.u32 s24, $0x4;
	p0 =	sne.s32 s23, $0x3E;
	[tilespmem:s25+$0x7760] =	vst v1  }
.Ltmp2:
0x7e: {  	s24 =	sadd.s32 s6, s24;
	[tilespmem:s25+$0x7770] =	vst v0;
	(pc) =	sbr.rel @p0 .LBB2_2-.Ltmp2, $4  }
0x7f: {  	[hbm4b:s24+s2] =	stream.linear.scatter [tilespmem:s16], [sflag:$0x5], $0x2800, $0x38;
	[tilespmem:$0xEF00] =	vst v63  }
0x80: {  	_ =	swait.ge [sflag:s11], $0x2800  }
0x81: {  	[sflag:s11] =	ssyncset.done $0x0  }
0x82: {  	[sflag:s11] =	ssyncadd.s32 $0xFFFFD800  }
0x83: {  	_ =	swait.ge [sflag:s18], $0x2800  }
0x84: {  	[sflag:s18] =	ssyncset.done $0x0  }
0x85: {  	[sflag:s18] =	ssyncadd.s32 $0xFFFFD800  }
0x86: {  	_ =	swait.ge [sflag:s19], $0x2800  }
0x87: {  	[sflag:s19] =	ssyncset.done $0x0  }
0x88: {  	s23 =	simm.s32 $0x0;
	[sflag:s19] =	ssyncadd.s32 $0xFFFFD800  }
0x89: {  	v7 =	vld [tilespmem:s23+$0x9F00]  }
0x8a: {  	v11 =	vld [tilespmem:s23+$0x9F10]  }
0x8b: {  	v5 =	vld [tilespmem:s23+$0x9F20]  }
0x8c: {  	v4 =	vld [tilespmem:s23+$0x9F30]  }
0x8d: {  	v3 =	vld [tilespmem:s23+$0x9F40]  }
0x8e: {  	v2 =	vld [tilespmem:s23+$0x9F50]  }
0x8f: {  	v1 =	vld [tilespmem:s23+$0x9F60]  }
0x90: {  	v0 =	vld [tilespmem:s23+$0x9F70]  }
0x91: {  	v12 =	vld [tilespmem:s23+$0x4F00]  }
0x92: {  	v13 =	vld [tilespmem:s23+$0x4F10]  }
0x93: {  	v10 =	vld [tilespmem:s23+$0x4F20]  }
0x94: {  	v9 =	vld [tilespmem:s23+$0x4F30]  }
0x95: {  	v8 =	vld [tilespmem:s23+$0x4F40]  }
0x96: {  	v6 =	vld [tilespmem:s23+$0x4F50];
	v12 =	vadd.f32 v7, v12  }
0x97: {  	s24 =	simm.s32 $0x200;
	v11 =	vadd.f32 v11, v13;
	v7 =	vld [tilespmem:s23+$0x4F60]  }
.LBB2_8:
0x98: {  	s25 =	sshra.s32 s24, $0x2;
	p0 =	sne.s32 s24, $0x9E00;
	[tilespmem:s23+$0x4F00] =	vst v12;
	v5 =	vadd.f32 v5, v10;
	v10 =	vld [tilespmem:s23+$0x4F70]  }
0x99: {  	v12 =	vld [tilespmem:s25+$0x9F00];
	[tilespmem:s23+$0x4F10] =	vst v11;
	v4 =	vadd.f32 v4, v9  }
0x9a: {  	v11 =	vld [tilespmem:s25+$0x9F10];
	[tilespmem:s23+$0x4F20] =	vst v5;
	v3 =	vadd.f32 v3, v8  }
0x9b: {  	v5 =	vld [tilespmem:s25+$0x9F20];
	[tilespmem:s23+$0x4F30] =	vst v4;
	v2 =	vadd.f32 v2, v6  }
0x9c: {  	v4 =	vld [tilespmem:s25+$0x9F30];
	[tilespmem:s23+$0x4F40] =	vst v3;
	v1 =	vadd.f32 v1, v7  }
0x9d: {  	v3 =	vld [tilespmem:s25+$0x9F40];
	[tilespmem:s23+$0x4F50] =	vst v2;
	v0 =	vadd.f32 v0, v10  }
0x9e: {  	v2 =	vld [tilespmem:s25+$0x9F50];
	[tilespmem:s23+$0x4F60] =	vst v1  }
0x9f: {  	v1 =	vld [tilespmem:s25+$0x9F60];
	[tilespmem:s23+$0x4F70] =	vst v0;
	s23 =	smov.u32 s25  }
0xa0: {  	v0 =	vld [tilespmem:s23+$0x9F70]  }
0xa1: {  	v6 =	vld [tilespmem:s23+$0x4F00]  }
0xa2: {  	v7 =	vld [tilespmem:s23+$0x4F10]  }
.Ltmp3:
0xa3: {  	v10 =	vld [tilespmem:s23+$0x4F20];
	(pc) =	sbr.rel @p0 .LBB2_8-.Ltmp3, $4  }
0xa4: {  	v9 =	vld [tilespmem:s23+$0x4F30]  }
0xa5: {  	v8 =	vld [tilespmem:s23+$0x4F40]  }
0xa6: {  	v12 =	vadd.f32 v12, v6;
	v6 =	vld [tilespmem:s23+$0x4F50]  }
0xa7: {  	s24 =	sadd.s32 $0x200, s24;
	v11 =	vadd.f32 v11, v7;
	v7 =	vld [tilespmem:s23+$0x4F60]  }
0xa8: {  	[tilespmem:s23+$0x4F00] =	vst v12;
	v5 =	vadd.f32 v5, v10;
	v63 =	vld [tilespmem:s23+$0x4F70]  }
0xa9: {  	[tilespmem:s23+$0x4F10] =	vst v11;
	v4 =	vadd.f32 v4, v9  }
0xaa: {  	[tilespmem:s23+$0x4F20] =	vst v5;
	v3 =	vadd.f32 v3, v8  }
0xab: {  	[tilespmem:s23+$0x4F30] =	vst v4;
	v2 =	vadd.f32 v2, v6  }
0xac: {  	[tilespmem:s23+$0x4F40] =	vst v3;
	v1 =	vadd.f32 v1, v7  }
0xad: {  	s22 =	sadd.s32 $0x1, s22;
	[tilespmem:s23+$0x4F50] =	vst v2;
	v0 =	vadd.f32 v0, v63  }
0xae: {  	p0 =	sne.s32 s22, s10;
	[tilespmem:s23+$0x4F60] =	vst v1  }
.Ltmp4:
0xaf: {  	[tilespmem:s23+$0x4F70] =	vst v0;
	(pc) =	sbr.rel @p0 .LBB2_1-.Ltmp4, $4  }
0xb0: {  	[hbm4b:s9+s2] =	stream.linear.scatter [tilespmem:s14], [sflag:$0x5], $0x2800, $0x38;
	[tilespmem:$0xEF00] =	vst v63  }
0xb1: {  	_ =	swait.ge [sflag:s11], $0x2800  }
0xb2: {  	[sflag:s11] =	ssyncset.done $0x0  }
0xb3: {  	[sflag:s11] =	ssyncadd.s32 $0xFFFFD800  }
0xb4: {  	_ =	sfence.sel $0x180000  }
0xb5: {  	[bflag:$0x0] =	sbarrier.arrive $0xFFFF  }
0xb6: {  	p0 =	sne.s32 s1, $0x0;
	_ =	strace $0x9000004A  }
0xb7: {  	s0 =	sadd.s32 @!p0 $0x100000, s0;
	[bflag:$0x2] =	sbarrier.arrive $0xFFFF  }
0xb8: {  	[sflag:s0] =	ssyncadd.tile.s32 @!p0 $0x1;
	_ =	shalt  }
.Lfunc_end2:
_tile_overlayer_lowered:
.L_overlay_start_2:
0xb9: {  	(tag) =	ssettag $0x2  }
0xba: {  	s0 =	rddreg [dreg:$0x0];
	s2 =	stileid.u32  }
0xbb: {  	s1 =	rddreg [dreg:$0x1];
	p0 =	sne.s32 s2, $0x0  }
0xbc: {  	s3 =	rddreg [dreg:$0x2];
	[bflag:$0x3] =	sbarrier.arrive $0xFFFF;
	s2 =	simm.s32 @!p0 $0x1C05  }
0xbd: {  	[timem:s3], [sflag:s2] =	dma.local @!p0 [hbm:s0], s1  }
0xbe: {  	s0 =	simm.s32 @!p0 $0x5  }
0xbf: {  	_ =	swait.ge @!p0 [sflag:s0], s1  }
0xc0: {  	s1 =	ssub.s32 @!p0 $0x0, s1;
	[sflag:s0] =	ssyncset.done @!p0 $0x0  }
0xc1: {  	[sflag:s0] =	ssyncadd.s32 @!p0 s1  }
0xc2: {  	[bflag:$0x3] =	sbarrier.arrive $0xFFFF  }
0xc3: {  	_ =	shalt  }

// kernel: kernel.8.cloned.1.call-start
scs
__scs_entry_jumppad:
0x0: {  	(pc) =	sbr.rel $0x88, $3  }
0x1: {  	(tag) =	ssettag $0x0;
	lr =	simm.s32 $0x1  }
0x2: {  	[smem:$0x3F8E] =	sst lr;
	_ =	strace $0xD0000000  }
0x3: {  	_ = 	snop  }
0x4: {  	_ = 	snop  }
0x5: {  	_ = 	snop  }
0x6: {  	_ = 	snop  }
0x7: {  	_ = 	snop  }
__scs_overlays_trampoline_lowered:
0x8: {  	[smem:$0x3F9D] =	sst s0  }
0x9: {  	[smem:$0x3F9E] =	sst s1  }
0xa: {  	[smem:$0x3F9F] =	sst s2  }
0xb: {  	[smem:$0x3FA0] =	sst s3  }
0xc: {  	[smem:$0x3FA1] =	sst s4  }
0xd: {  	[smem:$0x3FA2] =	sst s5  }
0xe: {  	[smem:$0x3FA3] =	sst s6  }
0xf: {  	[smem:$0x3FA4] =	sst s7  }
0x10: {  	[smem:$0x3FA5] =	sst s8  }
0x11: {  	[smem:$0x3FA6] =	sst s9;
	s0 =	simm.s32 @!p0 $0x0  }
0x12: {  	s1 =	sld [smem:$0x3F8C];
	s0 =	simm.s32 @p0 $0x1  }
0x13: {  	[smem:$0x3FA7] =	sst s0;
	s0 =	simm.s32 @!p1 $0x0  }
0x14: {  	s2 =	sld [smem:$0x3F8B];
	s0 =	simm.s32 @p1 $0x1  }
0x15: {  	[smem:$0x3FA8] =	sst s0;
	s0 =	simm.s32 @!p2 $0x0  }
0x16: {  	s3 =	sld [smem:$0x3FDB];
	s0 =	simm.s32 @p2 $0x1  }
0x17: {  	s4 =	simm.s32 $0x1BF5;
	[smem:$0x3FAA] =	sst s0  }
0x18: {  	s0 =	sld [smem:$0x3F8D];
	_ =	swait.ge [sflag:s4], $0x0  }
0x19: {  	s7 =	sld [smem:$0x3F8E]  }
0x1a: {  	s8 =	sadd.s32 $0xFFFFE003, lr  }
0x1b: {  	s9 =	sadd.s32 $0xFFFFFEF7, lr;
	s5 =	simm.s32 $0xFFFFFFFF;
	p2 =	slt.u32 s8, $0xFFFFF086  }
0x1c: {  	p1 =	slt.u32 s9, $0xF7A;
	s5 =	simm.s32 @!p2 $0x0  }
0x1d: {  	s5 =	simm.s32 @p1 $0x1;
	p0 =	seq.s32 s7, s2  }
0x1e: {  	s7 =	smul.u32 @!p0 $0xF7A, s2;
	p2 =	seq.s32 @!p0 s5, $0x0  }
0x1f: {  	s9 =	smul.u32 $0xF7A, s1;
	s8 =	simm.s32 @!p0 $0x1BF5;
	p2 =	por !p2, p0  }
0x20: {  	[sflag:s8] =	ssyncset.s32 @!p0 $0xFFFFF086;
	s6 =	sadd.s32 @!p0 s3, s7;
	s7 =	simm.s32 @!p0 $0x108  }
0x21: {  	s3 =	sadd.s32 s3, s9;
	s6 =	sadd.s32 @!p0 $0x88, s6;
	s7 =	simm.s32 @p2 $0x1082  }
0x22: {  	[simem:s7], [sflag:s8] =	dma.local @!p0 [hbm:s6], $0xF7A  }
0x23: {  	s9 =	sor.u32 $0xD0000000, s2;
	s6 =	simm.s32 $0x108;
	_ =	swait.ge @!p0 [sflag:s8], $0x0  }
0x24: {  	s3 =	sadd.s32 $0x88, s3;
	s6 =	simm.s32 @!p1 $0x1082;
	[sflag:s4] =	ssyncset.s32 $0xFFFFF086  }
0x25: {  	[simem:s6], [sflag:s4] =	dma.local [hbm:s3], $0xF7A  }
0x26: {  	[smem:$0x3F8E] =	sst s1;
	(tag) =	ssettag s2;
	_ =	strace s9  }
0x27: {  	s1 =	sld [smem:$0x3F9E]  }
0x28: {  	s2 =	sld [smem:$0x3F9F]  }
0x29: {  	s4 =	sld [smem:$0x3FA1]  }
0x2a: {  	p0 =	seq.s32 s5, $0x0;
	s5 =	sld [smem:$0x3FA2]  }
0x2b: {  	s6 =	sld [smem:$0x3FA3]  }
0x2c: {  	s7 =	sld [smem:$0x3FA4]  }
0x2d: {  	s3 =	simm.s32 $0x108;
	s8 =	sld [smem:$0x3FA5]  }
0x2e: {  	s3 =	simm.s32 @!p0 $0x1082;
	s9 =	sld [smem:$0x3FA6]  }
0x2f: {  	lr =	sadd.s32 s0, s3;
	s0 =	sld [smem:$0x3F9D]  }
0x30: {  	s3 =	sld [smem:$0x3FA0]  }
0x31: {  	[smem:$0x3FA9] =	sst s10  }
0x32: {  	s10 =	sld [smem:$0x3FA7];
	_ =	sdelay $0x3  }
0x33: {  	p0 =	seq.s32 s10, $0x1;
	s10 =	sld [smem:$0x3FA9];
	_ =	sdelay $0x3  }
0x34: {  	[smem:$0x3FA9] =	sst s10  }
0x35: {  	s10 =	sld [smem:$0x3FA8];
	_ =	sdelay $0x3  }
0x36: {  	p1 =	seq.s32 s10, $0x1;
	s10 =	sld [smem:$0x3FA9];
	_ =	sdelay $0x3  }
0x37: {  	[smem:$0x3FA9] =	sst s10  }
0x38: {  	s10 =	sld [smem:$0x3FAA]  }
0x39: {  	_ = 	snop;
	(pc) =	sbr.ind lr, $3  }
0x3a: {  	_ = 	snop  }
0x3b: {  	_ = 	snop  }
0x3c: {  	p2 =	seq.s32 s10, $0x1;
	s10 =	sld [smem:$0x3FA9]  }
0x3d: {  	_ =	shalt  }
0x3e: {  	_ =	shalt  }
0x3f: {  	_ =	shalt  }
0x40: {  	_ =	shalt  }
0x41: {  	_ =	shalt  }
0x42: {  	_ =	shalt  }
0x43: {  	_ =	shalt  }
0x44: {  	_ =	shalt  }
0x45: {  	_ =	shalt  }
0x46: {  	_ =	shalt  }
0x47: {  	_ =	shalt  }
0x48: {  	_ =	shalt  }
0x49: {  	_ =	shalt  }
0x4a: {  	_ =	shalt  }
0x4b: {  	_ =	shalt  }
0x4c: {  	_ =	shalt  }
0x4d: {  	_ =	shalt  }
0x4e: {  	_ =	shalt  }
0x4f: {  	_ =	shalt  }
0x50: {  	_ =	shalt  }
0x51: {  	_ =	shalt  }
0x52: {  	_ =	shalt  }
0x53: {  	_ =	shalt  }
0x54: {  	_ =	shalt  }
0x55: {  	_ =	shalt  }
0x56: {  	_ =	shalt  }
0x57: {  	_ =	shalt  }
0x58: {  	_ =	shalt  }
0x59: {  	_ =	shalt  }
0x5a: {  	_ =	shalt  }
0x5b: {  	_ =	shalt  }
0x5c: {  	_ =	shalt  }
0x5d: {  	_ =	shalt  }
0x5e: {  	_ =	shalt  }
0x5f: {  	_ =	shalt  }
0x60: {  	_ =	shalt  }
0x61: {  	_ =	shalt  }
0x62: {  	_ =	shalt  }
0x63: {  	_ =	shalt  }
0x64: {  	_ =	shalt  }
0x65: {  	_ =	shalt  }
0x66: {  	_ =	shalt  }
0x67: {  	_ =	shalt  }
0x68: {  	_ =	shalt  }
0x69: {  	_ =	shalt  }
0x6a: {  	_ =	shalt  }
0x6b: {  	_ =	shalt  }
0x6c: {  	_ =	shalt  }
0x6d: {  	_ =	shalt  }
0x6e: {  	_ =	shalt  }
0x6f: {  	_ =	shalt  }
0x70: {  	_ =	shalt  }
0x71: {  	_ =	shalt  }
0x72: {  	_ =	shalt  }
0x73: {  	_ =	shalt  }
0x74: {  	_ =	shalt  }
0x75: {  	_ =	shalt  }
0x76: {  	_ =	shalt  }
0x77: {  	_ =	shalt  }
0x78: {  	_ =	shalt  }
0x79: {  	_ =	shalt  }
0x7a: {  	_ =	shalt  }
0x7b: {  	_ =	shalt  }
0x7c: {  	_ =	shalt  }
0x7d: {  	_ =	shalt  }
0x7e: {  	_ =	shalt  }
0x7f: {  	_ =	shalt  }
0x80: {  	_ =	shalt  }
0x81: {  	_ =	shalt  }
0x82: {  	_ =	shalt  }
0x83: {  	_ =	shalt  }
0x84: {  	_ =	shalt  }
0x85: {  	_ =	shalt  }
0x86: {  	_ =	shalt  }
0x87: {  	_ =	shalt  }
.Lfunc_end0:
.L_simem_size_0:
called_computation_lowered:
.L_overlay_start_0:
0x88: {  	s2 =	sld [smem:$0x3FD9]  }
0x89: {  	s3 =	sld [smem:$0x3FFE];
	_ =	sdelay $0x1  }
0x8a: {  	s1 =	srdreg.scid  }
0x8b: {  	s0 =	sand.u32 $0x1, s1  }
0x8c: {  	s17 =	sshll.u32 s0, $0xA;
	s2 =	sadd.s32 s3, s2  }
0x8d: {  	s2 =	sadd.s32 s2, s17  }
0x8e: {  	[smem:$0x3FB5] =	sst s2  }
0x8f: {  	_ = 	snop  }
0x90: {  	s2 =	sld [smem:$0x3FC9];
	(tm) =	ssettm $0x1  }
0x91: {  	s18 =	sld [smem:$0x3FFB];
	_ =	sdelay $0x3  }
0x92: {  	_ =	strace s18  }
0x93: {  	s3 =	sld [smem:$0x3FFC];
	_ =	sdelay $0x3  }
0x94: {  	_ =	strace s3  }
0x95: {  	s3 =	sld [smem:$0x3FFD];
	_ =	sdelay $0x3  }
0x96: {  	_ =	strace s3  }
0x97: {  	_ =	strace $0x8FFFFFFF  }
0x98: {  	s19 =	sld [smem:$0x3FDB];
	_ =	sdelay $0x1  }
0x99: {  	s4 =	simm.s32 $_scs_section_size  }
0x9a: {  	s5 =	simm.s32 $_size__tile_overlayer_lowered;
	s6 =	simm.s32 $_tile_overlayer_lowered  }
0x9b: {  	s22 =	simm.s32 $0x1BFF;
	s21 =	sshll.u32 s6, $0x1;
	s3 =	sadd.s32 s4, s19  }
0x9c: {  	s7 =	simm.s32 $0x0;
	s20 =	sshll.u32 s5, $0x1;
	s5 =	sadd.s32 s21, s3  }
0x9d: {  	[timem:s7], [sflag:s22] =	dma.local [hbm:s5], s20  }
0x9e: {  	_ =	swait.ge [sflag:s22], s20  }
0x9f: {  	s4 =	ssub.s32 $0x0, s20;
	[sflag:s22] =	ssyncset.done $0x0  }
0xa0: {  	[sflag:s22] =	ssyncadd.s32 s4;
	_ =	sdelay $0x1  }
0xa1: {  	s23 =	simm.s32 $0x1B8B  }
0xa2: {  	_ =	swait.ge [sflag:s23], $0x1  }
0xa3: {  	[sflag:s23] =	ssyncset.done $0x0  }
0xa4: {  	s25 =	simm.s32 $0x1B8E;
	s24 =	sld [smem:$0x3FFE];
	[sflag:s23] =	ssyncadd.s32 $0xFFFFFFFF  }
0xa5: {  	s26 =	simm.s32 $execute0_lowered;
	[smem:$0x3FD2] =	sst s25  }
0xa6: {  	s5 =	sshll.u32 s26, $0x1;
	_ =	strace $0x80000046;
	[dreg:$0x1] =	wrdreg $0xFFFFFFFF  }
0xa7: {  	s28 =	simm.s32 $_size_execute0_lowered;
	s3 =	sadd.s32 s3, s5;
	[dreg:$0x0] =	wrdreg $0x0  }
0xa8: {  	s5 =	sshll.u32 s28, $0x1;
	[dreg:$0x2] =	wrdreg s3  }
0xa9: {  	[dreg:$0x3] =	wrdreg s5  }
0xaa: {  	[dreg:$0x4] =	wrdreg $0xC0  }
0xab: {  	_ =	task [dreg:s7], $0x5FFFF  }
0xac: {  	[dreg:$0x1] =	wrdreg $0xFFFFFFFF  }
0xad: {  	[dreg:$0x0] =	wrdreg $0x60  }
0xae: {  	[dreg:$0x2] =	wrdreg s2  }
0xaf: {  	[dreg:$0x3] =	wrdreg s24  }
0xb0: {  	[dreg:$0x4] =	wrdreg $0x78800  }
0xb1: {  	[dreg:$0x5] =	wrdreg $0x9  }
0xb2: {  	_ =	task.clear_ibuf [dreg:s7], $0x6FFFF;
	_ =	strace $0x90000046  }
0xb3: {  	s29 =	simm.s32 $0x9;
	_ =	strace $0x80000048  }
0xb4: {  	_ =	swait.ge [sflag:s29], $0x1  }
0xb5: {  	[sflag:s29] =	ssyncadd.s32 $0xFFFFFFFF  }
0xb6: {  	_ =	strace $0x90000048  }
0xb7: {  	_ =	sfence  }
0xb8: {  	s30 =	sld [smem:$0x0];
	_ =	sdelay $0x2  }
0xb9: {  	s31 =	sshll.u32 s1, $0xD;
	s1 =	sshrl.u32 s1, $0x2  }
0xba: {  	s3 =	sand.u32 $0x4000, s31;
	s1 =	sadd.s32 s1, s30  }
0xbb: {  	s0 =	sor.u32 s3, s0;
	s1 =	sshll.u32 s1, $0x11  }
0xbc: {  	s0 =	sor.u32 s1, s0  }
0xbd: {  	s0 =	sadd.s32 $0x8F2B, s0  }
0xbe: {  	[sflag:s0] =	ssyncadd.remote.s32 $0x1  }
0xbf: {  	_ =	sfence.sel $0xFFFF  }
0xc0: {  	[dreg:$0x0] =	wrdreg $0xFFFFFFFF;
	(pc) =	sbr.abs _section_cstart, $3  }
0xc1: {  	[dreg:$0x1] =	wrdreg $0xFFFFFFFF  }
0xc2: {  	_ =	task.clear_ibuf [dreg:s7], $0x2FFFF;
	_ =	strace $0x9FFFFFFF  }
0xc3: {  	(tm) =	ssettm $0x7FFFFFFF  }
tec
execute0_lowered:
.L_overlay_start_1:
0x0: {  	(tag) =	ssettag $0x1  }
0x1: {  	s1 =	rddreg [dreg:$0x0]  }
0x2: {  	s0 =	srdreg.scid;
	s8 =	rddreg [dreg:$0x1]  }
0x3: {  	s14 =	stileid.u32;
	s3 =	rddreg [dreg:$0x2];
	s5 =	simm.s32 $0x0  }
0x4: {  	s0 =	sand.u32 $0x1, s0;
	[smem:$0x7FF] =	sst s5;
	s13 =	smul.u32 $0x50000, s14  }
0x5: {  	s2 =	sshll.u32 s0, $0x4;
	s10 =	smul.u32 $0x28000, s0;
	s0 =	ssub.s32 $0x2, s0  }
0x6: {  	s6 =	sadd.s32 $0x2E00, s8;
	s7 =	sadd.s32 $0x16A00, s8;
	s22 =	sshrl.u32 s0, $0x1  }
0x7: {  	s21 =	smul.u32 $0x2800, s14;
	s28 =	sshrl.u32 s13, $0x2;
	s0 =	ssub.s32 s0, s22  }
0x8: {  	_ =	strace $0x80000047;
	s13 =	sadd.s32 s28, s3;
	s0 =	smax.u32 s0, $0x1  }
0x9: {  	s2 =	sor.u32 s14, s2;
	s15 =	sadd.s32 $0x1400, s13;
	[dreg:$0x9] =	wrdreg s0  }
0xa: {  	s14 =	simm.s32 $0x3;
	s16 =	sadd.s32 $0x2800, s13;
	[dreg:$0xa] =	wrdreg s15  }
0xb: {  	s4 =	smul.u32 $0x2710, s2;
	s17 =	sadd.s32 $0x3C00, s13;
	[dreg:$0xb] =	wrdreg s16  }
0xc: {  	s2 =	smul.u32 $0x27100, s2;
	s18 =	sadd.s32 $0x5000, s13;
	[dreg:$0xc] =	wrdreg s17  }
0xd: {  	s19 =	sadd.s32 $0x6400, s13;
	s20 =	sadd.s32 $0x7800, s13;
	[dreg:$0xd] =	wrdreg s18  }
0xe: {  	s22 =	sadd.s32 $0x8C00, s13;
	s28 =	sadd.s32 $0xF000, s13;
	[dreg:$0xe] =	wrdreg s19  }
0xf: {  	s29 =	sadd.s32 $0x10400, s13;
	s30 =	sadd.s32 $0x11800, s13;
	[dreg:$0xf] =	wrdreg s20  }
0x10: {  	s31 =	sadd.s32 $0x12C00, s13;
	s9 =	sshrl.u32 s4, $0x3;
	[dreg:$0x10] =	wrdreg s22  }
0x11: {  	s12 =	sadd.s32 $0x26E8, s4;
	s2 =	sadd.s32 s7, s2;
	[dreg:$0x15] =	wrdreg s28  }
0x12: {  	s0 =	simm.s32 $0x2880;
	s15 =	simm.s32 $0x2780;
	s16 =	simm.s32 $0x2  }
0x13: {  	s17 =	simm.s32 $0x4;
	s18 =	simm.s32 $0x2800;
	s19 =	simm.s32 $0x0  }
0x14: {  	s11 =	sadd.s32 s9, s8;
	s8 =	sadd.s32 s10, s8;
	s23 =	sshll.u32 s12, $0x4  }
0x15: {  	[dreg:$0x5] =	wrdreg s2;
	s25 =	sadd.s32 s6, s9;
	s11 =	sadd.s32 $0xCC00, s11  }
0x16: {  	s26 =	sshrl.u32 s12, $0x3;
	s24 =	sadd.s32 s7, s23;
	[dreg:$0x4] =	wrdreg s11  }
0x17: {  	s9 =	simm.s32 $0x5080;
	s2 =	sadd.s32 $0x4D8, s25;
	[dreg:$0x6] =	wrdreg s24  }
0x18: {  	s10 =	simm.s32 $0x3C80;
	s23 =	sadd.s32 $0xA000, s13;
	[dreg:$0x7] =	wrdreg s2  }
0x19: {  	s12 =	sadd.s32 $0x4F8A00, s8;
	s25 =	sadd.s32 $0xC800, s13;
	[dreg:$0x11] =	wrdreg s23  }
0x1a: {  	s8 =	simm.s32 $0x28;
	s11 =	sadd.s32 s6, s26;
	[dreg:$0x13] =	wrdreg s25  }
0x1b: {  	s24 =	sadd.s32 $0xB400, s13;
	s26 =	sadd.s32 $0xDC00, s13;
	[dreg:$0x8] =	wrdreg s11  }
0x1c: {  	s2 =	simm.s32 $0x5;
	[dreg:$0x12] =	wrdreg s24;
	s24 =	sadd.s32 s12, s21  }
0x1d: {  	v0 =	vimm.f32 $0.0e+00;
	[dreg:$0x14] =	wrdreg s26;
	s11 =	simm.s32 $0x6480;
	s12 =	simm.s32 $0x1  }
.LBB2_1:
0x1e: {  	s20 =	rddreg [dreg:$0x4]  }
0x1f: {  	[tilespmem:s5], [sflag:$0x5] =	stream.linear.gather [hbm4b:s20+s5], $0x2710, $0x38;
	[tilespmem:$0x1B880] =	vst v63  }
0x20: {  	_ =	swait.ge [sflag:s2], $0x2710  }
0x21: {  	[sflag:s2] =	ssyncset.done $0x0  }
0x22: {  	s21 =	simm.s32 $0x200;
	s20 =	simm.s32 $0x0;
	[sflag:s2] =	ssyncadd.s32 $0xFFFFD8F0  }
.LBB2_2:
0x23: {  	p0 =	sne.s32 s21, $0x4E00;
	[tilespmem:s20+$0x28F0] =	vst v0  }
0x24: {  	[tilespmem:s20+$0x2880] =	vst v0  }
0x25: {  	[tilespmem:s20+$0x2890] =	vst v0  }
.Ltmp0:
0x26: {  	[tilespmem:s20+$0x28A0] =	vst v0;
	(pc) =	sbr.rel @p0 .LBB2_2-.Ltmp0, $4  }
0x27: {  	[tilespmem:s20+$0x28B0] =	vst v0  }
0x28: {  	[tilespmem:s20+$0x28C0] =	vst v0  }
0x29: {  	[tilespmem:s20+$0x28D0] =	vst v0  }
0x2a: {  	[tilespmem:s20+$0x28E0] =	vst v0;
	s20 =	sshra.s32 s21, $0x2;
	s21 =	sadd.s32 $0x200, s21  }
0x2b: {  	[tilespmem:s20+$0x28F0] =	vst v0  }
0x2c: {  	[tilespmem:s20+$0x2880] =	vst v0  }
0x2d: {  	[tilespmem:s20+$0x2890] =	vst v0  }
0x2e: {  	[tilespmem:s20+$0x28A0] =	vst v0  }
0x2f: {  	[tilespmem:s20+$0x28B0] =	vst v0  }
0x30: {  	[tilespmem:s20+$0x28C0] =	vst v0  }
0x31: {  	[tilespmem:s20+$0x28D0] =	vst v0  }
0x32: {  	[tilespmem:s20+$0x28E0] =	vst v0  }
0x33: {  	[spmem:s13] =	stream.linear.scatter [tilespmem:s0], [sflag:$0x5], $0x1400, $0x38;
	[tilespmem:$0x1B880] =	vst v63  }
0x34: {  	_ =	swait.ge [sflag:s2], $0x1400  }
0x35: {  	[sflag:s2] =	ssyncset.done $0x0  }
0x36: {  	s21 =	rddreg [dreg:$0xa];
	[sflag:s2] =	ssyncadd.s32 $0xFFFFEC00  }
0x37: {  	[spmem:s21] =	stream.linear.scatter [tilespmem:s0], [sflag:$0x5], $0x1400, $0x38;
	[tilespmem:$0x1B880] =	vst v63  }
0x38: {  	_ =	swait.ge [sflag:s2], $0x1400  }
0x39: {  	[sflag:s2] =	ssyncset.done $0x0  }
0x3a: {  	s22 =	rddreg [dreg:$0xb];
	[sflag:s2] =	ssyncadd.s32 $0xFFFFEC00  }
0x3b: {  	[spmem:s22] =	stream.linear.scatter [tilespmem:s0], [sflag:$0x5], $0x1400, $0x38;
	[tilespmem:$0x1B880] =	vst v63  }
0x3c: {  	_ =	swait.ge [sflag:s2], $0x1400  }
0x3d: {  	[sflag:s2] =	ssyncset.done $0x0  }
0x3e: {  	s23 =	rddreg [dreg:$0xc];
	[sflag:s2] =	ssyncadd.s32 $0xFFFFEC00  }
0x3f: {  	[spmem:s23] =	stream.linear.scatter [tilespmem:s0], [sflag:$0x5], $0x1400, $0x38;
	[tilespmem:$0x1B880] =	vst v63  }
0x40: {  	_ =	swait.ge [sflag:s2], $0x1400  }
0x41: {  	[sflag:s2] =	ssyncset.done $0x0  }
0x42: {  	s25 =	rddreg [dreg:$0xd];
	[sflag:s2] =	ssyncadd.s32 $0xFFFFEC00  }
0x43: {  	[spmem:s25] =	stream.linear.scatter [tilespmem:s0], [sflag:$0x5], $0x1400, $0x38;
	[tilespmem:$0x1B880] =	vst v63  }
0x44: {  	_ =	swait.ge [sflag:s2], $0x1400  }
0x45: {  	[sflag:s2] =	ssyncset.done $0x0  }
0x46: {  	s26 =	rddreg [dreg:$0xe];
	[sflag:s2] =	ssyncadd.s32 $0xFFFFEC00  }
0x47: {  	[spmem:s26] =	stream.linear.scatter [tilespmem:s0], [sflag:$0x5], $0x1400, $0x38;
	[tilespmem:$0x1B880] =	vst v63  }
0x48: {  	_ =	swait.ge [sflag:s2], $0x1400  }
0x49: {  	[sflag:s2] =	ssyncset.done $0x0  }
0x4a: {  	s28 =	rddreg [dreg:$0xf];
	[sflag:s2] =	ssyncadd.s32 $0xFFFFEC00  }
0x4b: {  	[spmem:s28] =	stream.linear.scatter [tilespmem:s0], [sflag:$0x5], $0x1400, $0x38;
	[tilespmem:$0x1B880] =	vst v63  }
0x4c: {  	_ =	swait.ge [sflag:s2], $0x1400  }
0x4d: {  	[sflag:s2] =	ssyncset.done $0x0  }
0x4e: {  	s21 =	rddreg [dreg:$0x10];
	[sflag:s2] =	ssyncadd.s32 $0xFFFFEC00  }
0x4f: {  	[spmem:s21] =	stream.linear.scatter [tilespmem:s0], [sflag:$0x5], $0x1400, $0x38;
	[tilespmem:$0x1B880] =	vst v63  }
0x50: {  	_ =	swait.ge [sflag:s2], $0x1400  }
0x51: {  	[sflag:s2] =	ssyncset.done $0x0  }
0x52: {  	s22 =	rddreg [dreg:$0x11];
	[sflag:s2] =	ssyncadd.s32 $0xFFFFEC00  }
0x53: {  	[spmem:s22] =	stream.linear.scatter [tilespmem:s0], [sflag:$0x5], $0x1400, $0x38;
	[tilespmem:$0x1B880] =	vst v63  }
0x54: {  	_ =	swait.ge [sflag:s2], $0x1400  }
0x55: {  	[sflag:s2] =	ssyncset.done $0x0  }
0x56: {  	s23 =	rddreg [dreg:$0x12];
	[sflag:s2] =	ssyncadd.s32 $0xFFFFEC00  }
0x57: {  	[spmem:s23] =	stream.linear.scatter [tilespmem:s0], [sflag:$0x5], $0x1400, $0x38;
	[tilespmem:$0x1B880] =	vst v63  }
0x58: {  	_ =	swait.ge [sflag:s2], $0x1400  }
0x59: {  	[sflag:s2] =	ssyncset.done $0x0  }
0x5a: {  	s25 =	rddreg [dreg:$0x13];
	[sflag:s2] =	ssyncadd.s32 $0xFFFFEC00  }
0x5b: {  	[spmem:s25] =	stream.linear.scatter [tilespmem:s0], [sflag:$0x5], $0x1400, $0x38;
	[tilespmem:$0x1B880] =	vst v63  }
0x5c: {  	_ =	swait.ge [sflag:s2], $0x1400  }
0x5d: {  	[sflag:s2] =	ssyncset.done $0x0  }
0x5e: {  	s26 =	rddreg [dreg:$0x14];
	[sflag:s2] =	ssyncadd.s32 $0xFFFFEC00  }
0x5f: {  	[spmem:s26] =	stream.linear.scatter [tilespmem:s0], [sflag:$0x5], $0x1400, $0x38;
	[tilespmem:$0x1B880] =	vst v63  }
0x60: {  	_ =	swait.ge [sflag:s2], $0x1400  }
0x61: {  	[sflag:s2] =	ssyncset.done $0x0  }
0x62: {  	s28 =	rddreg [dreg:$0x15];
	[sflag:s2] =	ssyncadd.s32 $0xFFFFEC00  }
0x63: {  	[spmem:s28] =	stream.linear.scatter [tilespmem:s0], [sflag:$0x5], $0x1400, $0x38;
	[tilespmem:$0x1B880] =	vst v63  }
0x64: {  	_ =	swait.ge [sflag:s2], $0x1400  }
0x65: {  	[sflag:s2] =	ssyncset.done $0x0  }
0x66: {  	[sflag:s2] =	ssyncadd.s32 $0xFFFFEC00  }
0x67: {  	[spmem:s29] =	stream.linear.scatter [tilespmem:s0], [sflag:$0x5], $0x1400, $0x38;
	[tilespmem:$0x1B880] =	vst v63  }
0x68: {  	_ =	swait.ge [sflag:s2], $0x1400  }
0x69: {  	[sflag:s2] =	ssyncset.done $0x0  }
0x6a: {  	[sflag:s2] =	ssyncadd.s32 $0xFFFFEC00  }
0x6b: {  	[spmem:s30] =	stream.linear.scatter [tilespmem:s0], [sflag:$0x5], $0x1400, $0x38;
	[tilespmem:$0x1B880] =	vst v63  }
0x6c: {  	_ =	swait.ge [sflag:s2], $0x1400  }
0x6d: {  	[sflag:s2] =	ssyncset.done $0x0  }
0x6e: {  	[sflag:s2] =	ssyncadd.s32 $0xFFFFEC00  }
0x6f: {  	[spmem:s31] =	stream.linear.scatter [tilespmem:s0], [sflag:$0x5], $0x1400, $0x38;
	[tilespmem:$0x1B880] =	vst v63  }
0x70: {  	_ =	swait.ge [sflag:s2], $0x1400  }
0x71: {  	[sflag:s2] =	ssyncset.done $0x0  }
0x72: {  	[sflag:s2] =	ssyncadd.s32 $0xFFFFEC00  }
0x73: {  	s20 =	simm.s32 $0x0;
	[bflag:$0x0] =	sbarrier.arrive $0xFFFF  }
0x74: {  	[tilespmem:s0], [sflag:$0x1] =	stream.indirect.gather [hbm4b:s1+s8], $0x80, s20, s8, $0xb8;
	[tilespmem:$0x1B880] =	vst v63  }
0x75: {  	s21 =	rddreg [dreg:$0x5]  }
0x76: {  	[tilespmem:s9], [sflag:$0x3] =	stream.linear.gather [hbm4b:s21+s20], $0x1400, $0x38;
	[tilespmem:$0x1B880] =	vst v63  }
0x77: {  	s21 =	simm.s32 $0x0  }
.LBB2_4:
0x78: {  	s23 =	smul.u32 $0x50, s21;
	_ =	sdelay $0x1  }
0x79: {  	s22 =	sadd.s32 $0x28, s23  }
0x7a: {  	[tilespmem:s10], [sflag:$0x2] =	stream.indirect.gather [hbm4b:s1+s8], $0x80, s22, s8, $0xb8;
	[tilespmem:$0x1B880] =	vst v63  }
0x7b: {  	s22 =	sadd.s32 s4, s22  }
0x7c: {  	s25 =	sshll.u32 s22, $0x4  }
0x7d: {  	s25 =	sadd.s32 s7, s25  }
0x7e: {  	[tilespmem:s11], [sflag:$0x4] =	stream.linear.gather [hbm4b:s25+s20], $0x1400, $0x38;
	[tilespmem:$0x1B880] =	vst v63  }
0x7f: {  	_ =	swait.ge [sflag:s12], $0x1400  }
0x80: {  	[sflag:s12] =	ssyncset.done $0x0  }
0x81: {  	[sflag:s12] =	ssyncadd.s32 $0xFFFFEC00  }
0x82: {  	s28 =	sadd.s32 s4, s23;
	_ =	swait.ge [sflag:s14], $0x1400  }
0x83: {  	s25 =	sshrl.u32 s28, $0x3;
	[sflag:s14] =	ssyncset.done $0x0  }
0x84: {  	s25 =	sadd.s32 s6, s25;
	[sflag:s14] =	ssyncadd.s32 $0xFFFFEC00  }
0x85: {  	[tilespmem:s15], [sflag:$0x5] =	stream.linear.gather [hbm4b:s25+s20], $0x28, $0x38;
	[tilespmem:$0x1B880] =	vst v63  }
0x86: {  	_ =	swait.ge [sflag:s2], $0x28  }
0x87: {  	[sflag:s2] =	ssyncset.done $0x0  }
0x88: {  	s25 =	simm.s32 $0x0;
	[sflag:s2] =	ssyncadd.s32 $0xFFFFFFD8  }
0x89: {  	v7 =	vld [tilespmem:s25+$0x5080]  }
0x8a: {  	v12 =	vld [tilespmem:s25+$0x5090]  }
0x8b: {  	v6 =	vld [tilespmem:s25+$0x50A0]  }
0x8c: {  	v5 =	vld [tilespmem:s25+$0x50B0]  }
0x8d: {  	v4 =	vld [tilespmem:s25+$0x50C0]  }
0x8e: {  	v3 =	vld [tilespmem:s25+$0x50D0]  }
0x8f: {  	v2 =	vld [tilespmem:s25+$0x50E0]  }
0x90: {  	v1 =	vld [tilespmem:s25+$0x50F0]  }
0x91: {  	v13 =	vld [tilespmem:s25+$0x2880]  }
0x92: {  	v14 =	vld [tilespmem:s25+$0x2890]  }
0x93: {  	v11 =	vld [tilespmem:s25+$0x28A0]  }
0x94: {  	v10 =	vld [tilespmem:s25+$0x28B0]  }
0x95: {  	v9 =	vld [tilespmem:s25+$0x28C0]  }
0x96: {  	v8 =	vld [tilespmem:s25+$0x28D0];
	v13 =	vadd.f32 v7, v13  }
0x97: {  	s26 =	simm.s32 $0x200;
	v12 =	vadd.f32 v12, v14;
	v7 =	vld [tilespmem:s25+$0x28E0]  }
.LBB2_5:
0x98: {  	s28 =	sshra.s32 s26, $0x2;
	p0 =	sne.s32 s26, $0x4E00;
	v13 =	vmax.f32 v13, $0.0e+00;
	v6 =	vadd.f32 v6, v11;
	v11 =	vld [tilespmem:s25+$0x28F0]  }
0x99: {  	v14 =	vld [tilespmem:s28+$0x5080];
	[tilespmem:s25+$0x2880] =	vst v13;
	v12 =	vmax.f32 v12, $0.0e+00;
	v5 =	vadd.f32 v5, v10  }
0x9a: {  	v15 =	vld [tilespmem:s28+$0x5090];
	[tilespmem:s25+$0x2890] =	vst v12;
	v10 =	vmax.f32 v6, $0.0e+00;
	v4 =	vadd.f32 v4, v9  }
0x9b: {  	v6 =	vld [tilespmem:s28+$0x50A0];
	[tilespmem:s25+$0x28A0] =	vst v10;
	v9 =	vmax.f32 v5, $0.0e+00;
	v3 =	vadd.f32 v3, v8  }
0x9c: {  	v5 =	vld [tilespmem:s28+$0x50B0];
	[tilespmem:s25+$0x28B0] =	vst v9;
	v8 =	vmax.f32 v4, $0.0e+00;
	v2 =	vadd.f32 v2, v7  }
0x9d: {  	v4 =	vld [tilespmem:s28+$0x50C0];
	[tilespmem:s25+$0x28C0] =	vst v8;
	v7 =	vmax.f32 v3, $0.0e+00;
	v1 =	vadd.f32 v1, v11  }
0x9e: {  	v3 =	vld [tilespmem:s28+$0x50D0];
	[tilespmem:s25+$0x28D0] =	vst v7;
	v7 =	vmax.f32 v2, $0.0e+00  }
0x9f: {  	v2 =	vld [tilespmem:s28+$0x50E0];
	[tilespmem:s25+$0x28E0] =	vst v7;
	v7 =	vmax.f32 v1, $0.0e+00  }
0xa0: {  	v1 =	vld [tilespmem:s28+$0x50F0];
	[tilespmem:s25+$0x28F0] =	vst v7;
	s25 =	smov.u32 s28  }
0xa1: {  	v7 =	vld [tilespmem:s25+$0x2880]  }
0xa2: {  	v12 =	vld [tilespmem:s25+$0x2890]  }
.Ltmp1:
0xa3: {  	v11 =	vld [tilespmem:s25+$0x28A0];
	(pc) =	sbr.rel @p0 .LBB2_5-.Ltmp1, $4  }
0xa4: {  	v10 =	vld [tilespmem:s25+$0x28B0]  }
0xa5: {  	v9 =	vld [tilespmem:s25+$0x28C0]  }
0xa6: {  	v13 =	vadd.f32 v14, v7;
	v8 =	vld [tilespmem:s25+$0x28D0]  }
0xa7: {  	s26 =	sadd.s32 $0x200, s26;
	v12 =	vadd.f32 v15, v12;
	v7 =	vld [tilespmem:s25+$0x28E0]  }
0xa8: {  	v13 =	vmax.f32 v13, $0.0e+00;
	v6 =	vadd.f32 v6, v11;
	v11 =	vld [tilespmem:s25+$0x28F0]  }
0xa9: {  	[tilespmem:s25+$0x2880] =	vst v13;
	v12 =	vmax.f32 v12, $0.0e+00;
	v5 =	vadd.f32 v5, v10  }
0xaa: {  	[tilespmem:s25+$0x2890] =	vst v12;
	v6 =	vmax.f32 v6, $0.0e+00;
	v4 =	vadd.f32 v4, v9  }
0xab: {  	[tilespmem:s25+$0x28A0] =	vst v6;
	v5 =	vmax.f32 v5, $0.0e+00;
	v3 =	vadd.f32 v3, v8  }
0xac: {  	[tilespmem:s25+$0x28B0] =	vst v5;
	v4 =	vmax.f32 v4, $0.0e+00;
	v2 =	vadd.f32 v2, v7  }
0xad: {  	[tilespmem:s25+$0x28C0] =	vst v4;
	v3 =	vmax.f32 v3, $0.0e+00;
	v1 =	vadd.f32 v1, v11  }
0xae: {  	[tilespmem:s25+$0x28D0] =	vst v3;
	v2 =	vmax.f32 v2, $0.0e+00  }
0xaf: {  	[tilespmem:s25+$0x28E0] =	vst v2;
	v1 =	vmax.f32 v1, $0.0e+00  }
0xb0: {  	[tilespmem:s25+$0x28F0] =	vst v1  }
0xb1: {  	[spmem:s3] =	stream.indirect.scatter.add.f32 [tilespmem:s0], [sflag:$0x5], $0x80, s15, s8, $0xb8;
	[tilespmem:$0x1B880] =	vst v63  }
0xb2: {  	_ =	swait.ge [sflag:s2], $0x1400  }
0xb3: {  	[sflag:s2] =	ssyncset.done $0x0  }
0xb4: {  	s23 =	sadd.s32 $0x50, s23;
	[sflag:s2] =	ssyncadd.s32 $0xFFFFEC00  }
0xb5: {  	[tilespmem:s0], [sflag:$0x1] =	stream.indirect.gather [hbm4b:s1+s8], $0x80, s23, s8, $0xb8;
	[tilespmem:$0x1B880] =	vst v63  }
0xb6: {  	s23 =	sadd.s32 s4, s23  }
0xb7: {  	s23 =	sshll.u32 s23, $0x4  }
0xb8: {  	s28 =	simm.s32 $0x0;
	s23 =	sadd.s32 s7, s23  }
0xb9: {  	[tilespmem:s9], [sflag:$0x3] =	stream.linear.gather [hbm4b:s23+s28], $0x1400, $0x38;
	[tilespmem:$0x1B880] =	vst v63  }
0xba: {  	_ =	swait.ge [sflag:s16], $0x1400  }
0xbb: {  	[sflag:s16] =	ssyncset.done $0x0  }
0xbc: {  	[sflag:s16] =	ssyncadd.s32 $0xFFFFEC00  }
0xbd: {  	_ =	swait.ge [sflag:s17], $0x1400  }
0xbe: {  	s22 =	sshrl.u32 s22, $0x3;
	[sflag:s17] =	ssyncset.done $0x0  }
0xbf: {  	s22 =	sadd.s32 s6, s22;
	[sflag:s17] =	ssyncadd.s32 $0xFFFFEC00  }
0xc0: {  	[tilespmem:s18], [sflag:$0x5] =	stream.linear.gather [hbm4b:s22+s28], $0x28, $0x38;
	[tilespmem:$0x1B880] =	vst v63  }
0xc1: {  	_ =	swait.ge [sflag:s2], $0x28  }
0xc2: {  	[sflag:s2] =	ssyncset.done $0x0  }
0xc3: {  	s22 =	simm.s32 $0x0;
	[sflag:s2] =	ssyncadd.s32 $0xFFFFFFD8  }
0xc4: {  	v7 =	vld [tilespmem:s22+$0x6480]  }
0xc5: {  	v12 =	vld [tilespmem:s22+$0x6490]  }
0xc6: {  	v6 =	vld [tilespmem:s22+$0x64A0]  }
0xc7: {  	v5 =	vld [tilespmem:s22+$0x64B0]  }
0xc8: {  	v4 =	vld [tilespmem:s22+$0x64C0]  }
0xc9: {  	v3 =	vld [tilespmem:s22+$0x64D0]  }
0xca: {  	v2 =	vld [tilespmem:s22+$0x64E0]  }
0xcb: {  	v1 =	vld [tilespmem:s22+$0x64F0]  }
0xcc: {  	v13 =	vld [tilespmem:s22+$0x3C80]  }
0xcd: {  	v14 =	vld [tilespmem:s22+$0x3C90]  }
0xce: {  	v11 =	vld [tilespmem:s22+$0x3CA0]  }
0xcf: {  	v10 =	vld [tilespmem:s22+$0x3CB0]  }
0xd0: {  	v9 =	vld [tilespmem:s22+$0x3CC0]  }
0xd1: {  	v8 =	vld [tilespmem:s22+$0x3CD0];
	v13 =	vadd.f32 v7, v13  }
0xd2: {  	s23 =	simm.s32 $0x200;
	v12 =	vadd.f32 v12, v14;
	v7 =	vld [tilespmem:s22+$0x3CE0]  }
.LBB2_7:
0xd3: {  	s25 =	sshra.s32 s23, $0x2;
	p0 =	sne.s32 s23, $0x4E00;
	v13 =	vmax.f32 v13, $0.0e+00;
	v6 =	vadd.f32 v6, v11;
	v11 =	vld [tilespmem:s22+$0x3CF0]  }
0xd4: {  	v14 =	vld [tilespmem:s25+$0x6480];
	[tilespmem:s22+$0x3C80] =	vst v13;
	v12 =	vmax.f32 v12, $0.0e+00;
	v5 =	vadd.f32 v5, v10  }
0xd5: {  	v15 =	vld [tilespmem:s25+$0x6490];
	[tilespmem:s22+$0x3C90] =	vst v12;
	v10 =	vmax.f32 v6, $0.0e+00;
	v4 =	vadd.f32 v4, v9  }
0xd6: {  	v6 =	vld [tilespmem:s25+$0x64A0];
	[tilespmem:s22+$0x3CA0] =	vst v10;
	v9 =	vmax.f32 v5, $0.0e+00;
	v3 =	vadd.f32 v3, v8  }
0xd7: {  	v5 =	vld [tilespmem:s25+$0x64B0];
	[tilespmem:s22+$0x3CB0] =	vst v9;
	v8 =	vmax.f32 v4, $0.0e+00;
	v2 =	vadd.f32 v2, v7  }
0xd8: {  	v4 =	vld [tilespmem:s25+$0x64C0];
	[tilespmem:s22+$0x3CC0] =	vst v8;
	v7 =	vmax.f32 v3, $0.0e+00;
	v1 =	vadd.f32 v1, v11  }
0xd9: {  	v3 =	vld [tilespmem:s25+$0x64D0];
	[tilespmem:s22+$0x3CD0] =	vst v7;
	v7 =	vmax.f32 v2, $0.0e+00  }
0xda: {  	v2 =	vld [tilespmem:s25+$0x64E0];
	[tilespmem:s22+$0x3CE0] =	vst v7;
	v7 =	vmax.f32 v1, $0.0e+00  }
0xdb: {  	v1 =	vld [tilespmem:s25+$0x64F0];
	[tilespmem:s22+$0x3CF0] =	vst v7;
	s22 =	smov.u32 s25  }
0xdc: {  	v7 =	vld [tilespmem:s22+$0x3C80]  }
0xdd: {  	v12 =	vld [tilespmem:s22+$0x3C90]  }
.Ltmp2:
0xde: {  	v11 =	vld [tilespmem:s22+$0x3CA0];
	(pc) =	sbr.rel @p0 .LBB2_7-.Ltmp2, $4  }
0xdf: {  	v10 =	vld [tilespmem:s22+$0x3CB0]  }
0xe0: {  	v9 =	vld [tilespmem:s22+$0x3CC0]  }
0xe1: {  	v13 =	vadd.f32 v14, v7;
	v8 =	vld [tilespmem:s22+$0x3CD0]  }
0xe2: {  	s23 =	sadd.s32 $0x200, s23;
	v12 =	vadd.f32 v15, v12;
	v7 =	vld [tilespmem:s22+$0x3CE0]  }
0xe3: {  	v13 =	vmax.f32 v13, $0.0e+00;
	v6 =	vadd.f32 v6, v11;
	v63 =	vld [tilespmem:s22+$0x3CF0]  }
0xe4: {  	[tilespmem:s22+$0x3C80] =	vst v13;
	v12 =	vmax.f32 v12, $0.0e+00;
	v5 =	vadd.f32 v5, v10  }
0xe5: {  	[tilespmem:s22+$0x3C90] =	vst v12;
	v6 =	vmax.f32 v6, $0.0e+00;
	v4 =	vadd.f32 v4, v9  }
0xe6: {  	[tilespmem:s22+$0x3CA0] =	vst v6;
	v5 =	vmax.f32 v5, $0.0e+00;
	v3 =	vadd.f32 v3, v8  }
0xe7: {  	[tilespmem:s22+$0x3CB0] =	vst v5;
	v4 =	vmax.f32 v4, $0.0e+00;
	v2 =	vadd.f32 v2, v7  }
0xe8: {  	[tilespmem:s22+$0x3CC0] =	vst v4;
	v3 =	vmax.f32 v3, $0.0e+00;
	v1 =	vadd.f32 v1, v63  }
0xe9: {  	s21 =	sadd.s32 $0x1, s21;
	[tilespmem:s22+$0x3CD0] =	vst v3;
	v2 =	vmax.f32 v2, $0.0e+00  }
0xea: {  	p0 =	sne.s32 s21, $0x7C;
	[tilespmem:s22+$0x3CE0] =	vst v2;
	v1 =	vmax.f32 v1, $0.0e+00  }
.Ltmp3:
0xeb: {  	[tilespmem:s22+$0x3CF0] =	vst v1;
	(pc) =	sbr.rel @p0 .LBB2_4-.Ltmp3, $4  }
0xec: {  	[spmem:s3] =	stream.indirect.scatter.add.f32 [tilespmem:s10], [sflag:$0x5], $0x80, s18, s8, $0xb8;
	[tilespmem:$0x1B880] =	vst v63  }
0xed: {  	_ =	swait.ge [sflag:s2], $0x1400  }
0xee: {  	[sflag:s2] =	ssyncset.done $0x0  }
0xef: {  	[sflag:s2] =	ssyncadd.s32 $0xFFFFEC00  }
0xf0: {  	s20 =	simm.s32 $0x26E8  }
0xf1: {  	[tilespmem:s10], [sflag:$0x2] =	stream.indirect.gather [hbm4b:s1+s8], $0x80, s20, s8, $0xb8;
	[tilespmem:$0x1B880] =	vst v63  }
0xf2: {  	s26 =	simm.s32 $0x0;
	s21 =	rddreg [dreg:$0x6]  }
0xf3: {  	[tilespmem:s11], [sflag:$0x4] =	stream.linear.gather [hbm4b:s21+s26], $0x1400, $0x38;
	[tilespmem:$0x1B880] =	vst v63  }
0xf4: {  	_ =	swait.ge [sflag:s12], $0x1400  }
0xf5: {  	[sflag:s12] =	ssyncset.done $0x0  }
0xf6: {  	[sflag:s12] =	ssyncadd.s32 $0xFFFFEC00  }
0xf7: {  	_ =	swait.ge [sflag:s14], $0x1400  }
0xf8: {  	[sflag:s14] =	ssyncset.done $0x0  }
0xf9: {  	s28 =	rddreg [dreg:$0x7];
	[sflag:s14] =	ssyncadd.s32 $0xFFFFEC00  }
0xfa: {  	[tilespmem:s15], [sflag:$0x5] =	stream.linear.gather [hbm4b:s28+s26], $0x28, $0x38;
	[tilespmem:$0x1B880] =	vst v63  }
0xfb: {  	_ =	swait.ge [sflag:s2], $0x28  }
0xfc: {  	[sflag:s2] =	ssyncset.done $0x0  }
0xfd: {  	s20 =	simm.s32 $0x0;
	[sflag:s2] =	ssyncadd.s32 $0xFFFFFFD8  }
0xfe: {  	v7 =	vld [tilespmem:s20+$0x5080]  }
0xff: {  	v12 =	vld [tilespmem:s20+$0x5090]  }
0x100: {  	v6 =	vld [tilespmem:s20+$0x50A0]  }
0x101: {  	v5 =	vld [tilespmem:s20+$0x50B0]  }
0x102: {  	v4 =	vld [tilespmem:s20+$0x50C0]  }
0x103: {  	v3 =	vld [tilespmem:s20+$0x50D0]  }
0x104: {  	v2 =	vld [tilespmem:s20+$0x50E0]  }
0x105: {  	v1 =	vld [tilespmem:s20+$0x50F0]  }
0x106: {  	v13 =	vld [tilespmem:s20+$0x2880]  }
0x107: {  	v14 =	vld [tilespmem:s20+$0x2890]  }
0x108: {  	v11 =	vld [tilespmem:s20+$0x28A0]  }
0x109: {  	v10 =	vld [tilespmem:s20+$0x28B0]  }
0x10a: {  	v9 =	vld [tilespmem:s20+$0x28C0]  }
0x10b: {  	v8 =	vld [tilespmem:s20+$0x28D0];
	v13 =	vadd.f32 v7, v13  }
0x10c: {  	s21 =	simm.s32 $0x200;
	v12 =	vadd.f32 v12, v14;
	v7 =	vld [tilespmem:s20+$0x28E0]  }
.LBB2_10:
0x10d: {  	s22 =	sshra.s32 s21, $0x2;
	p0 =	sne.s32 s21, $0x4E00;
	v13 =	vmax.f32 v13, $0.0e+00;
	v6 =	vadd.f32 v6, v11;
	v11 =	vld [tilespmem:s20+$0x28F0]  }
0x10e: {  	v14 =	vld [tilespmem:s22+$0x5080];
	[tilespmem:s20+$0x2880] =	vst v13;
	v12 =	vmax.f32 v12, $0.0e+00;
	v5 =	vadd.f32 v5, v10  }
0x10f: {  	v15 =	vld [tilespmem:s22+$0x5090];
	[tilespmem:s20+$0x2890] =	vst v12;
	v10 =	vmax.f32 v6, $0.0e+00;
	v4 =	vadd.f32 v4, v9  }
0x110: {  	v6 =	vld [tilespmem:s22+$0x50A0];
	[tilespmem:s20+$0x28A0] =	vst v10;
	v9 =	vmax.f32 v5, $0.0e+00;
	v3 =	vadd.f32 v3, v8  }
0x111: {  	v5 =	vld [tilespmem:s22+$0x50B0];
	[tilespmem:s20+$0x28B0] =	vst v9;
	v8 =	vmax.f32 v4, $0.0e+00;
	v2 =	vadd.f32 v2, v7  }
0x112: {  	v4 =	vld [tilespmem:s22+$0x50C0];
	[tilespmem:s20+$0x28C0] =	vst v8;
	v7 =	vmax.f32 v3, $0.0e+00;
	v1 =	vadd.f32 v1, v11  }
0x113: {  	v3 =	vld [tilespmem:s22+$0x50D0];
	[tilespmem:s20+$0x28D0] =	vst v7;
	v7 =	vmax.f32 v2, $0.0e+00  }
0x114: {  	v2 =	vld [tilespmem:s22+$0x50E0];
	[tilespmem:s20+$0x28E0] =	vst v7;
	v7 =	vmax.f32 v1, $0.0e+00  }
0x115: {  	v1 =	vld [tilespmem:s22+$0x50F0];
	[tilespmem:s20+$0x28F0] =	vst v7;
	s20 =	smov.u32 s22  }
0x116: {  	v7 =	vld [tilespmem:s20+$0x2880]  }
0x117: {  	v12 =	vld [tilespmem:s20+$0x2890]  }
.Ltmp4:
0x118: {  	v11 =	vld [tilespmem:s20+$0x28A0];
	(pc) =	sbr.rel @p0 .LBB2_10-.Ltmp4, $4  }
0x119: {  	v10 =	vld [tilespmem:s20+$0x28B0]  }
0x11a: {  	v9 =	vld [tilespmem:s20+$0x28C0]  }
0x11b: {  	v13 =	vadd.f32 v14, v7;
	v8 =	vld [tilespmem:s20+$0x28D0]  }
0x11c: {  	s21 =	sadd.s32 $0x200, s21;
	v12 =	vadd.f32 v15, v12;
	v7 =	vld [tilespmem:s20+$0x28E0]  }
0x11d: {  	v13 =	vmax.f32 v13, $0.0e+00;
	v6 =	vadd.f32 v6, v11;
	v11 =	vld [tilespmem:s20+$0x28F0]  }
0x11e: {  	[tilespmem:s20+$0x2880] =	vst v13;
	v12 =	vmax.f32 v12, $0.0e+00;
	v5 =	vadd.f32 v5, v10  }
0x11f: {  	[tilespmem:s20+$0x2890] =	vst v12;
	v6 =	vmax.f32 v6, $0.0e+00;
	v4 =	vadd.f32 v4, v9  }
0x120: {  	[tilespmem:s20+$0x28A0] =	vst v6;
	v5 =	vmax.f32 v5, $0.0e+00;
	v3 =	vadd.f32 v3, v8  }
0x121: {  	[tilespmem:s20+$0x28B0] =	vst v5;
	v4 =	vmax.f32 v4, $0.0e+00;
	v2 =	vadd.f32 v2, v7  }
0x122: {  	[tilespmem:s20+$0x28C0] =	vst v4;
	v3 =	vmax.f32 v3, $0.0e+00;
	v1 =	vadd.f32 v1, v11  }
0x123: {  	[tilespmem:s20+$0x28D0] =	vst v3;
	v2 =	vmax.f32 v2, $0.0e+00  }
0x124: {  	[tilespmem:s20+$0x28E0] =	vst v2;
	v1 =	vmax.f32 v1, $0.0e+00  }
0x125: {  	[tilespmem:s20+$0x28F0] =	vst v1  }
0x126: {  	[spmem:s3] =	stream.indirect.scatter.add.f32 [tilespmem:s0], [sflag:$0x5], $0x80, s15, s8, $0xb8;
	[tilespmem:$0x1B880] =	vst v63  }
0x127: {  	_ =	swait.ge [sflag:s2], $0x1400  }
0x128: {  	[sflag:s2] =	ssyncset.done $0x0  }
0x129: {  	[sflag:s2] =	ssyncadd.s32 $0xFFFFEC00  }
0x12a: {  	_ =	swait.ge [sflag:s16], $0x1400  }
0x12b: {  	[sflag:s16] =	ssyncset.done $0x0  }
0x12c: {  	[sflag:s16] =	ssyncadd.s32 $0xFFFFEC00  }
0x12d: {  	_ =	swait.ge [sflag:s17], $0x1400  }
0x12e: {  	[sflag:s17] =	ssyncset.done $0x0  }
0x12f: {  	s28 =	simm.s32 $0x0;
	s21 =	rddreg [dreg:$0x8];
	[sflag:s17] =	ssyncadd.s32 $0xFFFFEC00  }
0x130: {  	[tilespmem:s18], [sflag:$0x5] =	stream.linear.gather [hbm4b:s21+s28], $0x28, $0x38;
	[tilespmem:$0x1B880] =	vst v63  }
0x131: {  	_ =	swait.ge [sflag:s2], $0x28  }
0x132: {  	[sflag:s2] =	ssyncset.done $0x0  }
0x133: {  	s20 =	simm.s32 $0x0;
	[sflag:s2] =	ssyncadd.s32 $0xFFFFFFD8  }
0x134: {  	v7 =	vld [tilespmem:s20+$0x6480]  }
0x135: {  	v12 =	vld [tilespmem:s20+$0x6490]  }
0x136: {  	v6 =	vld [tilespmem:s20+$0x64A0]  }
0x137: {  	v5 =	vld [tilespmem:s20+$0x64B0]  }
0x138: {  	v4 =	vld [tilespmem:s20+$0x64C0]  }
0x139: {  	v3 =	vld [tilespmem:s20+$0x64D0]  }
0x13a: {  	v2 =	vld [tilespmem:s20+$0x64E0]  }
0x13b: {  	v1 =	vld [tilespmem:s20+$0x64F0]  }
0x13c: {  	v13 =	vld [tilespmem:s20+$0x3C80]  }
0x13d: {  	v14 =	vld [tilespmem:s20+$0x3C90]  }
0x13e: {  	v11 =	vld [tilespmem:s20+$0x3CA0]  }
0x13f: {  	v10 =	vld [tilespmem:s20+$0x3CB0]  }
0x140: {  	v9 =	vld [tilespmem:s20+$0x3CC0]  }
0x141: {  	v8 =	vld [tilespmem:s20+$0x3CD0];
	v13 =	vadd.f32 v7, v13  }
0x142: {  	s21 =	simm.s32 $0x200;
	v12 =	vadd.f32 v12, v14;
	v7 =	vld [tilespmem:s20+$0x3CE0]  }
.LBB2_12:
0x143: {  	s22 =	sshra.s32 s21, $0x2;
	p0 =	sne.s32 s21, $0x4E00;
	v13 =	vmax.f32 v13, $0.0e+00;
	v6 =	vadd.f32 v6, v11;
	v11 =	vld [tilespmem:s20+$0x3CF0]  }
0x144: {  	v14 =	vld [tilespmem:s22+$0x6480];
	[tilespmem:s20+$0x3C80] =	vst v13;
	v12 =	vmax.f32 v12, $0.0e+00;
	v5 =	vadd.f32 v5, v10  }
0x145: {  	v15 =	vld [tilespmem:s22+$0x6490];
	[tilespmem:s20+$0x3C90] =	vst v12;
	v10 =	vmax.f32 v6, $0.0e+00;
	v4 =	vadd.f32 v4, v9  }
0x146: {  	v6 =	vld [tilespmem:s22+$0x64A0];
	[tilespmem:s20+$0x3CA0] =	vst v10;
	v9 =	vmax.f32 v5, $0.0e+00;
	v3 =	vadd.f32 v3, v8  }
0x147: {  	v5 =	vld [tilespmem:s22+$0x64B0];
	[tilespmem:s20+$0x3CB0] =	vst v9;
	v8 =	vmax.f32 v4, $0.0e+00;
	v2 =	vadd.f32 v2, v7  }
0x148: {  	v4 =	vld [tilespmem:s22+$0x64C0];
	[tilespmem:s20+$0x3CC0] =	vst v8;
	v7 =	vmax.f32 v3, $0.0e+00;
	v1 =	vadd.f32 v1, v11  }
0x149: {  	v3 =	vld [tilespmem:s22+$0x64D0];
	[tilespmem:s20+$0x3CD0] =	vst v7;
	v7 =	vmax.f32 v2, $0.0e+00  }
0x14a: {  	v2 =	vld [tilespmem:s22+$0x64E0];
	[tilespmem:s20+$0x3CE0] =	vst v7;
	v7 =	vmax.f32 v1, $0.0e+00  }
0x14b: {  	v1 =	vld [tilespmem:s22+$0x64F0];
	[tilespmem:s20+$0x3CF0] =	vst v7;
	s20 =	smov.u32 s22  }
0x14c: {  	v7 =	vld [tilespmem:s20+$0x3C80]  }
0x14d: {  	v12 =	vld [tilespmem:s20+$0x3C90]  }
.Ltmp5:
0x14e: {  	v11 =	vld [tilespmem:s20+$0x3CA0];
	(pc) =	sbr.rel @p0 .LBB2_12-.Ltmp5, $4  }
0x14f: {  	v10 =	vld [tilespmem:s20+$0x3CB0]  }
0x150: {  	v9 =	vld [tilespmem:s20+$0x3CC0]  }
0x151: {  	v13 =	vadd.f32 v14, v7;
	v8 =	vld [tilespmem:s20+$0x3CD0]  }
0x152: {  	s21 =	sadd.s32 $0x200, s21;
	v12 =	vadd.f32 v15, v12;
	v7 =	vld [tilespmem:s20+$0x3CE0]  }
0x153: {  	v13 =	vmax.f32 v13, $0.0e+00;
	v6 =	vadd.f32 v6, v11;
	v63 =	vld [tilespmem:s20+$0x3CF0]  }
0x154: {  	[tilespmem:s20+$0x3C80] =	vst v13;
	v12 =	vmax.f32 v12, $0.0e+00;
	v5 =	vadd.f32 v5, v10  }
0x155: {  	[tilespmem:s20+$0x3C90] =	vst v12;
	v6 =	vmax.f32 v6, $0.0e+00;
	v4 =	vadd.f32 v4, v9  }
0x156: {  	[tilespmem:s20+$0x3CA0] =	vst v6;
	v5 =	vmax.f32 v5, $0.0e+00;
	v3 =	vadd.f32 v3, v8  }
0x157: {  	[tilespmem:s20+$0x3CB0] =	vst v5;
	v4 =	vmax.f32 v4, $0.0e+00;
	v2 =	vadd.f32 v2, v7  }
0x158: {  	[tilespmem:s20+$0x3CC0] =	vst v4;
	v3 =	vmax.f32 v3, $0.0e+00;
	v1 =	vadd.f32 v1, v63  }
0x159: {  	[tilespmem:s20+$0x3CD0] =	vst v3;
	v2 =	vmax.f32 v2, $0.0e+00  }
0x15a: {  	[tilespmem:s20+$0x3CE0] =	vst v2;
	v1 =	vmax.f32 v1, $0.0e+00  }
0x15b: {  	[tilespmem:s20+$0x3CF0] =	vst v1  }
0x15c: {  	[spmem:s3] =	stream.indirect.scatter.add.f32 [tilespmem:s10], [sflag:$0x5], $0x80, s18, s8, $0xb8;
	[tilespmem:$0x1B880] =	vst v63  }
0x15d: {  	_ =	swait.ge [sflag:s2], $0x1400  }
0x15e: {  	[sflag:s2] =	ssyncset.done $0x0  }
0x15f: {  	[sflag:s2] =	ssyncadd.s32 $0xFFFFEC00  }
0x160: {  	[bflag:$0x0] =	sbarrier.arrive $0xFFFF  }
0x161: {  	[tilespmem:s0], [sflag:$0x5] =	stream.linear.gather [spmem:s13], $0x1400, $0x38;
	[tilespmem:$0x1B880] =	vst v63  }
0x162: {  	_ =	swait.ge [sflag:s2], $0x1400  }
0x163: {  	[sflag:s2] =	ssyncset.done $0x0  }
0x164: {  	s28 =	sadd.s32 $0x0, s24;
	[sflag:s2] =	ssyncadd.s32 $0xFFFFEC00  }
0x165: {  	[hbm4b:s28+s5] =	stream.linear.scatter [tilespmem:s0], [sflag:$0x5], $0x1400, $0x38;
	[tilespmem:$0x1B880] =	vst v63  }
0x166: {  	_ =	swait.ge [sflag:s2], $0x1400  }
0x167: {  	s21 =	smov.u32 s13;
	s20 =	simm.s32 $0x280;
	[sflag:s2] =	ssyncset.done $0x0  }
.LBB2_14:
0x168: {  	p0 =	sne.s32 s20, $0x2580;
	[sflag:s2] =	ssyncadd.s32 $0xFFFFEC00;
	s21 =	sadd.s32 $0x1400, s21  }
0x169: {  	[tilespmem:s0], [sflag:$0x5] =	stream.linear.gather [spmem:s21], $0x1400, $0x38;
	[tilespmem:$0x1B880] =	vst v63  }
0x16a: {  	s22 =	smov.u32 s20;
	s20 =	sadd.s32 $0x280, s20;
	_ =	swait.ge [sflag:s2], $0x1400  }
.Ltmp6:
0x16b: {  	[sflag:s2] =	ssyncset.done $0x0;
	(pc) =	sbr.rel @p0 .LBB2_14-.Ltmp6, $4  }
0x16c: {  	s22 =	sadd.s32 s22, s24;
	[sflag:s2] =	ssyncadd.s32 $0xFFFFEC00  }
0x16d: {  	[hbm4b:s22+s5] =	stream.linear.scatter [tilespmem:s0], [sflag:$0x5], $0x1400, $0x38;
	[tilespmem:$0x1B880] =	vst v63  }
0x16e: {  	_ =	swait.ge [sflag:s2], $0x1400  }
0x16f: {  	[sflag:s2] =	ssyncset.done $0x0  }
0x170: {  	s19 =	sadd.s32 $0x1, s19;
	s20 =	rddreg [dreg:$0x9]  }
0x171: {  	p0 =	sne.s32 s19, s20  }
.Ltmp7:
0x172: {  	_ = 	snop;
	(pc) =	sbr.rel @p0 .LBB2_1-.Ltmp7, $2  }
0x173: {  	_ =	sdelay $0x2  }
0x174: {  	[sflag:s2] =	ssyncadd.s32 $0xFFFFEC00  }
0x175: {  	_ =	sfence.sel $0x180000  }
0x176: {  	[bflag:$0x0] =	sbarrier.arrive $0xFFFF  }
0x177: {  	_ =	strace $0x90000047  }
0x178: {  	s0 =	stileid.u32;
	[bflag:$0x2] =	sbarrier.arrive $0xFFFF  }
0x179: {  	p0 =	sne.s32 s0, $0x0;
	s0 =	rddreg [dreg:$0x3]  }
0x17a: {  	s0 =	sadd.s32 @!p0 $0x100000, s0  }
0x17b: {  	[sflag:s0] =	ssyncadd.tile.s32 @!p0 $0x1;
	_ =	shalt  }
.Lfunc_end2:
_tile_overlayer_lowered:
.L_overlay_start_2:
0x17c: {  	(tag) =	ssettag $0x2  }
0x17d: {  	s0 =	rddreg [dreg:$0x0];
	s2 =	stileid.u32  }
0x17e: {  	s1 =	rddreg [dreg:$0x1];
	p0 =	sne.s32 s2, $0x0  }
0x17f: {  	s3 =	rddreg [dreg:$0x2];
	[bflag:$0x3] =	sbarrier.arrive $0xFFFF;
	s2 =	simm.s32 @!p0 $0x1C05  }
0x180: {  	[timem:s3], [sflag:s2] =	dma.local @!p0 [hbm:s0], s1  }
0x181: {  	s0 =	simm.s32 @!p0 $0x5  }
0x182: {  	_ =	swait.ge @!p0 [sflag:s0], s1  }
0x183: {  	s1 =	ssub.s32 @!p0 $0x0, s1;
	[sflag:s0] =	ssyncset.done @!p0 $0x0  }
0x184: {  	[sflag:s0] =	ssyncadd.s32 @!p0 s1  }
0x185: {  	[bflag:$0x3] =	sbarrier.arrive $0xFFFF  }
0x186: {  	_ =	shalt  }

</sc_bundles>
